<compile_context>
chip_gen: v7x
topology: tpu7x:2x2x1
jax: 0.10.2.dev20260603
libtpu: 0.0.44.dev20260713+nightly
codegen_flags: <defaults>
</compile_context>

<pallas_src>
import functools

import jax
import jax.numpy as jnp
from jax import lax
from jax.experimental import pallas as pl
from jax.experimental.pallas import tpu as pltpu
from jax.experimental.pallas import tpu_sc as plsc

_E = 8
_H = 2048
_I = 2048
_T = 64
_JITTER = 0.01
_BI = 512
_NB = _I // _BI
_L = 16
_NG = _T // _L


def _nt_dot(a, b):
    return jax.lax.dot_general(a, b, (((1,), (1,)), ((), ())),
                               preferred_element_type=jnp.float32)


def _logits_body(x_ref, g_ref, o_ref):
    o_ref[...] = _nt_dot(g_ref[...], x_ref[...])


def _sc_route_body(logits_hbm, out_hbm, lv, ov):
    wid = lax.axis_index("s") * 2 + lax.axis_index("c")

    @pl.when(wid == 0)
    def _():
        pltpu.sync_copy(logits_hbm, lv)
        thr = jnp.float32(2.0 * _JITTER)
        for g in range(_NG):
            sl = pl.ds(g * _L, _L)
            s = [lv[e, sl] for e in range(_E)]
            mlt = s[0]
            for e in range(1, _E):
                mlt = jnp.maximum(mlt, s[e])
            ind1 = jnp.full((_L,), _E - 1, jnp.int32)
            for e in range(_E - 2, -1, -1):
                ind1 = jnp.where(s[e] == mlt, jnp.int32(e), ind1)
            sum1 = jnp.zeros((_L,), jnp.float32)
            for e in range(_E):
                factor = jnp.maximum(jnp.abs(s[e]), mlt)
                masked = (mlt - s[e]) > thr * factor
                sum1 += jnp.where(masked, 0.0, jnp.exp(s[e] - mlt))
            m1 = 1.0 / sum1
            ms = [jnp.where(ind1 == e, jnp.float32(-1e30), s[e])
                  for e in range(_E)]
            mlt2 = ms[0]
            for e in range(1, _E):
                mlt2 = jnp.maximum(mlt2, ms[e])
            ind2 = jnp.full((_L,), _E - 1, jnp.int32)
            for e in range(_E - 2, -1, -1):
                ind2 = jnp.where(ms[e] == mlt2, jnp.int32(e), ind2)
            sum2 = jnp.zeros((_L,), jnp.float32)
            for e in range(_E):
                factor2 = jnp.maximum(jnp.abs(s[e]), mlt2)
                masked2 = ((mlt2 - s[e]) > thr * factor2) | (ind1 == e)
                sum2 += jnp.where(masked2, 0.0, jnp.exp(s[e] - mlt2))
            m2 = 1.0 / sum2
            for e in range(_E):
                r = (jnp.where(ind1 == e, m1, 0.0)
                     + jnp.where(ind2 == e, m2, 0.0))
                ov[e, sl] = r
        pltpu.sync_copy(ov, out_hbm)


def _moe_body(x_ref, rt_ref, w1_ref, w3_ref, w2_ref, out_ref):
    e = pl.program_id(0)
    i = pl.program_id(1)

    @pl.when((e == 0) & (i == 0))
    def _init():
        out_ref[...] = jnp.zeros_like(out_ref)

    x = x_ref[...]
    h1 = _nt_dot(x, w1_ref[0, 0])
    h3 = _nt_dot(x, w3_ref[0, 0])
    act = h1 * jax.nn.sigmoid(h1) * h3
    oh = (jax.lax.broadcasted_iota(jnp.int32, (1, _E), 1) == e
          ).astype(jnp.float32)
    scale = jax.lax.dot_general(rt_ref[...], oh, (((0,), (1,)), ((), ())),
                                preferred_element_type=jnp.float32)
    out_ref[...] += _nt_dot(scale * act, w2_ref[0])


def kernel(hidden_states, gate_w, ws, w2s):
    logits = pl.pallas_call(
        _logits_body,
        out_shape=jax.ShapeDtypeStruct((_E, _T), jnp.float32),
    )(hidden_states, gate_w)

    mesh = plsc.VectorSubcoreMesh(core_axis_name="c", subcore_axis_name="s")
    routing = functools.partial(
        pl.kernel,
        mesh=mesh,
        out_type=jax.ShapeDtypeStruct((_E, _T), jnp.float32),
        scratch_types=[
            pltpu.VMEM((_E, _T), jnp.float32),
            pltpu.VMEM((_E, _T), jnp.float32),
        ],
    )(_sc_route_body)(logits)

    ws4 = ws.reshape(_E, 2, _I, _H)
    grid = (_E, _NB)
    return pl.pallas_call(
        _moe_body,
        grid=grid,
        in_specs=[
            pl.BlockSpec((_T, _H), lambda e, i: (0, 0)),
            pl.BlockSpec((_E, _T), lambda e, i: (0, 0)),
            pl.BlockSpec((1, 1, _BI, _H), lambda e, i: (e, 0, i, 0)),
            pl.BlockSpec((1, 1, _BI, _H), lambda e, i: (e, 1, i, 0)),
            pl.BlockSpec((1, _H, _BI), lambda e, i: (e, 0, i)),
        ],
        out_specs=pl.BlockSpec((_T, _H), lambda e, i: (0, 0)),
        out_shape=jax.ShapeDtypeStruct((_T, _H), jnp.float32),
    )(hidden_states, routing, ws4, ws4, w2s)

# --- scband reference (transcript-rebuilt; emitter-appended) ---
"""Pipeline reference for scband-phi-mo-e-7516192768997 (READ-ONLY COPY).

The authoritative reference and input builder live on the scoring server;
editing this copy changes nothing except your own understanding.
"""

import jax, jax.numpy as jnp
import numpy as np

NUM_EXPERTS = 8
TOP_K = 2
HIDDEN = 2048
INTER = 2048
TOKENS = 64
JITTER_EPS = 0.01


def setup_inputs(seed: int = 0) -> dict:
    key = jax.random.key(seed)
    k1, k2, k3, k4 = jax.random.split(key, 4)
    hidden_states = jax.random.normal(k1, (TOKENS, HIDDEN), dtype=jnp.float32)
    gate_w = jax.random.normal(k2, (NUM_EXPERTS, HIDDEN), dtype=jnp.float32) * 0.02
    ws = jax.random.normal(k3, (NUM_EXPERTS, 2 * INTER, HIDDEN), dtype=jnp.float32) * 0.02
    w2s = jax.random.normal(k4, (NUM_EXPERTS, HIDDEN, INTER), dtype=jnp.float32) * 0.02
    return {"hidden_states": hidden_states, "gate_w": gate_w, "ws": ws, "w2s": w2s}


def _sparsemixer(scores, jitter_eps=JITTER_EPS):
    # top-1
    mlt = jnp.max(scores, axis=-1, keepdims=True)
    max_ind = jnp.argmax(scores, axis=-1)
    factor = jnp.maximum(jnp.abs(scores), mlt)  # scores.abs().clamp(min=mlt)
    mask = (mlt - scores) / factor > 2.0 * jitter_eps
    masked_gates = jnp.where(mask, -jnp.inf, scores)
    masked_gates = jax.nn.softmax(masked_gates, axis=-1)
    m1 = jnp.take_along_axis(masked_gates, max_ind[:, None], axis=-1)
    # mask out top-1 expert (scatter -inf)
    oh1 = jax.nn.one_hot(max_ind, scores.shape[-1]) > 0.5
    masked_scores = jnp.where(oh1, -jnp.inf, scores)
    # top-2
    mlt2 = jnp.max(masked_scores, axis=-1, keepdims=True)
    ind2 = jnp.argmax(masked_scores, axis=-1)
    factor2 = jnp.maximum(jnp.abs(scores), mlt2)
    mask2 = (mlt2 - scores) / factor2 > 2.0 * jitter_eps
    masked_gates2 = jnp.where(mask2, -jnp.inf, masked_scores)
    masked_gates2 = jax.nn.softmax(masked_gates2, axis=-1)
    m2 = jnp.take_along_axis(masked_gates2, ind2[:, None], axis=-1)
    multiplier = jnp.concatenate([m1, m2], axis=-1)
    selected = jnp.stack([max_ind, ind2], axis=-1)
    return multiplier, selected


def reference(hidden_states, gate_w, ws, w2s):
    # gate (ReplicatedLinear, no bias)
    router_logits = hidden_states @ gate_w.T  # [T, E]
    multiplier, selected = _sparsemixer(router_logits)
    E = ws.shape[0]
    I = ws.shape[1] // 2
    w1 = ws[:, :I, :]   # [E, I, H]
    w3 = ws[:, I:, :]   # [E, I, H]
    # fused_moe math (renormalize=False): silu(x W1^T) * (x W3^T) then W2^T
    h1 = jnp.einsum('td,eid->tei', hidden_states, w1)
    h3 = jnp.einsum('td,eid->tei', hidden_states, w3)
    act = jax.nn.silu(h1) * h3                       # [T, E, I]
    expert_out = jnp.einsum('tei,ehi->teh', act, w2s)  # [T, E, H]
    routing = (jax.nn.one_hot(selected[:, 0], E) * multiplier[:, 0:1]
               + jax.nn.one_hot(selected[:, 1], E) * multiplier[:, 1:2])  # [T, E]
    out = jnp.einsum('te,teh->th', routing, expert_out)
    return out

if __name__ == "__main__":
    import jax
    _d = setup_inputs()
    print(jax.jit(kernel)(*tuple(_d.values())))

</pallas_src>

<mosaic_0001>
#map = affine_map<(d0, d1) -> (0, 0)>
module attributes {stable_mosaic.version = 14 : i64} {
  func.func @_sc_route_body(%arg0: i32, %arg1: i32, %arg2: memref<8x64xf32, #tpu.memory_space<hbm>>, %arg3: memref<8x64xf32, #tpu.memory_space<hbm>>, %arg4: memref<8x64xf32, #tpu.memory_space<vmem>>, %arg5: memref<8x64xf32, #tpu.memory_space<vmem>>) attributes {dimension_semantics = [#tpu.dimension_semantics<core_parallel>, #tpu.dimension_semantics<subcore_parallel>], iteration_bounds = array<i64: 2, 16>, scalar_prefetch = 0 : i64, scratch_operands = 2 : i64, tpu.core_type = #tpu.core_type<sc_vector_subcore>, window_params = [{transform_indices = #map}, {transform_indices = #map}]} {
    %mul3A = arith.constant 2 : i32
    %mul3A_0 = arith.muli %arg1, %mul3A : i32
    %add3A = arith.addi %mul3A_0, %arg0 : i32
    %eq3A = arith.constant 0 : i32
    %eq3A_1 = arith.cmpi eq, %add3A, %eq3A : i32
    %convert_element_type3A = arith.extui %eq3A_1 : i1 to i32
    %cond3A = arith.constant 0 : i32
    %cond3A_2 = arith.cmpi ne, %convert_element_type3A, %cond3A : i32
    scf.if %cond3A_2 {
      "tpu.region"() ({
        %run_scoped3A = tpu.sem_alloc : memref<!tpu.dma_semaphore, #tpu.memory_space<semaphore_mem>>
        tpu.enqueue_dma source(%arg2 : memref<8x64xf32, #tpu.memory_space<hbm>>) target(%arg4 : memref<8x64xf32, #tpu.memory_space<vmem>>) target_semaphore(%run_scoped3A : memref<!tpu.dma_semaphore, #tpu.memory_space<semaphore_mem>>)
        tpu.wait_dma2 semaphore(%run_scoped3A : memref<!tpu.dma_semaphore, #tpu.memory_space<semaphore_mem>>) src(%arg2 : memref<8x64xf32, #tpu.memory_space<hbm>>) dst(%arg4 : memref<8x64xf32, #tpu.memory_space<vmem>>)
        tpu.yield
      }) : () -> ()
      %get3A = arith.constant 0 : i32
      %get3A_3 = arith.index_cast %get3A : i32 to index
      %get3A_4 = arith.constant 0 : index
      %get3A_5 = tpu.vector_load %arg4[%get3A_3, %get3A_4] {strides = array<i32>} : memref<8x64xf32, #tpu.memory_space<vmem>>, vector<1x16xf32>,
      %get3A_6 = vector.shape_cast %get3A_5 : vector<1x16xf32> to vector<16xf32>
      %get3A_7 = arith.constant 1 : i32
      %get3A_8 = arith.index_cast %get3A_7 : i32 to index
      %get3A_9 = arith.constant 0 : index
      %get3A_10 = tpu.vector_load %arg4[%get3A_8, %get3A_9] {strides = array<i32>} : memref<8x64xf32, #tpu.memory_space<vmem>>, vector<1x16xf32>,
      %get3A_11 = vector.shape_cast %get3A_10 : vector<1x16xf32> to vector<16xf32>
      %get3A_12 = arith.constant 2 : i32
      %get3A_13 = arith.index_cast %get3A_12 : i32 to index
      %get3A_14 = arith.constant 0 : index
      %get3A_15 = tpu.vector_load %arg4[%get3A_13, %get3A_14] {strides = array<i32>} : memref<8x64xf32, #tpu.memory_space<vmem>>, vector<1x16xf32>,
      %get3A_16 = vector.shape_cast %get3A_15 : vector<1x16xf32> to vector<16xf32>
      %get3A_17 = arith.constant 3 : i32
      %get3A_18 = arith.index_cast %get3A_17 : i32 to index
      %get3A_19 = arith.constant 0 : index
      %get3A_20 = tpu.vector_load %arg4[%get3A_18, %get3A_19] {strides = array<i32>} : memref<8x64xf32, #tpu.memory_space<vmem>>, vector<1x16xf32>,
      %get3A_21 = vector.shape_cast %get3A_20 : vector<1x16xf32> to vector<16xf32>
      %get3A_22 = arith.constant 4 : i32
      %get3A_23 = arith.index_cast %get3A_22 : i32 to index
      %get3A_24 = arith.constant 0 : index
      %get3A_25 = tpu.vector_load %arg4[%get3A_23, %get3A_24] {strides = array<i32>} : memref<8x64xf32, #tpu.memory_space<vmem>>, vector<1x16xf32>,
      %get3A_26 = vector.shape_cast %get3A_25 : vector<1x16xf32> to vector<16xf32>
      %get3A_27 = arith.constant 5 : i32
      %get3A_28 = arith.index_cast %get3A_27 : i32 to index
      %get3A_29 = arith.constant 0 : index
      %get3A_30 = tpu.vector_load %arg4[%get3A_28, %get3A_29] {strides = array<i32>} : memref<8x64xf32, #tpu.memory_space<vmem>>, vector<1x16xf32>,
      %get3A_31 = vector.shape_cast %get3A_30 : vector<1x16xf32> to vector<16xf32>
      %get3A_32 = arith.constant 6 : i32
      %get3A_33 = arith.index_cast %get3A_32 : i32 to index
      %get3A_34 = arith.constant 0 : index
      %get3A_35 = tpu.vector_load %arg4[%get3A_33, %get3A_34] {strides = array<i32>} : memref<8x64xf32, #tpu.memory_space<vmem>>, vector<1x16xf32>,
      %get3A_36 = vector.shape_cast %get3A_35 : vector<1x16xf32> to vector<16xf32>
      %get3A_37 = arith.constant 7 : i32
      %get3A_38 = arith.index_cast %get3A_37 : i32 to index
      %get3A_39 = arith.constant 0 : index
      %get3A_40 = tpu.vector_load %arg4[%get3A_38, %get3A_39] {strides = array<i32>} : memref<8x64xf32, #tpu.memory_space<vmem>>, vector<1x16xf32>,
      %get3A_41 = vector.shape_cast %get3A_40 : vector<1x16xf32> to vector<16xf32>
      %max3A = arith.maximumf %get3A_6, %get3A_11 : vector<16xf32>
      %max3A_42 = arith.maximumf %max3A, %get3A_16 : vector<16xf32>
      %max3A_43 = arith.maximumf %max3A_42, %get3A_21 : vector<16xf32>
      %max3A_44 = arith.maximumf %max3A_43, %get3A_26 : vector<16xf32>
      %max3A_45 = arith.maximumf %max3A_44, %get3A_31 : vector<16xf32>
      %max3A_46 = arith.maximumf %max3A_45, %get3A_36 : vector<16xf32>
      %max3A_47 = arith.maximumf %max3A_46, %get3A_41 : vector<16xf32>
      %broadcast_in_dim3A = arith.constant 7 : i32
      %broadcast_in_dim3A_48 = vector.broadcast %broadcast_in_dim3A : i32 to vector<16xi32>
      %eq3A_49 = arith.cmpf oeq, %get3A_36, %max3A_47 : vector<16xf32>
      %jit3A = arith.constant 6 : i32
      %broadcast_in_dim3A_50 = vector.broadcast %jit3A : i32 to vector<16xi32>
      %select_n3A = arith.select %eq3A_49, %broadcast_in_dim3A_50, %broadcast_in_dim3A_48 : vector<16xi1>, vector<16xi32>
      %eq3A_51 = arith.cmpf oeq, %get3A_31, %max3A_47 : vector<16xf32>
      %jit3A_52 = arith.constant 5 : i32
      %broadcast_in_dim3A_53 = vector.broadcast %jit3A_52 : i32 to vector<16xi32>
      %select_n3A_54 = arith.select %eq3A_51, %broadcast_in_dim3A_53, %select_n3A : vector<16xi1>, vector<16xi32>
      %eq3A_55 = arith.cmpf oeq, %get3A_26, %max3A_47 : vector<16xf32>
      %jit3A_56 = arith.constant 4 : i32
      %broadcast_in_dim3A_57 = vector.broadcast %jit3A_56 : i32 to vector<16xi32>
      %select_n3A_58 = arith.select %eq3A_55, %broadcast_in_dim3A_57, %select_n3A_54 : vector<16xi1>, vector<16xi32>
      %eq3A_59 = arith.cmpf oeq, %get3A_21, %max3A_47 : vector<16xf32>
      %jit3A_60 = arith.constant 3 : i32
      %broadcast_in_dim3A_61 = vector.broadcast %jit3A_60 : i32 to vector<16xi32>
      %select_n3A_62 = arith.select %eq3A_59, %broadcast_in_dim3A_61, %select_n3A_58 : vector<16xi1>, vector<16xi32>
      %eq3A_63 = arith.cmpf oeq, %get3A_16, %max3A_47 : vector<16xf32>
      %jit3A_64 = arith.constant 2 : i32
      %broadcast_in_dim3A_65 = vector.broadcast %jit3A_64 : i32 to vector<16xi32>
      %select_n3A_66 = arith.select %eq3A_63, %broadcast_in_dim3A_65, %select_n3A_62 : vector<16xi1>, vector<16xi32>
      %eq3A_67 = arith.cmpf oeq, %get3A_11, %max3A_47 : vector<16xf32>
      %jit3A_68 = arith.constant 1 : i32
      %broadcast_in_dim3A_69 = vector.broadcast %jit3A_68 : i32 to vector<16xi32>
      %select_n3A_70 = arith.select %eq3A_67, %broadcast_in_dim3A_69, %select_n3A_66 : vector<16xi1>, vector<16xi32>
      %eq3A_71 = arith.cmpf oeq, %get3A_6, %max3A_47 : vector<16xf32>
      %jit3A_72 = arith.constant 0 : i32
      %broadcast_in_dim3A_73 = vector.broadcast %jit3A_72 : i32 to vector<16xi32>
      %select_n3A_74 = arith.select %eq3A_71, %broadcast_in_dim3A_73, %select_n3A_70 : vector<16xi1>, vector<16xi32>
      %broadcast_in_dim3A_75 = arith.constant 0.000000e+00 : f32
      %broadcast_in_dim3A_76 = vector.broadcast %broadcast_in_dim3A_75 : f32 to vector<16xf32>
      %abs3A = math.absf %get3A_6 : vector<16xf32>
      %max3A_77 = arith.maximumf %abs3A, %max3A_47 : vector<16xf32>
      %sub3A = arith.subf %max3A_47, %get3A_6 : vector<16xf32>
      %mul3A_78 = arith.constant 2.000000e-02 : f32
      %mul3A_79 = vector.broadcast %mul3A_78 : f32 to vector<16xf32>
      %mul3A_80 = arith.mulf %mul3A_79, %max3A_77 : vector<16xf32>
      %gt3A = arith.cmpf ogt, %sub3A, %mul3A_80 : vector<16xf32>
      %sub3A_81 = arith.subf %get3A_6, %max3A_47 : vector<16xf32>
      %exp3A = math.exp %sub3A_81 : vector<16xf32>
      %jit3A_82 = arith.constant 0.000000e+00 : f32
      %broadcast_in_dim3A_83 = vector.broadcast %jit3A_82 : f32 to vector<16xf32>
      %select_n3A_84 = arith.select %gt3A, %broadcast_in_dim3A_83, %exp3A : vector<16xi1>, vector<16xf32>
      %add3A_85 = arith.addf %broadcast_in_dim3A_76, %select_n3A_84 : vector<16xf32>
      %abs3A_86 = math.absf %get3A_11 : vector<16xf32>
      %max3A_87 = arith.maximumf %abs3A_86, %max3A_47 : vector<16xf32>
      %sub3A_88 = arith.subf %max3A_47, %get3A_11 : vector<16xf32>
      %mul3A_89 = arith.constant 2.000000e-02 : f32
      %mul3A_90 = vector.broadcast %mul3A_89 : f32 to vector<16xf32>
      %mul3A_91 = arith.mulf %mul3A_90, %max3A_87 : vector<16xf32>
      %gt3A_92 = arith.cmpf ogt, %sub3A_88, %mul3A_91 : vector<16xf32>
      %sub3A_93 = arith.subf %get3A_11, %max3A_47 : vector<16xf32>
      %exp3A_94 = math.exp %sub3A_93 : vector<16xf32>
      %jit3A_95 = arith.constant 0.000000e+00 : f32
      %broadcast_in_dim3A_96 = vector.broadcast %jit3A_95 : f32 to vector<16xf32>
      %select_n3A_97 = arith.select %gt3A_92, %broadcast_in_dim3A_96, %exp3A_94 : vector<16xi1>, vector<16xf32>
      %add3A_98 = arith.addf %add3A_85, %select_n3A_97 : vector<16xf32>
      %abs3A_99 = math.absf %get3A_16 : vector<16xf32>
      %max3A_100 = arith.maximumf %abs3A_99, %max3A_47 : vector<16xf32>
      %sub3A_101 = arith.subf %max3A_47, %get3A_16 : vector<16xf32>
      %mul3A_102 = arith.constant 2.000000e-02 : f32
      %mul3A_103 = vector.broadcast %mul3A_102 : f32 to vector<16xf32>
      %mul3A_104 = arith.mulf %mul3A_103, %max3A_100 : vector<16xf32>
      %gt3A_105 = arith.cmpf ogt, %sub3A_101, %mul3A_104 : vector<16xf32>
      %sub3A_106 = arith.subf %get3A_16, %max3A_47 : vector<16xf32>
      %exp3A_107 = math.exp %sub3A_106 : vector<16xf32>
      %jit3A_108 = arith.constant 0.000000e+00 : f32
      %broadcast_in_dim3A_109 = vector.broadcast %jit3A_108 : f32 to vector<16xf32>
      %select_n3A_110 = arith.select %gt3A_105, %broadcast_in_dim3A_109, %exp3A_107 : vector<16xi1>, vector<16xf32>
      %add3A_111 = arith.addf %add3A_98, %select_n3A_110 : vector<16xf32>
      %abs3A_112 = math.absf %get3A_21 : vector<16xf32>
      %max3A_113 = arith.maximumf %abs3A_112, %max3A_47 : vector<16xf32>
      %sub3A_114 = arith.subf %max3A_47, %get3A_21 : vector<16xf32>
      %mul3A_115 = arith.constant 2.000000e-02 : f32
      %mul3A_116 = vector.broadcast %mul3A_115 : f32 to vector<16xf32>
      %mul3A_117 = arith.mulf %mul3A_116, %max3A_113 : vector<16xf32>
      %gt3A_118 = arith.cmpf ogt, %sub3A_114, %mul3A_117 : vector<16xf32>
      %sub3A_119 = arith.subf %get3A_21, %max3A_47 : vector<16xf32>
      %exp3A_120 = math.exp %sub3A_119 : vector<16xf32>
      %jit3A_121 = arith.constant 0.000000e+00 : f32
      %broadcast_in_dim3A_122 = vector.broadcast %jit3A_121 : f32 to vector<16xf32>
      %select_n3A_123 = arith.select %gt3A_118, %broadcast_in_dim3A_122, %exp3A_120 : vector<16xi1>, vector<16xf32>
      %add3A_124 = arith.addf %add3A_111, %select_n3A_123 : vector<16xf32>
      %abs3A_125 = math.absf %get3A_26 : vector<16xf32>
      %max3A_126 = arith.maximumf %abs3A_125, %max3A_47 : vector<16xf32>
      %sub3A_127 = arith.subf %max3A_47, %get3A_26 : vector<16xf32>
      %mul3A_128 = arith.constant 2.000000e-02 : f32
      %mul3A_129 = vector.broadcast %mul3A_128 : f32 to vector<16xf32>
      %mul3A_130 = arith.mulf %mul3A_129, %max3A_126 : vector<16xf32>
      %gt3A_131 = arith.cmpf ogt, %sub3A_127, %mul3A_130 : vector<16xf32>
      %sub3A_132 = arith.subf %get3A_26, %max3A_47 : vector<16xf32>
      %exp3A_133 = math.exp %sub3A_132 : vector<16xf32>
      %jit3A_134 = arith.constant 0.000000e+00 : f32
      %broadcast_in_dim3A_135 = vector.broadcast %jit3A_134 : f32 to vector<16xf32>
      %select_n3A_136 = arith.select %gt3A_131, %broadcast_in_dim3A_135, %exp3A_133 : vector<16xi1>, vector<16xf32>
      %add3A_137 = arith.addf %add3A_124, %select_n3A_136 : vector<16xf32>
      %abs3A_138 = math.absf %get3A_31 : vector<16xf32>
      %max3A_139 = arith.maximumf %abs3A_138, %max3A_47 : vector<16xf32>
      %sub3A_140 = arith.subf %max3A_47, %get3A_31 : vector<16xf32>
      %mul3A_141 = arith.constant 2.000000e-02 : f32
      %mul3A_142 = vector.broadcast %mul3A_141 : f32 to vector<16xf32>
      %mul3A_143 = arith.mulf %mul3A_142, %max3A_139 : vector<16xf32>
      %gt3A_144 = arith.cmpf ogt, %sub3A_140, %mul3A_143 : vector<16xf32>
      %sub3A_145 = arith.subf %get3A_31, %max3A_47 : vector<16xf32>
      %exp3A_146 = math.exp %sub3A_145 : vector<16xf32>
      %jit3A_147 = arith.constant 0.000000e+00 : f32
      %broadcast_in_dim3A_148 = vector.broadcast %jit3A_147 : f32 to vector<16xf32>
      %select_n3A_149 = arith.select %gt3A_144, %broadcast_in_dim3A_148, %exp3A_146 : vector<16xi1>, vector<16xf32>
      %add3A_150 = arith.addf %add3A_137, %select_n3A_149 : vector<16xf32>
      %abs3A_151 = math.absf %get3A_36 : vector<16xf32>
      %max3A_152 = arith.maximumf %abs3A_151, %max3A_47 : vector<16xf32>
      %sub3A_153 = arith.subf %max3A_47, %get3A_36 : vector<16xf32>
      %mul3A_154 = arith.constant 2.000000e-02 : f32
      %mul3A_155 = vector.broadcast %mul3A_154 : f32 to vector<16xf32>
      %mul3A_156 = arith.mulf %mul3A_155, %max3A_152 : vector<16xf32>
      %gt3A_157 = arith.cmpf ogt, %sub3A_153, %mul3A_156 : vector<16xf32>
      %sub3A_158 = arith.subf %get3A_36, %max3A_47 : vector<16xf32>
      %exp3A_159 = math.exp %sub3A_158 : vector<16xf32>
      %jit3A_160 = arith.constant 0.000000e+00 : f32
      %broadcast_in_dim3A_161 = vector.broadcast %jit3A_160 : f32 to vector<16xf32>
      %select_n3A_162 = arith.select %gt3A_157, %broadcast_in_dim3A_161, %exp3A_159 : vector<16xi1>, vector<16xf32>
      %add3A_163 = arith.addf %add3A_150, %select_n3A_162 : vector<16xf32>
      %abs3A_164 = math.absf %get3A_41 : vector<16xf32>
      %max3A_165 = arith.maximumf %abs3A_164, %max3A_47 : vector<16xf32>
      %sub3A_166 = arith.subf %max3A_47, %get3A_41 : vector<16xf32>
      %mul3A_167 = arith.constant 2.000000e-02 : f32
      %mul3A_168 = vector.broadcast %mul3A_167 : f32 to vector<16xf32>
      %mul3A_169 = arith.mulf %mul3A_168, %max3A_165 : vector<16xf32>
      %gt3A_170 = arith.cmpf ogt, %sub3A_166, %mul3A_169 : vector<16xf32>
      %sub3A_171 = arith.subf %get3A_41, %max3A_47 : vector<16xf32>
      %exp3A_172 = math.exp %sub3A_171 : vector<16xf32>
      %jit3A_173 = arith.constant 0.000000e+00 : f32
      %broadcast_in_dim3A_174 = vector.broadcast %jit3A_173 : f32 to vector<16xf32>
      %select_n3A_175 = arith.select %gt3A_170, %broadcast_in_dim3A_174, %exp3A_172 : vector<16xi1>, vector<16xf32>
      %add3A_176 = arith.addf %add3A_163, %select_n3A_175 : vector<16xf32>
      %div3A = arith.constant 1.000000e+00 : f32
      %div3A_177 = vector.broadcast %div3A : f32 to vector<16xf32>
      %div3A_178 = arith.divf %div3A_177, %add3A_176 : vector<16xf32>
      %eq3A_179 = arith.constant 0 : i32
      %eq3A_180 = vector.broadcast %eq3A_179 : i32 to vector<16xi32>
      %eq3A_181 = arith.cmpi eq, %select_n3A_74, %eq3A_180 : vector<16xi32>
      %jit3A_182 = arith.constant -1.000000e+30 : f32
      %broadcast_in_dim3A_183 = vector.broadcast %jit3A_182 : f32 to vector<16xf32>
      %select_n3A_184 = arith.select %eq3A_181, %broadcast_in_dim3A_183, %get3A_6 : vector<16xi1>, vector<16xf32>
      %eq3A_185 = arith.constant 1 : i32
      %eq3A_186 = vector.broadcast %eq3A_185 : i32 to vector<16xi32>
      %eq3A_187 = arith.cmpi eq, %select_n3A_74, %eq3A_186 : vector<16xi32>
      %jit3A_188 = arith.constant -1.000000e+30 : f32
      %broadcast_in_dim3A_189 = vector.broadcast %jit3A_188 : f32 to vector<16xf32>
      %select_n3A_190 = arith.select %eq3A_187, %broadcast_in_dim3A_189, %get3A_11 : vector<16xi1>, vector<16xf32>
      %eq3A_191 = arith.constant 2 : i32
      %eq3A_192 = vector.broadcast %eq3A_191 : i32 to vector<16xi32>
      %eq3A_193 = arith.cmpi eq, %select_n3A_74, %eq3A_192 : vector<16xi32>
      %jit3A_194 = arith.constant -1.000000e+30 : f32
      %broadcast_in_dim3A_195 = vector.broadcast %jit3A_194 : f32 to vector<16xf32>
      %select_n3A_196 = arith.select %eq3A_193, %broadcast_in_dim3A_195, %get3A_16 : vector<16xi1>, vector<16xf32>
      %eq3A_197 = arith.constant 3 : i32
      %eq3A_198 = vector.broadcast %eq3A_197 : i32 to vector<16xi32>
      %eq3A_199 = arith.cmpi eq, %select_n3A_74, %eq3A_198 : vector<16xi32>
      %jit3A_200 = arith.constant -1.000000e+30 : f32
      %broadcast_in_dim3A_201 = vector.broadcast %jit3A_200 : f32 to vector<16xf32>
      %select_n3A_202 = arith.select %eq3A_199, %broadcast_in_dim3A_201, %get3A_21 : vector<16xi1>, vector<16xf32>
      %eq3A_203 = arith.constant 4 : i32
      %eq3A_204 = vector.broadcast %eq3A_203 : i32 to vector<16xi32>
      %eq3A_205 = arith.cmpi eq, %select_n3A_74, %eq3A_204 : vector<16xi32>
      %jit3A_206 = arith.constant -1.000000e+30 : f32
      %broadcast_in_dim3A_207 = vector.broadcast %jit3A_206 : f32 to vector<16xf32>
      %select_n3A_208 = arith.select %eq3A_205, %broadcast_in_dim3A_207, %get3A_26 : vector<16xi1>, vector<16xf32>
      %eq3A_209 = arith.constant 5 : i32
      %eq3A_210 = vector.broadcast %eq3A_209 : i32 to vector<16xi32>
      %eq3A_211 = arith.cmpi eq, %select_n3A_74, %eq3A_210 : vector<16xi32>
      %jit3A_212 = arith.constant -1.000000e+30 : f32
      %broadcast_in_dim3A_213 = vector.broadcast %jit3A_212 : f32 to vector<16xf32>
      %select_n3A_214 = arith.select %eq3A_211, %broadcast_in_dim3A_213, %get3A_31 : vector<16xi1>, vector<16xf32>
      %eq3A_215 = arith.constant 6 : i32
      %eq3A_216 = vector.broadcast %eq3A_215 : i32 to vector<16xi32>
      %eq3A_217 = arith.cmpi eq, %select_n3A_74, %eq3A_216 : vector<16xi32>
      %jit3A_218 = arith.constant -1.000000e+30 : f32
      %broadcast_in_dim3A_219 = vector.broadcast %jit3A_218 : f32 to vector<16xf32>
      %select_n3A_220 = arith.select %eq3A_217, %broadcast_in_dim3A_219, %get3A_36 : vector<16xi1>, vector<16xf32>
      %eq3A_221 = arith.constant 7 : i32
      %eq3A_222 = vector.broadcast %eq3A_221 : i32 to vector<16xi32>
      %eq3A_223 = arith.cmpi eq, %select_n3A_74, %eq3A_222 : vector<16xi32>
      %jit3A_224 = arith.constant -1.000000e+30 : f32
      %broadcast_in_dim3A_225 = vector.broadcast %jit3A_224 : f32 to vector<16xf32>
      %select_n3A_226 = arith.select %eq3A_223, %broadcast_in_dim3A_225, %get3A_41 : vector<16xi1>, vector<16xf32>
      %max3A_227 = arith.maximumf %select_n3A_184, %select_n3A_190 : vector<16xf32>
      %max3A_228 = arith.maximumf %max3A_227, %select_n3A_196 : vector<16xf32>
      %max3A_229 = arith.maximumf %max3A_228, %select_n3A_202 : vector<16xf32>
      %max3A_230 = arith.maximumf %max3A_229, %select_n3A_208 : vector<16xf32>
      %max3A_231 = arith.maximumf %max3A_230, %select_n3A_214 : vector<16xf32>
      %max3A_232 = arith.maximumf %max3A_231, %select_n3A_220 : vector<16xf32>
      %max3A_233 = arith.maximumf %max3A_232, %select_n3A_226 : vector<16xf32>
      %broadcast_in_dim3A_234 = arith.constant 7 : i32
      %broadcast_in_dim3A_235 = vector.broadcast %broadcast_in_dim3A_234 : i32 to vector<16xi32>
      %eq3A_236 = arith.cmpf oeq, %select_n3A_220, %max3A_233 : vector<16xf32>
      %jit3A_237 = arith.constant 6 : i32
      %broadcast_in_dim3A_238 = vector.broadcast %jit3A_237 : i32 to vector<16xi32>
      %select_n3A_239 = arith.select %eq3A_236, %broadcast_in_dim3A_238, %broadcast_in_dim3A_235 : vector<16xi1>, vector<16xi32>
      %eq3A_240 = arith.cmpf oeq, %select_n3A_214, %max3A_233 : vector<16xf32>
      %jit3A_241 = arith.constant 5 : i32
      %broadcast_in_dim3A_242 = vector.broadcast %jit3A_241 : i32 to vector<16xi32>
      %select_n3A_243 = arith.select %eq3A_240, %broadcast_in_dim3A_242, %select_n3A_239 : vector<16xi1>, vector<16xi32>
      %eq3A_244 = arith.cmpf oeq, %select_n3A_208, %max3A_233 : vector<16xf32>
      %jit3A_245 = arith.constant 4 : i32
      %broadcast_in_dim3A_246 = vector.broadcast %jit3A_245 : i32 to vector<16xi32>
      %select_n3A_247 = arith.select %eq3A_244, %broadcast_in_dim3A_246, %select_n3A_243 : vector<16xi1>, vector<16xi32>
      %eq3A_248 = arith.cmpf oeq, %select_n3A_202, %max3A_233 : vector<16xf32>
      %jit3A_249 = arith.constant 3 : i32
      %broadcast_in_dim3A_250 = vector.broadcast %jit3A_249 : i32 to vector<16xi32>
      %select_n3A_251 = arith.select %eq3A_248, %broadcast_in_dim3A_250, %select_n3A_247 : vector<16xi1>, vector<16xi32>
      %eq3A_252 = arith.cmpf oeq, %select_n3A_196, %max3A_233 : vector<16xf32>
      %jit3A_253 = arith.constant 2 : i32
      %broadcast_in_dim3A_254 = vector.broadcast %jit3A_253 : i32 to vector<16xi32>
      %select_n3A_255 = arith.select %eq3A_252, %broadcast_in_dim3A_254, %select_n3A_251 : vector<16xi1>, vector<16xi32>
      %eq3A_256 = arith.cmpf oeq, %select_n3A_190, %max3A_233 : vector<16xf32>
      %jit3A_257 = arith.constant 1 : i32
      %broadcast_in_dim3A_258 = vector.broadcast %jit3A_257 : i32 to vector<16xi32>
      %select_n3A_259 = arith.select %eq3A_256, %broadcast_in_dim3A_258, %select_n3A_255 : vector<16xi1>, vector<16xi32>
      %eq3A_260 = arith.cmpf oeq, %select_n3A_184, %max3A_233 : vector<16xf32>
      %jit3A_261 = arith.constant 0 : i32
      %broadcast_in_dim3A_262 = vector.broadcast %jit3A_261 : i32 to vector<16xi32>
      %select_n3A_263 = arith.select %eq3A_260, %broadcast_in_dim3A_262, %select_n3A_259 : vector<16xi1>, vector<16xi32>
      %broadcast_in_dim3A_264 = arith.constant 0.000000e+00 : f32
      %broadcast_in_dim3A_265 = vector.broadcast %broadcast_in_dim3A_264 : f32 to vector<16xf32>
      %abs3A_266 = math.absf %get3A_6 : vector<16xf32>
      %max3A_267 = arith.maximumf %abs3A_266, %max3A_233 : vector<16xf32>
      %sub3A_268 = arith.subf %max3A_233, %get3A_6 : vector<16xf32>
      %mul3A_269 = arith.constant 2.000000e-02 : f32
      %mul3A_270 = vector.broadcast %mul3A_269 : f32 to vector<16xf32>
      %mul3A_271 = arith.mulf %mul3A_270, %max3A_267 : vector<16xf32>
      %gt3A_272 = arith.cmpf ogt, %sub3A_268, %mul3A_271 : vector<16xf32>
      %eq3A_273 = arith.constant 0 : i32
      %eq3A_274 = vector.broadcast %eq3A_273 : i32 to vector<16xi32>
      %eq3A_275 = arith.cmpi eq, %select_n3A_74, %eq3A_274 : vector<16xi32>
      %or3A = arith.ori %gt3A_272, %eq3A_275 : vector<16xi1>
      %sub3A_276 = arith.subf %get3A_6, %max3A_233 : vector<16xf32>
      %exp3A_277 = math.exp %sub3A_276 : vector<16xf32>
      %jit3A_278 = arith.constant 0.000000e+00 : f32
      %broadcast_in_dim3A_279 = vector.broadcast %jit3A_278 : f32 to vector<16xf32>
      %select_n3A_280 = arith.select %or3A, %broadcast_in_dim3A_279, %exp3A_277 : vector<16xi1>, vector<16xf32>
      %add3A_281 = arith.addf %broadcast_in_dim3A_265, %select_n3A_280 : vector<16xf32>
      %abs3A_282 = math.absf %get3A_11 : vector<16xf32>
      %max3A_283 = arith.maximumf %abs3A_282, %max3A_233 : vector<16xf32>
      %sub3A_284 = arith.subf %max3A_233, %get3A_11 : vector<16xf32>
      %mul3A_285 = arith.constant 2.000000e-02 : f32
      %mul3A_286 = vector.broadcast %mul3A_285 : f32 to vector<16xf32>
      %mul3A_287 = arith.mulf %mul3A_286, %max3A_283 : vector<16xf32>
      %gt3A_288 = arith.cmpf ogt, %sub3A_284, %mul3A_287 : vector<16xf32>
      %eq3A_289 = arith.constant 1 : i32
      %eq3A_290 = vector.broadcast %eq3A_289 : i32 to vector<16xi32>
      %eq3A_291 = arith.cmpi eq, %select_n3A_74, %eq3A_290 : vector<16xi32>
      %or3A_292 = arith.ori %gt3A_288, %eq3A_291 : vector<16xi1>
      %sub3A_293 = arith.subf %get3A_11, %max3A_233 : vector<16xf32>
      %exp3A_294 = math.exp %sub3A_293 : vector<16xf32>
      %jit3A_295 = arith.constant 0.000000e+00 : f32
      %broadcast_in_dim3A_296 = vector.broadcast %jit3A_295 : f32 to vector<16xf32>
      %select_n3A_297 = arith.select %or3A_292, %broadcast_in_dim3A_296, %exp3A_294 : vector<16xi1>, vector<16xf32>
      %add3A_298 = arith.addf %add3A_281, %select_n3A_297 : vector<16xf32>
      %abs3A_299 = math.absf %get3A_16 : vector<16xf32>
      %max3A_300 = arith.maximumf %abs3A_299, %max3A_233 : vector<16xf32>
      %sub3A_301 = arith.subf %max3A_233, %get3A_16 : vector<16xf32>
      %mul3A_302 = arith.constant 2.000000e-02 : f32
      %mul3A_303 = vector.broadcast %mul3A_302 : f32 to vector<16xf32>
      %mul3A_304 = arith.mulf %mul3A_303, %max3A_300 : vector<16xf32>
      %gt3A_305 = arith.cmpf ogt, %sub3A_301, %mul3A_304 : vector<16xf32>
      %eq3A_306 = arith.constant 2 : i32
      %eq3A_307 = vector.broadcast %eq3A_306 : i32 to vector<16xi32>
      %eq3A_308 = arith.cmpi eq, %select_n3A_74, %eq3A_307 : vector<16xi32>
      %or3A_309 = arith.ori %gt3A_305, %eq3A_308 : vector<16xi1>
      %sub3A_310 = arith.subf %get3A_16, %max3A_233 : vector<16xf32>
      %exp3A_311 = math.exp %sub3A_310 : vector<16xf32>
      %jit3A_312 = arith.constant 0.000000e+00 : f32
      %broadcast_in_dim3A_313 = vector.broadcast %jit3A_312 : f32 to vector<16xf32>
      %select_n3A_314 = arith.select %or3A_309, %broadcast_in_dim3A_313, %exp3A_311 : vector<16xi1>, vector<16xf32>
      %add3A_315 = arith.addf %add3A_298, %select_n3A_314 : vector<16xf32>
      %abs3A_316 = math.absf %get3A_21 : vector<16xf32>
      %max3A_317 = arith.maximumf %abs3A_316, %max3A_233 : vector<16xf32>
      %sub3A_318 = arith.subf %max3A_233, %get3A_21 : vector<16xf32>
      %mul3A_319 = arith.constant 2.000000e-02 : f32
      %mul3A_320 = vector.broadcast %mul3A_319 : f32 to vector<16xf32>
      %mul3A_321 = arith.mulf %mul3A_320, %max3A_317 : vector<16xf32>
      %gt3A_322 = arith.cmpf ogt, %sub3A_318, %mul3A_321 : vector<16xf32>
      %eq3A_323 = arith.constant 3 : i32
      %eq3A_324 = vector.broadcast %eq3A_323 : i32 to vector<16xi32>
      %eq3A_325 = arith.cmpi eq, %select_n3A_74, %eq3A_324 : vector<16xi32>
      %or3A_326 = arith.ori %gt3A_322, %eq3A_325 : vector<16xi1>
      %sub3A_327 = arith.subf %get3A_21, %max3A_233 : vector<16xf32>
      %exp3A_328 = math.exp %sub3A_327 : vector<16xf32>
      %jit3A_329 = arith.constant 0.000000e+00 : f32
      %broadcast_in_dim3A_330 = vector.broadcast %jit3A_329 : f32 to vector<16xf32>
      %select_n3A_331 = arith.select %or3A_326, %broadcast_in_dim3A_330, %exp3A_328 : vector<16xi1>, vector<16xf32>
      %add3A_332 = arith.addf %add3A_315, %select_n3A_331 : vector<16xf32>
      %abs3A_333 = math.absf %get3A_26 : vector<16xf32>
      %max3A_334 = arith.maximumf %abs3A_333, %max3A_233 : vector<16xf32>
      %sub3A_335 = arith.subf %max3A_233, %get3A_26 : vector<16xf32>
      %mul3A_336 = arith.constant 2.000000e-02 : f32
      %mul3A_337 = vector.broadcast %mul3A_336 : f32 to vector<16xf32>
      %mul3A_338 = arith.mulf %mul3A_337, %max3A_334 : vector<16xf32>
      %gt3A_339 = arith.cmpf ogt, %sub3A_335, %mul3A_338 : vector<16xf32>
      %eq3A_340 = arith.constant 4 : i32
      %eq3A_341 = vector.broadcast %eq3A_340 : i32 to vector<16xi32>
      %eq3A_342 = arith.cmpi eq, %select_n3A_74, %eq3A_341 : vector<16xi32>
      %or3A_343 = arith.ori %gt3A_339, %eq3A_342 : vector<16xi1>
      %sub3A_344 = arith.subf %get3A_26, %max3A_233 : vector<16xf32>
      %exp3A_345 = math.exp %sub3A_344 : vector<16xf32>
      %jit3A_346 = arith.constant 0.000000e+00 : f32
      %broadcast_in_dim3A_347 = vector.broadcast %jit3A_346 : f32 to vector<16xf32>
      %select_n3A_348 = arith.select %or3A_343, %broadcast_in_dim3A_347, %exp3A_345 : vector<16xi1>, vector<16xf32>
      %add3A_349 = arith.addf %add3A_332, %select_n3A_348 : vector<16xf32>
      %abs3A_350 = math.absf %get3A_31 : vector<16xf32>
      %max3A_351 = arith.maximumf %abs3A_350, %max3A_233 : vector<16xf32>
      %sub3A_352 = arith.subf %max3A_233, %get3A_31 : vector<16xf32>
      %mul3A_353 = arith.constant 2.000000e-02 : f32
      %mul3A_354 = vector.broadcast %mul3A_353 : f32 to vector<16xf32>
      %mul3A_355 = arith.mulf %mul3A_354, %max3A_351 : vector<16xf32>
      %gt3A_356 = arith.cmpf ogt, %sub3A_352, %mul3A_355 : vector<16xf32>
      %eq3A_357 = arith.constant 5 : i32
      %eq3A_358 = vector.broadcast %eq3A_357 : i32 to vector<16xi32>
      %eq3A_359 = arith.cmpi eq, %select_n3A_74, %eq3A_358 : vector<16xi32>
      %or3A_360 = arith.ori %gt3A_356, %eq3A_359 : vector<16xi1>
      %sub3A_361 = arith.subf %get3A_31, %max3A_233 : vector<16xf32>
      %exp3A_362 = math.exp %sub3A_361 : vector<16xf32>
      %jit3A_363 = arith.constant 0.000000e+00 : f32
      %broadcast_in_dim3A_364 = vector.broadcast %jit3A_363 : f32 to vector<16xf32>
      %select_n3A_365 = arith.select %or3A_360, %broadcast_in_dim3A_364, %exp3A_362 : vector<16xi1>, vector<16xf32>
      %add3A_366 = arith.addf %add3A_349, %select_n3A_365 : vector<16xf32>
      %abs3A_367 = math.absf %get3A_36 : vector<16xf32>
      %max3A_368 = arith.maximumf %abs3A_367, %max3A_233 : vector<16xf32>
      %sub3A_369 = arith.subf %max3A_233, %get3A_36 : vector<16xf32>
      %mul3A_370 = arith.constant 2.000000e-02 : f32
      %mul3A_371 = vector.broadcast %mul3A_370 : f32 to vector<16xf32>
      %mul3A_372 = arith.mulf %mul3A_371, %max3A_368 : vector<16xf32>
      %gt3A_373 = arith.cmpf ogt, %sub3A_369, %mul3A_372 : vector<16xf32>
      %eq3A_374 = arith.constant 6 : i32
      %eq3A_375 = vector.broadcast %eq3A_374 : i32 to vector<16xi32>
      %eq3A_376 = arith.cmpi eq, %select_n3A_74, %eq3A_375 : vector<16xi32>
      %or3A_377 = arith.ori %gt3A_373, %eq3A_376 : vector<16xi1>
      %sub3A_378 = arith.subf %get3A_36, %max3A_233 : vector<16xf32>
      %exp3A_379 = math.exp %sub3A_378 : vector<16xf32>
      %jit3A_380 = arith.constant 0.000000e+00 : f32
      %broadcast_in_dim3A_381 = vector.broadcast %jit3A_380 : f32 to vector<16xf32>
      %select_n3A_382 = arith.select %or3A_377, %broadcast_in_dim3A_381, %exp3A_379 : vector<16xi1>, vector<16xf32>
      %add3A_383 = arith.addf %add3A_366, %select_n3A_382 : vector<16xf32>
      %abs3A_384 = math.absf %get3A_41 : vector<16xf32>
      %max3A_385 = arith.maximumf %abs3A_384, %max3A_233 : vector<16xf32>
      %sub3A_386 = arith.subf %max3A_233, %get3A_41 : vector<16xf32>
      %mul3A_387 = arith.constant 2.000000e-02 : f32
      %mul3A_388 = vector.broadcast %mul3A_387 : f32 to vector<16xf32>
      %mul3A_389 = arith.mulf %mul3A_388, %max3A_385 : vector<16xf32>
      %gt3A_390 = arith.cmpf ogt, %sub3A_386, %mul3A_389 : vector<16xf32>
      %eq3A_391 = arith.constant 7 : i32
      %eq3A_392 = vector.broadcast %eq3A_391 : i32 to vector<16xi32>
      %eq3A_393 = arith.cmpi eq, %select_n3A_74, %eq3A_392 : vector<16xi32>
      %or3A_394 = arith.ori %gt3A_390, %eq3A_393 : vector<16xi1>
      %sub3A_395 = arith.subf %get3A_41, %max3A_233 : vector<16xf32>
      %exp3A_396 = math.exp %sub3A_395 : vector<16xf32>
      %jit3A_397 = arith.constant 0.000000e+00 : f32
      %broadcast_in_dim3A_398 = vector.broadcast %jit3A_397 : f32 to vector<16xf32>
      %select_n3A_399 = arith.select %or3A_394, %broadcast_in_dim3A_398, %exp3A_396 : vector<16xi1>, vector<16xf32>
      %add3A_400 = arith.addf %add3A_383, %select_n3A_399 : vector<16xf32>
      %div3A_401 = arith.constant 1.000000e+00 : f32
      %div3A_402 = vector.broadcast %div3A_401 : f32 to vector<16xf32>
      %div3A_403 = arith.divf %div3A_402, %add3A_400 : vector<16xf32>
      %eq3A_404 = arith.constant 0 : i32
      %eq3A_405 = vector.broadcast %eq3A_404 : i32 to vector<16xi32>
      %eq3A_406 = arith.cmpi eq, %select_n3A_74, %eq3A_405 : vector<16xi32>
      %jit3A_407 = arith.constant 0.000000e+00 : f32
      %broadcast_in_dim3A_408 = vector.broadcast %jit3A_407 : f32 to vector<16xf32>
      %select_n3A_409 = arith.select %eq3A_406, %div3A_178, %broadcast_in_dim3A_408 : vector<16xi1>, vector<16xf32>
      %eq3A_410 = arith.constant 0 : i32
      %eq3A_411 = vector.broadcast %eq3A_410 : i32 to vector<16xi32>
      %eq3A_412 = arith.cmpi eq, %select_n3A_263, %eq3A_411 : vector<16xi32>
      %jit3A_413 = arith.constant 0.000000e+00 : f32
      %broadcast_in_dim3A_414 = vector.broadcast %jit3A_413 : f32 to vector<16xf32>
      %select_n3A_415 = arith.select %eq3A_412, %div3A_403, %broadcast_in_dim3A_414 : vector<16xi1>, vector<16xf32>
      %add3A_416 = arith.addf %select_n3A_409, %select_n3A_415 : vector<16xf32>
      %swap3A = arith.constant 0 : i32
      %swap3A_417 = arith.index_cast %swap3A : i32 to index
      %swap3A_418 = arith.constant 0 : index
      %swap3A_419 = tpu.vector_load %arg5[%swap3A_417, %swap3A_418] {strides = array<i32>} : memref<8x64xf32, #tpu.memory_space<vmem>>, vector<1x16xf32>,
      %swap3A_420 = vector.shape_cast %swap3A_419 : vector<1x16xf32> to vector<16xf32>
      %swap3A_421 = vector.shape_cast %add3A_416 : vector<16xf32> to vector<1x16xf32>
      tpu.vector_store %arg5[%swap3A_417, %swap3A_418], %swap3A_421 {strides = array<i32>} : memref<8x64xf32, #tpu.memory_space<vmem>>, vector<1x16xf32>,
      %eq3A_422 = arith.constant 1 : i32
      %eq3A_423 = vector.broadcast %eq3A_422 : i32 to vector<16xi32>
      %eq3A_424 = arith.cmpi eq, %select_n3A_74, %eq3A_423 : vector<16xi32>
      %jit3A_425 = arith.constant 0.000000e+00 : f32
      %broadcast_in_dim3A_426 = vector.broadcast %jit3A_425 : f32 to vector<16xf32>
      %select_n3A_427 = arith.select %eq3A_424, %div3A_178, %broadcast_in_dim3A_426 : vector<16xi1>, vector<16xf32>
      %eq3A_428 = arith.constant 1 : i32
      %eq3A_429 = vector.broadcast %eq3A_428 : i32 to vector<16xi32>
      %eq3A_430 = arith.cmpi eq, %select_n3A_263, %eq3A_429 : vector<16xi32>
      %jit3A_431 = arith.constant 0.000000e+00 : f32
      %broadcast_in_dim3A_432 = vector.broadcast %jit3A_431 : f32 to vector<16xf32>
      %select_n3A_433 = arith.select %eq3A_430, %div3A_403, %broadcast_in_dim3A_432 : vector<16xi1>, vector<16xf32>
      %add3A_434 = arith.addf %select_n3A_427, %select_n3A_433 : vector<16xf32>
      %swap3A_435 = arith.constant 1 : i32
      %swap3A_436 = arith.index_cast %swap3A_435 : i32 to index
      %swap3A_437 = arith.constant 0 : index
      %swap3A_438 = tpu.vector_load %arg5[%swap3A_436, %swap3A_437] {strides = array<i32>} : memref<8x64xf32, #tpu.memory_space<vmem>>, vector<1x16xf32>,
      %swap3A_439 = vector.shape_cast %swap3A_438 : vector<1x16xf32> to vector<16xf32>
      %swap3A_440 = vector.shape_cast %add3A_434 : vector<16xf32> to vector<1x16xf32>
      tpu.vector_store %arg5[%swap3A_436, %swap3A_437], %swap3A_440 {strides = array<i32>} : memref<8x64xf32, #tpu.memory_space<vmem>>, vector<1x16xf32>,
      %eq3A_441 = arith.constant 2 : i32
      %eq3A_442 = vector.broadcast %eq3A_441 : i32 to vector<16xi32>
      %eq3A_443 = arith.cmpi eq, %select_n3A_74, %eq3A_442 : vector<16xi32>
      %jit3A_444 = arith.constant 0.000000e+00 : f32
      %broadcast_in_dim3A_445 = vector.broadcast %jit3A_444 : f32 to vector<16xf32>
      %select_n3A_446 = arith.select %eq3A_443, %div3A_178, %broadcast_in_dim3A_445 : vector<16xi1>, vector<16xf32>
      %eq3A_447 = arith.constant 2 : i32
      %eq3A_448 = vector.broadcast %eq3A_447 : i32 to vector<16xi32>
      %eq3A_449 = arith.cmpi eq, %select_n3A_263, %eq3A_448 : vector<16xi32>
      %jit3A_450 = arith.constant 0.000000e+00 : f32
      %broadcast_in_dim3A_451 = vector.broadcast %jit3A_450 : f32 to vector<16xf32>
      %select_n3A_452 = arith.select %eq3A_449, %div3A_403, %broadcast_in_dim3A_451 : vector<16xi1>, vector<16xf32>
      %add3A_453 = arith.addf %select_n3A_446, %select_n3A_452 : vector<16xf32>
      %swap3A_454 = arith.constant 2 : i32
      %swap3A_455 = arith.index_cast %swap3A_454 : i32 to index
      %swap3A_456 = arith.constant 0 : index
      %swap3A_457 = tpu.vector_load %arg5[%swap3A_455, %swap3A_456] {strides = array<i32>} : memref<8x64xf32, #tpu.memory_space<vmem>>, vector<1x16xf32>,
      %swap3A_458 = vector.shape_cast %swap3A_457 : vector<1x16xf32> to vector<16xf32>
      %swap3A_459 = vector.shape_cast %add3A_453 : vector<16xf32> to vector<1x16xf32>
      tpu.vector_store %arg5[%swap3A_455, %swap3A_456], %swap3A_459 {strides = array<i32>} : memref<8x64xf32, #tpu.memory_space<vmem>>, vector<1x16xf32>,
      %eq3A_460 = arith.constant 3 : i32
      %eq3A_461 = vector.broadcast %eq3A_460 : i32 to vector<16xi32>
      %eq3A_462 = arith.cmpi eq, %select_n3A_74, %eq3A_461 : vector<16xi32>
      %jit3A_463 = arith.constant 0.000000e+00 : f32
      %broadcast_in_dim3A_464 = vector.broadcast %jit3A_463 : f32 to vector<16xf32>
      %select_n3A_465 = arith.select %eq3A_462, %div3A_178, %broadcast_in_dim3A_464 : vector<16xi1>, vector<16xf32>
      %eq3A_466 = arith.constant 3 : i32
      %eq3A_467 = vector.broadcast %eq3A_466 : i32 to vector<16xi32>
      %eq3A_468 = arith.cmpi eq, %select_n3A_263, %eq3A_467 : vector<16xi32>
      %jit3A_469 = arith.constant 0.000000e+00 : f32
      %broadcast_in_dim3A_470 = vector.broadcast %jit3A_469 : f32 to vector<16xf32>
      %select_n3A_471 = arith.select %eq3A_468, %div3A_403, %broadcast_in_dim3A_470 : vector<16xi1>, vector<16xf32>
      %add3A_472 = arith.addf %select_n3A_465, %select_n3A_471 : vector<16xf32>
      %swap3A_473 = arith.constant 3 : i32
      %swap3A_474 = arith.index_cast %swap3A_473 : i32 to index
      %swap3A_475 = arith.constant 0 : index
      %swap3A_476 = tpu.vector_load %arg5[%swap3A_474, %swap3A_475] {strides = array<i32>} : memref<8x64xf32, #tpu.memory_space<vmem>>, vector<1x16xf32>,
      %swap3A_477 = vector.shape_cast %swap3A_476 : vector<1x16xf32> to vector<16xf32>
      %swap3A_478 = vector.shape_cast %add3A_472 : vector<16xf32> to vector<1x16xf32>
      tpu.vector_store %arg5[%swap3A_474, %swap3A_475], %swap3A_478 {strides = array<i32>} : memref<8x64xf32, #tpu.memory_space<vmem>>, vector<1x16xf32>,
      %eq3A_479 = arith.constant 4 : i32
      %eq3A_480 = vector.broadcast %eq3A_479 : i32 to vector<16xi32>
      %eq3A_481 = arith.cmpi eq, %select_n3A_74, %eq3A_480 : vector<16xi32>
      %jit3A_482 = arith.constant 0.000000e+00 : f32
      %broadcast_in_dim3A_483 = vector.broadcast %jit3A_482 : f32 to vector<16xf32>
      %select_n3A_484 = arith.select %eq3A_481, %div3A_178, %broadcast_in_dim3A_483 : vector<16xi1>, vector<16xf32>
      %eq3A_485 = arith.constant 4 : i32
      %eq3A_486 = vector.broadcast %eq3A_485 : i32 to vector<16xi32>
      %eq3A_487 = arith.cmpi eq, %select_n3A_263, %eq3A_486 : vector<16xi32>
      %jit3A_488 = arith.constant 0.000000e+00 : f32
      %broadcast_in_dim3A_489 = vector.broadcast %jit3A_488 : f32 to vector<16xf32>
      %select_n3A_490 = arith.select %eq3A_487, %div3A_403, %broadcast_in_dim3A_489 : vector<16xi1>, vector<16xf32>
      %add3A_491 = arith.addf %select_n3A_484, %select_n3A_490 : vector<16xf32>
      %swap3A_492 = arith.constant 4 : i32
      %swap3A_493 = arith.index_cast %swap3A_492 : i32 to index
      %swap3A_494 = arith.constant 0 : index
      %swap3A_495 = tpu.vector_load %arg5[%swap3A_493, %swap3A_494] {strides = array<i32>} : memref<8x64xf32, #tpu.memory_space<vmem>>, vector<1x16xf32>,
      %swap3A_496 = vector.shape_cast %swap3A_495 : vector<1x16xf32> to vector<16xf32>
      %swap3A_497 = vector.shape_cast %add3A_491 : vector<16xf32> to vector<1x16xf32>
      tpu.vector_store %arg5[%swap3A_493, %swap3A_494], %swap3A_497 {strides = array<i32>} : memref<8x64xf32, #tpu.memory_space<vmem>>, vector<1x16xf32>,
      %eq3A_498 = arith.constant 5 : i32
      %eq3A_499 = vector.broadcast %eq3A_498 : i32 to vector<16xi32>
      %eq3A_500 = arith.cmpi eq, %select_n3A_74, %eq3A_499 : vector<16xi32>
      %jit3A_501 = arith.constant 0.000000e+00 : f32
      %broadcast_in_dim3A_502 = vector.broadcast %jit3A_501 : f32 to vector<16xf32>
      %select_n3A_503 = arith.select %eq3A_500, %div3A_178, %broadcast_in_dim3A_502 : vector<16xi1>, vector<16xf32>
      %eq3A_504 = arith.constant 5 : i32
      %eq3A_505 = vector.broadcast %eq3A_504 : i32 to vector<16xi32>
      %eq3A_506 = arith.cmpi eq, %select_n3A_263, %eq3A_505 : vector<16xi32>
      %jit3A_507 = arith.constant 0.000000e+00 : f32
      %broadcast_in_dim3A_508 = vector.broadcast %jit3A_507 : f32 to vector<16xf32>
      %select_n3A_509 = arith.select %eq3A_506, %div3A_403, %broadcast_in_dim3A_508 : vector<16xi1>, vector<16xf32>
      %add3A_510 = arith.addf %select_n3A_503, %select_n3A_509 : vector<16xf32>
      %swap3A_511 = arith.constant 5 : i32
      %swap3A_512 = arith.index_cast %swap3A_511 : i32 to index
      %swap3A_513 = arith.constant 0 : index
      %swap3A_514 = tpu.vector_load %arg5[%swap3A_512, %swap3A_513] {strides = array<i32>} : memref<8x64xf32, #tpu.memory_space<vmem>>, vector<1x16xf32>,
      %swap3A_515 = vector.shape_cast %swap3A_514 : vector<1x16xf32> to vector<16xf32>
      %swap3A_516 = vector.shape_cast %add3A_510 : vector<16xf32> to vector<1x16xf32>
      tpu.vector_store %arg5[%swap3A_512, %swap3A_513], %swap3A_516 {strides = array<i32>} : memref<8x64xf32, #tpu.memory_space<vmem>>, vector<1x16xf32>,
      %eq3A_517 = arith.constant 6 : i32
      %eq3A_518 = vector.broadcast %eq3A_517 : i32 to vector<16xi32>
      %eq3A_519 = arith.cmpi eq, %select_n3A_74, %eq3A_518 : vector<16xi32>
      %jit3A_520 = arith.constant 0.000000e+00 : f32
      %broadcast_in_dim3A_521 = vector.broadcast %jit3A_520 : f32 to vector<16xf32>
      %select_n3A_522 = arith.select %eq3A_519, %div3A_178, %broadcast_in_dim3A_521 : vector<16xi1>, vector<16xf32>
      %eq3A_523 = arith.constant 6 : i32
      %eq3A_524 = vector.broadcast %eq3A_523 : i32 to vector<16xi32>
      %eq3A_525 = arith.cmpi eq, %select_n3A_263, %eq3A_524 : vector<16xi32>
      %jit3A_526 = arith.constant 0.000000e+00 : f32
      %broadcast_in_dim3A_527 = vector.broadcast %jit3A_526 : f32 to vector<16xf32>
      %select_n3A_528 = arith.select %eq3A_525, %div3A_403, %broadcast_in_dim3A_527 : vector<16xi1>, vector<16xf32>
      %add3A_529 = arith.addf %select_n3A_522, %select_n3A_528 : vector<16xf32>
      %swap3A_530 = arith.constant 6 : i32
      %swap3A_531 = arith.index_cast %swap3A_530 : i32 to index
      %swap3A_532 = arith.constant 0 : index
      %swap3A_533 = tpu.vector_load %arg5[%swap3A_531, %swap3A_532] {strides = array<i32>} : memref<8x64xf32, #tpu.memory_space<vmem>>, vector<1x16xf32>,
      %swap3A_534 = vector.shape_cast %swap3A_533 : vector<1x16xf32> to vector<16xf32>
      %swap3A_535 = vector.shape_cast %add3A_529 : vector<16xf32> to vector<1x16xf32>
      tpu.vector_store %arg5[%swap3A_531, %swap3A_532], %swap3A_535 {strides = array<i32>} : memref<8x64xf32, #tpu.memory_space<vmem>>, vector<1x16xf32>,
      %eq3A_536 = arith.constant 7 : i32
      %eq3A_537 = vector.broadcast %eq3A_536 : i32 to vector<16xi32>
      %eq3A_538 = arith.cmpi eq, %select_n3A_74, %eq3A_537 : vector<16xi32>
      %jit3A_539 = arith.constant 0.000000e+00 : f32
      %broadcast_in_dim3A_540 = vector.broadcast %jit3A_539 : f32 to vector<16xf32>
      %select_n3A_541 = arith.select %eq3A_538, %div3A_178, %broadcast_in_dim3A_540 : vector<16xi1>, vector<16xf32>
      %eq3A_542 = arith.constant 7 : i32
      %eq3A_543 = vector.broadcast %eq3A_542 : i32 to vector<16xi32>
      %eq3A_544 = arith.cmpi eq, %select_n3A_263, %eq3A_543 : vector<16xi32>
      %jit3A_545 = arith.constant 0.000000e+00 : f32
      %broadcast_in_dim3A_546 = vector.broadcast %jit3A_545 : f32 to vector<16xf32>
      %select_n3A_547 = arith.select %eq3A_544, %div3A_403, %broadcast_in_dim3A_546 : vector<16xi1>, vector<16xf32>
      %add3A_548 = arith.addf %select_n3A_541, %select_n3A_547 : vector<16xf32>
      %swap3A_549 = arith.constant 7 : i32
      %swap3A_550 = arith.index_cast %swap3A_549 : i32 to index
      %swap3A_551 = arith.constant 0 : index
      %swap3A_552 = tpu.vector_load %arg5[%swap3A_550, %swap3A_551] {strides = array<i32>} : memref<8x64xf32, #tpu.memory_space<vmem>>, vector<1x16xf32>,
      %swap3A_553 = vector.shape_cast %swap3A_552 : vector<1x16xf32> to vector<16xf32>
      %swap3A_554 = vector.shape_cast %add3A_548 : vector<16xf32> to vector<1x16xf32>
      tpu.vector_store %arg5[%swap3A_550, %swap3A_551], %swap3A_554 {strides = array<i32>} : memref<8x64xf32, #tpu.memory_space<vmem>>, vector<1x16xf32>,
      %get3A_555 = arith.constant 0 : i32
      %get3A_556 = arith.index_cast %get3A_555 : i32 to index
      %get3A_557 = arith.constant 16 : index
      %get3A_558 = tpu.vector_load %arg4[%get3A_556, %get3A_557] {strides = array<i32>} : memref<8x64xf32, #tpu.memory_space<vmem>>, vector<1x16xf32>,
      %get3A_559 = vector.shape_cast %get3A_558 : vector<1x16xf32> to vector<16xf32>
      %get3A_560 = arith.constant 1 : i32
      %get3A_561 = arith.index_cast %get3A_560 : i32 to index
      %get3A_562 = arith.constant 16 : index
      %get3A_563 = tpu.vector_load %arg4[%get3A_561, %get3A_562] {strides = array<i32>} : memref<8x64xf32, #tpu.memory_space<vmem>>, vector<1x16xf32>,
      %get3A_564 = vector.shape_cast %get3A_563 : vector<1x16xf32> to vector<16xf32>
      %get3A_565 = arith.constant 2 : i32
      %get3A_566 = arith.index_cast %get3A_565 : i32 to index
      %get3A_567 = arith.constant 16 : index
      %get3A_568 = tpu.vector_load %arg4[%get3A_566, %get3A_567] {strides = array<i32>} : memref<8x64xf32, #tpu.memory_space<vmem>>, vector<1x16xf32>,
      %get3A_569 = vector.shape_cast %get3A_568 : vector<1x16xf32> to vector<16xf32>
      %get3A_570 = arith.constant 3 : i32
      %get3A_571 = arith.index_cast %get3A_570 : i32 to index
      %get3A_572 = arith.constant 16 : index
      %get3A_573 = tpu.vector_load %arg4[%get3A_571, %get3A_572] {strides = array<i32>} : memref<8x64xf32, #tpu.memory_space<vmem>>, vector<1x16xf32>,
      %get3A_574 = vector.shape_cast %get3A_573 : vector<1x16xf32> to vector<16xf32>
      %get3A_575 = arith.constant 4 : i32
      %get3A_576 = arith.index_cast %get3A_575 : i32 to index
      %get3A_577 = arith.constant 16 : index
      %get3A_578 = tpu.vector_load %arg4[%get3A_576, %get3A_577] {strides = array<i32>} : memref<8x64xf32, #tpu.memory_space<vmem>>, vector<1x16xf32>,
      %get3A_579 = vector.shape_cast %get3A_578 : vector<1x16xf32> to vector<16xf32>
      %get3A_580 = arith.constant 5 : i32
      %get3A_581 = arith.index_cast %get3A_580 : i32 to index
      %get3A_582 = arith.constant 16 : index
      %get3A_583 = tpu.vector_load %arg4[%get3A_581, %get3A_582] {strides = array<i32>} : memref<8x64xf32, #tpu.memory_space<vmem>>, vector<1x16xf32>,
      %get3A_584 = vector.shape_cast %get3A_583 : vector<1x16xf32> to vector<16xf32>
      %get3A_585 = arith.constant 6 : i32
      %get3A_586 = arith.index_cast %get3A_585 : i32 to index
      %get3A_587 = arith.constant 16 : index
      %get3A_588 = tpu.vector_load %arg4[%get3A_586, %get3A_587] {strides = array<i32>} : memref<8x64xf32, #tpu.memory_space<vmem>>, vector<1x16xf32>,
      %get3A_589 = vector.shape_cast %get3A_588 : vector<1x16xf32> to vector<16xf32>
      %get3A_590 = arith.constant 7 : i32
      %get3A_591 = arith.index_cast %get3A_590 : i32 to index
      %get3A_592 = arith.constant 16 : index
      %get3A_593 = tpu.vector_load %arg4[%get3A_591, %get3A_592] {strides = array<i32>} : memref<8x64xf32, #tpu.memory_space<vmem>>, vector<1x16xf32>,
      %get3A_594 = vector.shape_cast %get3A_593 : vector<1x16xf32> to vector<16xf32>
      %max3A_595 = arith.maximumf %get3A_559, %get3A_564 : vector<16xf32>
      %max3A_596 = arith.maximumf %max3A_595, %get3A_569 : vector<16xf32>
      %max3A_597 = arith.maximumf %max3A_596, %get3A_574 : vector<16xf32>
      %max3A_598 = arith.maximumf %max3A_597, %get3A_579 : vector<16xf32>
      %max3A_599 = arith.maximumf %max3A_598, %get3A_584 : vector<16xf32>
      %max3A_600 = arith.maximumf %max3A_599, %get3A_589 : vector<16xf32>
      %max3A_601 = arith.maximumf %max3A_600, %get3A_594 : vector<16xf32>
      %broadcast_in_dim3A_602 = arith.constant 7 : i32
      %broadcast_in_dim3A_603 = vector.broadcast %broadcast_in_dim3A_602 : i32 to vector<16xi32>
      %eq3A_604 = arith.cmpf oeq, %get3A_589, %max3A_601 : vector<16xf32>
      %jit3A_605 = arith.constant 6 : i32
      %broadcast_in_dim3A_606 = vector.broadcast %jit3A_605 : i32 to vector<16xi32>
      %select_n3A_607 = arith.select %eq3A_604, %broadcast_in_dim3A_606, %broadcast_in_dim3A_603 : vector<16xi1>, vector<16xi32>
      %eq3A_608 = arith.cmpf oeq, %get3A_584, %max3A_601 : vector<16xf32>
      %jit3A_609 = arith.constant 5 : i32
      %broadcast_in_dim3A_610 = vector.broadcast %jit3A_609 : i32 to vector<16xi32>
      %select_n3A_611 = arith.select %eq3A_608, %broadcast_in_dim3A_610, %select_n3A_607 : vector<16xi1>, vector<16xi32>
      %eq3A_612 = arith.cmpf oeq, %get3A_579, %max3A_601 : vector<16xf32>
      %jit3A_613 = arith.constant 4 : i32
      %broadcast_in_dim3A_614 = vector.broadcast %jit3A_613 : i32 to vector<16xi32>
      %select_n3A_615 = arith.select %eq3A_612, %broadcast_in_dim3A_614, %select_n3A_611 : vector<16xi1>, vector<16xi32>
      %eq3A_616 = arith.cmpf oeq, %get3A_574, %max3A_601 : vector<16xf32>
      %jit3A_617 = arith.constant 3 : i32
      %broadcast_in_dim3A_618 = vector.broadcast %jit3A_617 : i32 to vector<16xi32>
      %select_n3A_619 = arith.select %eq3A_616, %broadcast_in_dim3A_618, %select_n3A_615 : vector<16xi1>, vector<16xi32>
      %eq3A_620 = arith.cmpf oeq, %get3A_569, %max3A_601 : vector<16xf32>
      %jit3A_621 = arith.constant 2 : i32
      %broadcast_in_dim3A_622 = vector.broadcast %jit3A_621 : i32 to vector<16xi32>
      %select_n3A_623 = arith.select %eq3A_620, %broadcast_in_dim3A_622, %select_n3A_619 : vector<16xi1>, vector<16xi32>
      %eq3A_624 = arith.cmpf oeq, %get3A_564, %max3A_601 : vector<16xf32>
      %jit3A_625 = arith.constant 1 : i32
      %broadcast_in_dim3A_626 = vector.broadcast %jit3A_625 : i32 to vector<16xi32>
      %select_n3A_627 = arith.select %eq3A_624, %broadcast_in_dim3A_626, %select_n3A_623 : vector<16xi1>, vector<16xi32>
      %eq3A_628 = arith.cmpf oeq, %get3A_559, %max3A_601 : vector<16xf32>
      %jit3A_629 = arith.constant 0 : i32
      %broadcast_in_dim3A_630 = vector.broadcast %jit3A_629 : i32 to vector<16xi32>
      %select_n3A_631 = arith.select %eq3A_628, %broadcast_in_dim3A_630, %select_n3A_627 : vector<16xi1>, vector<16xi32>
      %broadcast_in_dim3A_632 = arith.constant 0.000000e+00 : f32
      %broadcast_in_dim3A_633 = vector.broadcast %broadcast_in_dim3A_632 : f32 to vector<16xf32>
      %abs3A_634 = math.absf %get3A_559 : vector<16xf32>
      %max3A_635 = arith.maximumf %abs3A_634, %max3A_601 : vector<16xf32>
      %sub3A_636 = arith.subf %max3A_601, %get3A_559 : vector<16xf32>
      %mul3A_637 = arith.constant 2.000000e-02 : f32
      %mul3A_638 = vector.broadcast %mul3A_637 : f32 to vector<16xf32>
      %mul3A_639 = arith.mulf %mul3A_638, %max3A_635 : vector<16xf32>
      %gt3A_640 = arith.cmpf ogt, %sub3A_636, %mul3A_639 : vector<16xf32>
      %sub3A_641 = arith.subf %get3A_559, %max3A_601 : vector<16xf32>
      %exp3A_642 = math.exp %sub3A_641 : vector<16xf32>
      %jit3A_643 = arith.constant 0.000000e+00 : f32
      %broadcast_in_dim3A_644 = vector.broadcast %jit3A_643 : f32 to vector<16xf32>
      %select_n3A_645 = arith.select %gt3A_640, %broadcast_in_dim3A_644, %exp3A_642 : vector<16xi1>, vector<16xf32>
      %add3A_646 = arith.addf %broadcast_in_dim3A_633, %select_n3A_645 : vector<16xf32>
      %abs3A_647 = math.absf %get3A_564 : vector<16xf32>
      %max3A_648 = arith.maximumf %abs3A_647, %max3A_601 : vector<16xf32>
      %sub3A_649 = arith.subf %max3A_601, %get3A_564 : vector<16xf32>
      %mul3A_650 = arith.constant 2.000000e-02 : f32
      %mul3A_651 = vector.broadcast %mul3A_650 : f32 to vector<16xf32>
      %mul3A_652 = arith.mulf %mul3A_651, %max3A_648 : vector<16xf32>
      %gt3A_653 = arith.cmpf ogt, %sub3A_649, %mul3A_652 : vector<16xf32>
      %sub3A_654 = arith.subf %get3A_564, %max3A_601 : vector<16xf32>
      %exp3A_655 = math.exp %sub3A_654 : vector<16xf32>
      %jit3A_656 = arith.constant 0.000000e+00 : f32
      %broadcast_in_dim3A_657 = vector.broadcast %jit3A_656 : f32 to vector<16xf32>
      %select_n3A_658 = arith.select %gt3A_653, %broadcast_in_dim3A_657, %exp3A_655 : vector<16xi1>, vector<16xf32>
      %add3A_659 = arith.addf %add3A_646, %select_n3A_658 : vector<16xf32>
      %abs3A_660 = math.absf %get3A_569 : vector<16xf32>
      %max3A_661 = arith.maximumf %abs3A_660, %max3A_601 : vector<16xf32>
      %sub3A_662 = arith.subf %max3A_601, %get3A_569 : vector<16xf32>
      %mul3A_663 = arith.constant 2.000000e-02 : f32
      %mul3A_664 = vector.broadcast %mul3A_663 : f32 to vector<16xf32>
      %mul3A_665 = arith.mulf %mul3A_664, %max3A_661 : vector<16xf32>
      %gt3A_666 = arith.cmpf ogt, %sub3A_662, %mul3A_665 : vector<16xf32>
      %sub3A_667 = arith.subf %get3A_569, %max3A_601 : vector<16xf32>
      %exp3A_668 = math.exp %sub3A_667 : vector<16xf32>
      %jit3A_669 = arith.constant 0.000000e+00 : f32
      %broadcast_in_dim3A_670 = vector.broadcast %jit3A_669 : f32 to vector<16xf32>
      %select_n3A_671 = arith.select %gt3A_666, %broadcast_in_dim3A_670, %exp3A_668 : vector<16xi1>, vector<16xf32>
      %add3A_672 = arith.addf %add3A_659, %select_n3A_671 : vector<16xf32>
      %abs3A_673 = math.absf %get3A_574 : vector<16xf32>
      %max3A_674 = arith.maximumf %abs3A_673, %max3A_601 : vector<16xf32>
      %sub3A_675 = arith.subf %max3A_601, %get3A_574 : vector<16xf32>
      %mul3A_676 = arith.constant 2.000000e-02 : f32
      %mul3A_677 = vector.broadcast %mul3A_676 : f32 to vector<16xf32>
      %mul3A_678 = arith.mulf %mul3A_677, %max3A_674 : vector<16xf32>
      %gt3A_679 = arith.cmpf ogt, %sub3A_675, %mul3A_678 : vector<16xf32>
      %sub3A_680 = arith.subf %get3A_574, %max3A_601 : vector<16xf32>
      %exp3A_681 = math.exp %sub3A_680 : vector<16xf32>
      %jit3A_682 = arith.constant 0.000000e+00 : f32
      %broadcast_in_dim3A_683 = vector.broadcast %jit3A_682 : f32 to vector<16xf32>
      %select_n3A_684 = arith.select %gt3A_679, %broadcast_in_dim3A_683, %exp3A_681 : vector<16xi1>, vector<16xf32>
      %add3A_685 = arith.addf %add3A_672, %select_n3A_684 : vector<16xf32>
      %abs3A_686 = math.absf %get3A_579 : vector<16xf32>
      %max3A_687 = arith.maximumf %abs3A_686, %max3A_601 : vector<16xf32>
      %sub3A_688 = arith.subf %max3A_601, %get3A_579 : vector<16xf32>
      %mul3A_689 = arith.constant 2.000000e-02 : f32
      %mul3A_690 = vector.broadcast %mul3A_689 : f32 to vector<16xf32>
      %mul3A_691 = arith.mulf %mul3A_690, %max3A_687 : vector<16xf32>
      %gt3A_692 = arith.cmpf ogt, %sub3A_688, %mul3A_691 : vector<16xf32>
      %sub3A_693 = arith.subf %get3A_579, %max3A_601 : vector<16xf32>
      %exp3A_694 = math.exp %sub3A_693 : vector<16xf32>
      %jit3A_695 = arith.constant 0.000000e+00 : f32
      %broadcast_in_dim3A_696 = vector.broadcast %jit3A_695 : f32 to vector<16xf32>
      %select_n3A_697 = arith.select %gt3A_692, %broadcast_in_dim3A_696, %exp3A_694 : vector<16xi1>, vector<16xf32>
      %add3A_698 = arith.addf %add3A_685, %select_n3A_697 : vector<16xf32>
      %abs3A_699 = math.absf %get3A_584 : vector<16xf32>
      %max3A_700 = arith.maximumf %abs3A_699, %max3A_601 : vector<16xf32>
      %sub3A_701 = arith.subf %max3A_601, %get3A_584 : vector<16xf32>
      %mul3A_702 = arith.constant 2.000000e-02 : f32
      %mul3A_703 = vector.broadcast %mul3A_702 : f32 to vector<16xf32>
      %mul3A_704 = arith.mulf %mul3A_703, %max3A_700 : vector<16xf32>
      %gt3A_705 = arith.cmpf ogt, %sub3A_701, %mul3A_704 : vector<16xf32>
      %sub3A_706 = arith.subf %get3A_584, %max3A_601 : vector<16xf32>
      %exp3A_707 = math.exp %sub3A_706 : vector<16xf32>
      %jit3A_708 = arith.constant 0.000000e+00 : f32
      %broadcast_in_dim3A_709 = vector.broadcast %jit3A_708 : f32 to vector<16xf32>
      %select_n3A_710 = arith.select %gt3A_705, %broadcast_in_dim3A_709, %exp3A_707 : vector<16xi1>, vector<16xf32>
      %add3A_711 = arith.addf %add3A_698, %select_n3A_710 : vector<16xf32>
      %abs3A_712 = math.absf %get3A_589 : vector<16xf32>
      %max3A_713 = arith.maximumf %abs3A_712, %max3A_601 : vector<16xf32>
      %sub3A_714 = arith.subf %max3A_601, %get3A_589 : vector<16xf32>
      %mul3A_715 = arith.constant 2.000000e-02 : f32
      %mul3A_716 = vector.broadcast %mul3A_715 : f32 to vector<16xf32>
      %mul3A_717 = arith.mulf %mul3A_716, %max3A_713 : vector<16xf32>
      %gt3A_718 = arith.cmpf ogt, %sub3A_714, %mul3A_717 : vector<16xf32>
      %sub3A_719 = arith.subf %get3A_589, %max3A_601 : vector<16xf32>
      %exp3A_720 = math.exp %sub3A_719 : vector<16xf32>
      %jit3A_721 = arith.constant 0.000000e+00 : f32
      %broadcast_in_dim3A_722 = vector.broadcast %jit3A_721 : f32 to vector<16xf32>
      %select_n3A_723 = arith.select %gt3A_718, %broadcast_in_dim3A_722, %exp3A_720 : vector<16xi1>, vector<16xf32>
      %add3A_724 = arith.addf %add3A_711, %select_n3A_723 : vector<16xf32>
      %abs3A_725 = math.absf %get3A_594 : vector<16xf32>
      %max3A_726 = arith.maximumf %abs3A_725, %max3A_601 : vector<16xf32>
      %sub3A_727 = arith.subf %max3A_601, %get3A_594 : vector<16xf32>
      %mul3A_728 = arith.constant 2.000000e-02 : f32
      %mul3A_729 = vector.broadcast %mul3A_728 : f32 to vector<16xf32>
      %mul3A_730 = arith.mulf %mul3A_729, %max3A_726 : vector<16xf32>
      %gt3A_731 = arith.cmpf ogt, %sub3A_727, %mul3A_730 : vector<16xf32>
      %sub3A_732 = arith.subf %get3A_594, %max3A_601 : vector<16xf32>
      %exp3A_733 = math.exp %sub3A_732 : vector<16xf32>
      %jit3A_734 = arith.constant 0.000000e+00 : f32
      %broadcast_in_dim3A_735 = vector.broadcast %jit3A_734 : f32 to vector<16xf32>
      %select_n3A_736 = arith.select %gt3A_731, %broadcast_in_dim3A_735, %exp3A_733 : vector<16xi1>, vector<16xf32>
      %add3A_737 = arith.addf %add3A_724, %select_n3A_736 : vector<16xf32>
      %div3A_738 = arith.constant 1.000000e+00 : f32
      %div3A_739 = vector.broadcast %div3A_738 : f32 to vector<16xf32>
      %div3A_740 = arith.divf %div3A_739, %add3A_737 : vector<16xf32>
      %eq3A_741 = arith.constant 0 : i32
      %eq3A_742 = vector.broadcast %eq3A_741 : i32 to vector<16xi32>
      %eq3A_743 = arith.cmpi eq, %select_n3A_631, %eq3A_742 : vector<16xi32>
      %jit3A_744 = arith.constant -1.000000e+30 : f32
      %broadcast_in_dim3A_745 = vector.broadcast %jit3A_744 : f32 to vector<16xf32>
      %select_n3A_746 = arith.select %eq3A_743, %broadcast_in_dim3A_745, %get3A_559 : vector<16xi1>, vector<16xf32>
      %eq3A_747 = arith.constant 1 : i32
      %eq3A_748 = vector.broadcast %eq3A_747 : i32 to vector<16xi32>
      %eq3A_749 = arith.cmpi eq, %select_n3A_631, %eq3A_748 : vector<16xi32>
      %jit3A_750 = arith.constant -1.000000e+30 : f32
      %broadcast_in_dim3A_751 = vector.broadcast %jit3A_750 : f32 to vector<16xf32>
      %select_n3A_752 = arith.select %eq3A_749, %broadcast_in_dim3A_751, %get3A_564 : vector<16xi1>, vector<16xf32>
      %eq3A_753 = arith.constant 2 : i32
      %eq3A_754 = vector.broadcast %eq3A_753 : i32 to vector<16xi32>
      %eq3A_755 = arith.cmpi eq, %select_n3A_631, %eq3A_754 : vector<16xi32>
      %jit3A_756 = arith.constant -1.000000e+30 : f32
      %broadcast_in_dim3A_757 = vector.broadcast %jit3A_756 : f32 to vector<16xf32>
      %select_n3A_758 = arith.select %eq3A_755, %broadcast_in_dim3A_757, %get3A_569 : vector<16xi1>, vector<16xf32>
      %eq3A_759 = arith.constant 3 : i32
      %eq3A_760 = vector.broadcast %eq3A_759 : i32 to vector<16xi32>
      %eq3A_761 = arith.cmpi eq, %select_n3A_631, %eq3A_760 : vector<16xi32>
      %jit3A_762 = arith.constant -1.000000e+30 : f32
      %broadcast_in_dim3A_763 = vector.broadcast %jit3A_762 : f32 to vector<16xf32>
      %select_n3A_764 = arith.select %eq3A_761, %broadcast_in_dim3A_763, %get3A_574 : vector<16xi1>, vector<16xf32>
      %eq3A_765 = arith.constant 4 : i32
      %eq3A_766 = vector.broadcast %eq3A_765 : i32 to vector<16xi32>
      %eq3A_767 = arith.cmpi eq, %select_n3A_631, %eq3A_766 : vector<16xi32>
      %jit3A_768 = arith.constant -1.000000e+30 : f32
      %broadcast_in_dim3A_769 = vector.broadcast %jit3A_768 : f32 to vector<16xf32>
      %select_n3A_770 = arith.select %eq3A_767, %broadcast_in_dim3A_769, %get3A_579 : vector<16xi1>, vector<16xf32>
      %eq3A_771 = arith.constant 5 : i32
      %eq3A_772 = vector.broadcast %eq3A_771 : i32 to vector<16xi32>
      %eq3A_773 = arith.cmpi eq, %select_n3A_631, %eq3A_772 : vector<16xi32>
      %jit3A_774 = arith.constant -1.000000e+30 : f32
      %broadcast_in_dim3A_775 = vector.broadcast %jit3A_774 : f32 to vector<16xf32>
      %select_n3A_776 = arith.select %eq3A_773, %broadcast_in_dim3A_775, %get3A_584 : vector<16xi1>, vector<16xf32>
      %eq3A_777 = arith.constant 6 : i32
      %eq3A_778 = vector.broadcast %eq3A_777 : i32 to vector<16xi32>
      %eq3A_779 = arith.cmpi eq, %select_n3A_631, %eq3A_778 : vector<16xi32>
      %jit3A_780 = arith.constant -1.000000e+30 : f32
      %broadcast_in_dim3A_781 = vector.broadcast %jit3A_780 : f32 to vector<16xf32>
      %select_n3A_782 = arith.select %eq3A_779, %broadcast_in_dim3A_781, %get3A_589 : vector<16xi1>, vector<16xf32>
      %eq3A_783 = arith.constant 7 : i32
      %eq3A_784 = vector.broadcast %eq3A_783 : i32 to vector<16xi32>
      %eq3A_785 = arith.cmpi eq, %select_n3A_631, %eq3A_784 : vector<16xi32>
      %jit3A_786 = arith.constant -1.000000e+30 : f32
      %broadcast_in_dim3A_787 = vector.broadcast %jit3A_786 : f32 to vector<16xf32>
      %select_n3A_788 = arith.select %eq3A_785, %broadcast_in_dim3A_787, %get3A_594 : vector<16xi1>, vector<16xf32>
      %max3A_789 = arith.maximumf %select_n3A_746, %select_n3A_752 : vector<16xf32>
      %max3A_790 = arith.maximumf %max3A_789, %select_n3A_758 : vector<16xf32>
      %max3A_791 = arith.maximumf %max3A_790, %select_n3A_764 : vector<16xf32>
      %max3A_792 = arith.maximumf %max3A_791, %select_n3A_770 : vector<16xf32>
      %max3A_793 = arith.maximumf %max3A_792, %select_n3A_776 : vector<16xf32>
      %max3A_794 = arith.maximumf %max3A_793, %select_n3A_782 : vector<16xf32>
      %max3A_795 = arith.maximumf %max3A_794, %select_n3A_788 : vector<16xf32>
      %broadcast_in_dim3A_796 = arith.constant 7 : i32
      %broadcast_in_dim3A_797 = vector.broadcast %broadcast_in_dim3A_796 : i32 to vector<16xi32>
      %eq3A_798 = arith.cmpf oeq, %select_n3A_782, %max3A_795 : vector<16xf32>
      %jit3A_799 = arith.constant 6 : i32
      %broadcast_in_dim3A_800 = vector.broadcast %jit3A_799 : i32 to vector<16xi32>
      %select_n3A_801 = arith.select %eq3A_798, %broadcast_in_dim3A_800, %broadcast_in_dim3A_797 : vector<16xi1>, vector<16xi32>
      %eq3A_802 = arith.cmpf oeq, %select_n3A_776, %max3A_795 : vector<16xf32>
      %jit3A_803 = arith.constant 5 : i32
      %broadcast_in_dim3A_804 = vector.broadcast %jit3A_803 : i32 to vector<16xi32>
      %select_n3A_805 = arith.select %eq3A_802, %broadcast_in_dim3A_804, %select_n3A_801 : vector<16xi1>, vector<16xi32>
      %eq3A_806 = arith.cmpf oeq, %select_n3A_770, %max3A_795 : vector<16xf32>
      %jit3A_807 = arith.constant 4 : i32
      %broadcast_in_dim3A_808 = vector.broadcast %jit3A_807 : i32 to vector<16xi32>
      %select_n3A_809 = arith.select %eq3A_806, %broadcast_in_dim3A_808, %select_n3A_805 : vector<16xi1>, vector<16xi32>
      %eq3A_810 = arith.cmpf oeq, %select_n3A_764, %max3A_795 : vector<16xf32>
      %jit3A_811 = arith.constant 3 : i32
      %broadcast_in_dim3A_812 = vector.broadcast %jit3A_811 : i32 to vector<16xi32>
      %select_n3A_813 = arith.select %eq3A_810, %broadcast_in_dim3A_812, %select_n3A_809 : vector<16xi1>, vector<16xi32>
      %eq3A_814 = arith.cmpf oeq, %select_n3A_758, %max3A_795 : vector<16xf32>
      %jit3A_815 = arith.constant 2 : i32
      %broadcast_in_dim3A_816 = vector.broadcast %jit3A_815 : i32 to vector<16xi32>
      %select_n3A_817 = arith.select %eq3A_814, %broadcast_in_dim3A_816, %select_n3A_813 : vector<16xi1>, vector<16xi32>
      %eq3A_818 = arith.cmpf oeq, %select_n3A_752, %max3A_795 : vector<16xf32>
      %jit3A_819 = arith.constant 1 : i32
      %broadcast_in_dim3A_820 = vector.broadcast %jit3A_819 : i32 to vector<16xi32>
      %select_n3A_821 = arith.select %eq3A_818, %broadcast_in_dim3A_820, %select_n3A_817 : vector<16xi1>, vector<16xi32>
      %eq3A_822 = arith.cmpf oeq, %select_n3A_746, %max3A_795 : vector<16xf32>
      %jit3A_823 = arith.constant 0 : i32
      %broadcast_in_dim3A_824 = vector.broadcast %jit3A_823 : i32 to vector<16xi32>
      %select_n3A_825 = arith.select %eq3A_822, %broadcast_in_dim3A_824, %select_n3A_821 : vector<16xi1>, vector<16xi32>
      %broadcast_in_dim3A_826 = arith.constant 0.000000e+00 : f32
      %broadcast_in_dim3A_827 = vector.broadcast %broadcast_in_dim3A_826 : f32 to vector<16xf32>
      %abs3A_828 = math.absf %get3A_559 : vector<16xf32>
      %max3A_829 = arith.maximumf %abs3A_828, %max3A_795 : vector<16xf32>
      %sub3A_830 = arith.subf %max3A_795, %get3A_559 : vector<16xf32>
      %mul3A_831 = arith.constant 2.000000e-02 : f32
      %mul3A_832 = vector.broadcast %mul3A_831 : f32 to vector<16xf32>
      %mul3A_833 = arith.mulf %mul3A_832, %max3A_829 : vector<16xf32>
      %gt3A_834 = arith.cmpf ogt, %sub3A_830, %mul3A_833 : vector<16xf32>
      %eq3A_835 = arith.constant 0 : i32
      %eq3A_836 = vector.broadcast %eq3A_835 : i32 to vector<16xi32>
      %eq3A_837 = arith.cmpi eq, %select_n3A_631, %eq3A_836 : vector<16xi32>
      %or3A_838 = arith.ori %gt3A_834, %eq3A_837 : vector<16xi1>
      %sub3A_839 = arith.subf %get3A_559, %max3A_795 : vector<16xf32>
      %exp3A_840 = math.exp %sub3A_839 : vector<16xf32>
      %jit3A_841 = arith.constant 0.000000e+00 : f32
      %broadcast_in_dim3A_842 = vector.broadcast %jit3A_841 : f32 to vector<16xf32>
      %select_n3A_843 = arith.select %or3A_838, %broadcast_in_dim3A_842, %exp3A_840 : vector<16xi1>, vector<16xf32>
      %add3A_844 = arith.addf %broadcast_in_dim3A_827, %select_n3A_843 : vector<16xf32>
      %abs3A_845 = math.absf %get3A_564 : vector<16xf32>
      %max3A_846 = arith.maximumf %abs3A_845, %max3A_795 : vector<16xf32>
      %sub3A_847 = arith.subf %max3A_795, %get3A_564 : vector<16xf32>
      %mul3A_848 = arith.constant 2.000000e-02 : f32
      %mul3A_849 = vector.broadcast %mul3A_848 : f32 to vector<16xf32>
      %mul3A_850 = arith.mulf %mul3A_849, %max3A_846 : vector<16xf32>
      %gt3A_851 = arith.cmpf ogt, %sub3A_847, %mul3A_850 : vector<16xf32>
      %eq3A_852 = arith.constant 1 : i32
      %eq3A_853 = vector.broadcast %eq3A_852 : i32 to vector<16xi32>
      %eq3A_854 = arith.cmpi eq, %select_n3A_631, %eq3A_853 : vector<16xi32>
      %or3A_855 = arith.ori %gt3A_851, %eq3A_854 : vector<16xi1>
      %sub3A_856 = arith.subf %get3A_564, %max3A_795 : vector<16xf32>
      %exp3A_857 = math.exp %sub3A_856 : vector<16xf32>
      %jit3A_858 = arith.constant 0.000000e+00 : f32
      %broadcast_in_dim3A_859 = vector.broadcast %jit3A_858 : f32 to vector<16xf32>
      %select_n3A_860 = arith.select %or3A_855, %broadcast_in_dim3A_859, %exp3A_857 : vector<16xi1>, vector<16xf32>
      %add3A_861 = arith.addf %add3A_844, %select_n3A_860 : vector<16xf32>
      %abs3A_862 = math.absf %get3A_569 : vector<16xf32>
      %max3A_863 = arith.maximumf %abs3A_862, %max3A_795 : vector<16xf32>
      %sub3A_864 = arith.subf %max3A_795, %get3A_569 : vector<16xf32>
      %mul3A_865 = arith.constant 2.000000e-02 : f32
      %mul3A_866 = vector.broadcast %mul3A_865 : f32 to vector<16xf32>
      %mul3A_867 = arith.mulf %mul3A_866, %max3A_863 : vector<16xf32>
      %gt3A_868 = arith.cmpf ogt, %sub3A_864, %mul3A_867 : vector<16xf32>
      %eq3A_869 = arith.constant 2 : i32
      %eq3A_870 = vector.broadcast %eq3A_869 : i32 to vector<16xi32>
      %eq3A_871 = arith.cmpi eq, %select_n3A_631, %eq3A_870 : vector<16xi32>
      %or3A_872 = arith.ori %gt3A_868, %eq3A_871 : vector<16xi1>
      %sub3A_873 = arith.subf %get3A_569, %max3A_795 : vector<16xf32>
      %exp3A_874 = math.exp %sub3A_873 : vector<16xf32>
      %jit3A_875 = arith.constant 0.000000e+00 : f32
      %broadcast_in_dim3A_876 = vector.broadcast %jit3A_875 : f32 to vector<16xf32>
      %select_n3A_877 = arith.select %or3A_872, %broadcast_in_dim3A_876, %exp3A_874 : vector<16xi1>, vector<16xf32>
      %add3A_878 = arith.addf %add3A_861, %select_n3A_877 : vector<16xf32>
      %abs3A_879 = math.absf %get3A_574 : vector<16xf32>
      %max3A_880 = arith.maximumf %abs3A_879, %max3A_795 : vector<16xf32>
      %sub3A_881 = arith.subf %max3A_795, %get3A_574 : vector<16xf32>
      %mul3A_882 = arith.constant 2.000000e-02 : f32
      %mul3A_883 = vector.broadcast %mul3A_882 : f32 to vector<16xf32>
      %mul3A_884 = arith.mulf %mul3A_883, %max3A_880 : vector<16xf32>
      %gt3A_885 = arith.cmpf ogt, %sub3A_881, %mul3A_884 : vector<16xf32>
      %eq3A_886 = arith.constant 3 : i32
      %eq3A_887 = vector.broadcast %eq3A_886 : i32 to vector<16xi32>
      %eq3A_888 = arith.cmpi eq, %select_n3A_631, %eq3A_887 : vector<16xi32>
      %or3A_889 = arith.ori %gt3A_885, %eq3A_888 : vector<16xi1>
      %sub3A_890 = arith.subf %get3A_574, %max3A_795 : vector<16xf32>
      %exp3A_891 = math.exp %sub3A_890 : vector<16xf32>
      %jit3A_892 = arith.constant 0.000000e+00 : f32
      %broadcast_in_dim3A_893 = vector.broadcast %jit3A_892 : f32 to vector<16xf32>
      %select_n3A_894 = arith.select %or3A_889, %broadcast_in_dim3A_893, %exp3A_891 : vector<16xi1>, vector<16xf32>
      %add3A_895 = arith.addf %add3A_878, %select_n3A_894 : vector<16xf32>
      %abs3A_896 = math.absf %get3A_579 : vector<16xf32>
      %max3A_897 = arith.maximumf %abs3A_896, %max3A_795 : vector<16xf32>
      %sub3A_898 = arith.subf %max3A_795, %get3A_579 : vector<16xf32>
      %mul3A_899 = arith.constant 2.000000e-02 : f32
      %mul3A_900 = vector.broadcast %mul3A_899 : f32 to vector<16xf32>
      %mul3A_901 = arith.mulf %mul3A_900, %max3A_897 : vector<16xf32>
      %gt3A_902 = arith.cmpf ogt, %sub3A_898, %mul3A_901 : vector<16xf32>
      %eq3A_903 = arith.constant 4 : i32
      %eq3A_904 = vector.broadcast %eq3A_903 : i32 to vector<16xi32>
      %eq3A_905 = arith.cmpi eq, %select_n3A_631, %eq3A_904 : vector<16xi32>
      %or3A_906 = arith.ori %gt3A_902, %eq3A_905 : vector<16xi1>
      %sub3A_907 = arith.subf %get3A_579, %max3A_795 : vector<16xf32>
      %exp3A_908 = math.exp %sub3A_907 : vector<16xf32>
      %jit3A_909 = arith.constant 0.000000e+00 : f32
      %broadcast_in_dim3A_910 = vector.broadcast %jit3A_909 : f32 to vector<16xf32>
      %select_n3A_911 = arith.select %or3A_906, %broadcast_in_dim3A_910, %exp3A_908 : vector<16xi1>, vector<16xf32>
      %add3A_912 = arith.addf %add3A_895, %select_n3A_911 : vector<16xf32>
      %abs3A_913 = math.absf %get3A_584 : vector<16xf32>
      %max3A_914 = arith.maximumf %abs3A_913, %max3A_795 : vector<16xf32>
      %sub3A_915 = arith.subf %max3A_795, %get3A_584 : vector<16xf32>
      %mul3A_916 = arith.constant 2.000000e-02 : f32
      %mul3A_917 = vector.broadcast %mul3A_916 : f32 to vector<16xf32>
      %mul3A_918 = arith.mulf %mul3A_917, %max3A_914 : vector<16xf32>
      %gt3A_919 = arith.cmpf ogt, %sub3A_915, %mul3A_918 : vector<16xf32>
      %eq3A_920 = arith.constant 5 : i32
      %eq3A_921 = vector.broadcast %eq3A_920 : i32 to vector<16xi32>
      %eq3A_922 = arith.cmpi eq, %select_n3A_631, %eq3A_921 : vector<16xi32>
      %or3A_923 = arith.ori %gt3A_919, %eq3A_922 : vector<16xi1>
      %sub3A_924 = arith.subf %get3A_584, %max3A_795 : vector<16xf32>
      %exp3A_925 = math.exp %sub3A_924 : vector<16xf32>
      %jit3A_926 = arith.constant 0.000000e+00 : f32
      %broadcast_in_dim3A_927 = vector.broadcast %jit3A_926 : f32 to vector<16xf32>
      %select_n3A_928 = arith.select %or3A_923, %broadcast_in_dim3A_927, %exp3A_925 : vector<16xi1>, vector<16xf32>
      %add3A_929 = arith.addf %add3A_912, %select_n3A_928 : vector<16xf32>
      %abs3A_930 = math.absf %get3A_589 : vector<16xf32>
      %max3A_931 = arith.maximumf %abs3A_930, %max3A_795 : vector<16xf32>
      %sub3A_932 = arith.subf %max3A_795, %get3A_589 : vector<16xf32>
      %mul3A_933 = arith.constant 2.000000e-02 : f32
      %mul3A_934 = vector.broadcast %mul3A_933 : f32 to vector<16xf32>
      %mul3A_935 = arith.mulf %mul3A_934, %max3A_931 : vector<16xf32>
      %gt3A_936 = arith.cmpf ogt, %sub3A_932, %mul3A_935 : vector<16xf32>
      %eq3A_937 = arith.constant 6 : i32
      %eq3A_938 = vector.broadcast %eq3A_937 : i32 to vector<16xi32>
      %eq3A_939 = arith.cmpi eq, %select_n3A_631, %eq3A_938 : vector<16xi32>
      %or3A_940 = arith.ori %gt3A_936, %eq3A_939 : vector<16xi1>
      %sub3A_941 = arith.subf %get3A_589, %max3A_795 : vector<16xf32>
      %exp3A_942 = math.exp %sub3A_941 : vector<16xf32>
      %jit3A_943 = arith.constant 0.000000e+00 : f32
      %broadcast_in_dim3A_944 = vector.broadcast %jit3A_943 : f32 to vector<16xf32>
      %select_n3A_945 = arith.select %or3A_940, %broadcast_in_dim3A_944, %exp3A_942 : vector<16xi1>, vector<16xf32>
      %add3A_946 = arith.addf %add3A_929, %select_n3A_945 : vector<16xf32>
      %abs3A_947 = math.absf %get3A_594 : vector<16xf32>
      %max3A_948 = arith.maximumf %abs3A_947, %max3A_795 : vector<16xf32>
      %sub3A_949 = arith.subf %max3A_795, %get3A_594 : vector<16xf32>
      %mul3A_950 = arith.constant 2.000000e-02 : f32
      %mul3A_951 = vector.broadcast %mul3A_950 : f32 to vector<16xf32>
      %mul3A_952 = arith.mulf %mul3A_951, %max3A_948 : vector<16xf32>
      %gt3A_953 = arith.cmpf ogt, %sub3A_949, %mul3A_952 : vector<16xf32>
      %eq3A_954 = arith.constant 7 : i32
      %eq3A_955 = vector.broadcast %eq3A_954 : i32 to vector<16xi32>
      %eq3A_956 = arith.cmpi eq, %select_n3A_631, %eq3A_955 : vector<16xi32>
      %or3A_957 = arith.ori %gt3A_953, %eq3A_956 : vector<16xi1>
      %sub3A_958 = arith.subf %get3A_594, %max3A_795 : vector<16xf32>
      %exp3A_959 = math.exp %sub3A_958 : vector<16xf32>
      %jit3A_960 = arith.constant 0.000000e+00 : f32
      %broadcast_in_dim3A_961 = vector.broadcast %jit3A_960 : f32 to vector<16xf32>
      %select_n3A_962 = arith.select %or3A_957, %broadcast_in_dim3A_961, %exp3A_959 : vector<16xi1>, vector<16xf32>
      %add3A_963 = arith.addf %add3A_946, %select_n3A_962 : vector<16xf32>
      %div3A_964 = arith.constant 1.000000e+00 : f32
      %div3A_965 = vector.broadcast %div3A_964 : f32 to vector<16xf32>
      %div3A_966 = arith.divf %div3A_965, %add3A_963 : vector<16xf32>
      %eq3A_967 = arith.constant 0 : i32
      %eq3A_968 = vector.broadcast %eq3A_967 : i32 to vector<16xi32>
      %eq3A_969 = arith.cmpi eq, %select_n3A_631, %eq3A_968 : vector<16xi32>
      %jit3A_970 = arith.constant 0.000000e+00 : f32
      %broadcast_in_dim3A_971 = vector.broadcast %jit3A_970 : f32 to vector<16xf32>
      %select_n3A_972 = arith.select %eq3A_969, %div3A_740, %broadcast_in_dim3A_971 : vector<16xi1>, vector<16xf32>
      %eq3A_973 = arith.constant 0 : i32
      %eq3A_974 = vector.broadcast %eq3A_973 : i32 to vector<16xi32>
      %eq3A_975 = arith.cmpi eq, %select_n3A_825, %eq3A_974 : vector<16xi32>
      %jit3A_976 = arith.constant 0.000000e+00 : f32
      %broadcast_in_dim3A_977 = vector.broadcast %jit3A_976 : f32 to vector<16xf32>
      %select_n3A_978 = arith.select %eq3A_975, %div3A_966, %broadcast_in_dim3A_977 : vector<16xi1>, vector<16xf32>
      %add3A_979 = arith.addf %select_n3A_972, %select_n3A_978 : vector<16xf32>
      %swap3A_980 = arith.constant 0 : i32
      %swap3A_981 = arith.index_cast %swap3A_980 : i32 to index
      %swap3A_982 = arith.constant 16 : index
      %swap3A_983 = tpu.vector_load %arg5[%swap3A_981, %swap3A_982] {strides = array<i32>} : memref<8x64xf32, #tpu.memory_space<vmem>>, vector<1x16xf32>,
      %swap3A_984 = vector.shape_cast %swap3A_983 : vector<1x16xf32> to vector<16xf32>
      %swap3A_985 = vector.shape_cast %add3A_979 : vector<16xf32> to vector<1x16xf32>
      tpu.vector_store %arg5[%swap3A_981, %swap3A_982], %swap3A_985 {strides = array<i32>} : memref<8x64xf32, #tpu.memory_space<vmem>>, vector<1x16xf32>,
      %eq3A_986 = arith.constant 1 : i32
      %eq3A_987 = vector.broadcast %eq3A_986 : i32 to vector<16xi32>
      %eq3A_988 = arith.cmpi eq, %select_n3A_631, %eq3A_987 : vector<16xi32>
      %jit3A_989 = arith.constant 0.000000e+00 : f32
      %broadcast_in_dim3A_990 = vector.broadcast %jit3A_989 : f32 to vector<16xf32>
      %select_n3A_991 = arith.select %eq3A_988, %div3A_740, %broadcast_in_dim3A_990 : vector<16xi1>, vector<16xf32>
      %eq3A_992 = arith.constant 1 : i32
      %eq3A_993 = vector.broadcast %eq3A_992 : i32 to vector<16xi32>
      %eq3A_994 = arith.cmpi eq, %select_n3A_825, %eq3A_993 : vector<16xi32>
      %jit3A_995 = arith.constant 0.000000e+00 : f32
      %broadcast_in_dim3A_996 = vector.broadcast %jit3A_995 : f32 to vector<16xf32>
      %select_n3A_997 = arith.select %eq3A_994, %div3A_966, %broadcast_in_dim3A_996 : vector<16xi1>, vector<16xf32>
      %add3A_998 = arith.addf %select_n3A_991, %select_n3A_997 : vector<16xf32>
      %swap3A_999 = arith.constant 1 : i32
      %swap3A_1000 = arith.index_cast %swap3A_999 : i32 to index
      %swap3A_1001 = arith.constant 16 : index
      %swap3A_1002 = tpu.vector_load %arg5[%swap3A_1000, %swap3A_1001] {strides = array<i32>} : memref<8x64xf32, #tpu.memory_space<vmem>>, vector<1x16xf32>,
      %swap3A_1003 = vector.shape_cast %swap3A_1002 : vector<1x16xf32> to vector<16xf32>
      %swap3A_1004 = vector.shape_cast %add3A_998 : vector<16xf32> to vector<1x16xf32>
      tpu.vector_store %arg5[%swap3A_1000, %swap3A_1001], %swap3A_1004 {strides = array<i32>} : memref<8x64xf32, #tpu.memory_space<vmem>>, vector<1x16xf32>,
      %eq3A_1005 = arith.constant 2 : i32
      %eq3A_1006 = vector.broadcast %eq3A_1005 : i32 to vector<16xi32>
      %eq3A_1007 = arith.cmpi eq, %select_n3A_631, %eq3A_1006 : vector<16xi32>
      %jit3A_1008 = arith.constant 0.000000e+00 : f32
      %broadcast_in_dim3A_1009 = vector.broadcast %jit3A_1008 : f32 to vector<16xf32>
      %select_n3A_1010 = arith.select %eq3A_1007, %div3A_740, %broadcast_in_dim3A_1009 : vector<16xi1>, vector<16xf32>
      %eq3A_1011 = arith.constant 2 : i32
      %eq3A_1012 = vector.broadcast %eq3A_1011 : i32 to vector<16xi32>
      %eq3A_1013 = arith.cmpi eq, %select_n3A_825, %eq3A_1012 : vector<16xi32>
      %jit3A_1014 = arith.constant 0.000000e+00 : f32
      %broadcast_in_dim3A_1015 = vector.broadcast %jit3A_1014 : f32 to vector<16xf32>
      %select_n3A_1016 = arith.select %eq3A_1013, %div3A_966, %broadcast_in_dim3A_1015 : vector<16xi1>, vector<16xf32>
      %add3A_1017 = arith.addf %select_n3A_1010, %select_n3A_1016 : vector<16xf32>
      %swap3A_1018 = arith.constant 2 : i32
      %swap3A_1019 = arith.index_cast %swap3A_1018 : i32 to index
      %swap3A_1020 = arith.constant 16 : index
      %swap3A_1021 = tpu.vector_load %arg5[%swap3A_1019, %swap3A_1020] {strides = array<i32>} : memref<8x64xf32, #tpu.memory_space<vmem>>, vector<1x16xf32>,
      %swap3A_1022 = vector.shape_cast %swap3A_1021 : vector<1x16xf32> to vector<16xf32>
      %swap3A_1023 = vector.shape_cast %add3A_1017 : vector<16xf32> to vector<1x16xf32>
      tpu.vector_store %arg5[%swap3A_1019, %swap3A_1020], %swap3A_1023 {strides = array<i32>} : memref<8x64xf32, #tpu.memory_space<vmem>>, vector<1x16xf32>,
      %eq3A_1024 = arith.constant 3 : i32
      %eq3A_1025 = vector.broadcast %eq3A_1024 : i32 to vector<16xi32>
      %eq3A_1026 = arith.cmpi eq, %select_n3A_631, %eq3A_1025 : vector<16xi32>
      %jit3A_1027 = arith.constant 0.000000e+00 : f32
      %broadcast_in_dim3A_1028 = vector.broadcast %jit3A_1027 : f32 to vector<16xf32>
      %select_n3A_1029 = arith.select %eq3A_1026, %div3A_740, %broadcast_in_dim3A_1028 : vector<16xi1>, vector<16xf32>
      %eq3A_1030 = arith.constant 3 : i32
      %eq3A_1031 = vector.broadcast %eq3A_1030 : i32 to vector<16xi32>
      %eq3A_1032 = arith.cmpi eq, %select_n3A_825, %eq3A_1031 : vector<16xi32>
      %jit3A_1033 = arith.constant 0.000000e+00 : f32
      %broadcast_in_dim3A_1034 = vector.broadcast %jit3A_1033 : f32 to vector<16xf32>
      %select_n3A_1035 = arith.select %eq3A_1032, %div3A_966, %broadcast_in_dim3A_1034 : vector<16xi1>, vector<16xf32>
      %add3A_1036 = arith.addf %select_n3A_1029, %select_n3A_1035 : vector<16xf32>
      %swap3A_1037 = arith.constant 3 : i32
      %swap3A_1038 = arith.index_cast %swap3A_1037 : i32 to index
      %swap3A_1039 = arith.constant 16 : index
      %swap3A_1040 = tpu.vector_load %arg5[%swap3A_1038, %swap3A_1039] {strides = array<i32>} : memref<8x64xf32, #tpu.memory_space<vmem>>, vector<1x16xf32>,
      %swap3A_1041 = vector.shape_cast %swap3A_1040 : vector<1x16xf32> to vector<16xf32>
      %swap3A_1042 = vector.shape_cast %add3A_1036 : vector<16xf32> to vector<1x16xf32>
      tpu.vector_store %arg5[%swap3A_1038, %swap3A_1039], %swap3A_1042 {strides = array<i32>} : memref<8x64xf32, #tpu.memory_space<vmem>>, vector<1x16xf32>,
      %eq3A_1043 = arith.constant 4 : i32
      %eq3A_1044 = vector.broadcast %eq3A_1043 : i32 to vector<16xi32>
      %eq3A_1045 = arith.cmpi eq, %select_n3A_631, %eq3A_1044 : vector<16xi32>
      %jit3A_1046 = arith.constant 0.000000e+00 : f32
      %broadcast_in_dim3A_1047 = vector.broadcast %jit3A_1046 : f32 to vector<16xf32>
      %select_n3A_1048 = arith.select %eq3A_1045, %div3A_740, %broadcast_in_dim3A_1047 : vector<16xi1>, vector<16xf32>
      %eq3A_1049 = arith.constant 4 : i32
      %eq3A_1050 = vector.broadcast %eq3A_1049 : i32 to vector<16xi32>
      %eq3A_1051 = arith.cmpi eq, %select_n3A_825, %eq3A_1050 : vector<16xi32>
      %jit3A_1052 = arith.constant 0.000000e+00 : f32
      %broadcast_in_dim3A_1053 = vector.broadcast %jit3A_1052 : f32 to vector<16xf32>
      %select_n3A_1054 = arith.select %eq3A_1051, %div3A_966, %broadcast_in_dim3A_1053 : vector<16xi1>, vector<16xf32>
      %add3A_1055 = arith.addf %select_n3A_1048, %select_n3A_1054 : vector<16xf32>
      %swap3A_1056 = arith.constant 4 : i32
      %swap3A_1057 = arith.index_cast %swap3A_1056 : i32 to index
      %swap3A_1058 = arith.constant 16 : index
      %swap3A_1059 = tpu.vector_load %arg5[%swap3A_1057, %swap3A_1058] {strides = array<i32>} : memref<8x64xf32, #tpu.memory_space<vmem>>, vector<1x16xf32>,
      %swap3A_1060 = vector.shape_cast %swap3A_1059 : vector<1x16xf32> to vector<16xf32>
      %swap3A_1061 = vector.shape_cast %add3A_1055 : vector<16xf32> to vector<1x16xf32>
      tpu.vector_store %arg5[%swap3A_1057, %swap3A_1058], %swap3A_1061 {strides = array<i32>} : memref<8x64xf32, #tpu.memory_space<vmem>>, vector<1x16xf32>,
      %eq3A_1062 = arith.constant 5 : i32
      %eq3A_1063 = vector.broadcast %eq3A_1062 : i32 to vector<16xi32>
      %eq3A_1064 = arith.cmpi eq, %select_n3A_631, %eq3A_1063 : vector<16xi32>
      %jit3A_1065 = arith.constant 0.000000e+00 : f32
      %broadcast_in_dim3A_1066 = vector.broadcast %jit3A_1065 : f32 to vector<16xf32>
      %select_n3A_1067 = arith.select %eq3A_1064, %div3A_740, %broadcast_in_dim3A_1066 : vector<16xi1>, vector<16xf32>
      %eq3A_1068 = arith.constant 5 : i32
      %eq3A_1069 = vector.broadcast %eq3A_1068 : i32 to vector<16xi32>
      %eq3A_1070 = arith.cmpi eq, %select_n3A_825, %eq3A_1069 : vector<16xi32>
      %jit3A_1071 = arith.constant 0.000000e+00 : f32
      %broadcast_in_dim3A_1072 = vector.broadcast %jit3A_1071 : f32 to vector<16xf32>
      %select_n3A_1073 = arith.select %eq3A_1070, %div3A_966, %broadcast_in_dim3A_1072 : vector<16xi1>, vector<16xf32>
      %add3A_1074 = arith.addf %select_n3A_1067, %select_n3A_1073 : vector<16xf32>
      %swap3A_1075 = arith.constant 5 : i32
      %swap3A_1076 = arith.index_cast %swap3A_1075 : i32 to index
      %swap3A_1077 = arith.constant 16 : index
      %swap3A_1078 = tpu.vector_load %arg5[%swap3A_1076, %swap3A_1077] {strides = array<i32>} : memref<8x64xf32, #tpu.memory_space<vmem>>, vector<1x16xf32>,
      %swap3A_1079 = vector.shape_cast %swap3A_1078 : vector<1x16xf32> to vector<16xf32>
      %swap3A_1080 = vector.shape_cast %add3A_1074 : vector<16xf32> to vector<1x16xf32>
      tpu.vector_store %arg5[%swap3A_1076, %swap3A_1077], %swap3A_1080 {strides = array<i32>} : memref<8x64xf32, #tpu.memory_space<vmem>>, vector<1x16xf32>,
      %eq3A_1081 = arith.constant 6 : i32
      %eq3A_1082 = vector.broadcast %eq3A_1081 : i32 to vector<16xi32>
      %eq3A_1083 = arith.cmpi eq, %select_n3A_631, %eq3A_1082 : vector<16xi32>
      %jit3A_1084 = arith.constant 0.000000e+00 : f32
      %broadcast_in_dim3A_1085 = vector.broadcast %jit3A_1084 : f32 to vector<16xf32>
      %select_n3A_1086 = arith.select %eq3A_1083, %div3A_740, %broadcast_in_dim3A_1085 : vector<16xi1>, vector<16xf32>
      %eq3A_1087 = arith.constant 6 : i32
      %eq3A_1088 = vector.broadcast %eq3A_1087 : i32 to vector<16xi32>
      %eq3A_1089 = arith.cmpi eq, %select_n3A_825, %eq3A_1088 : vector<16xi32>
      %jit3A_1090 = arith.constant 0.000000e+00 : f32
      %broadcast_in_dim3A_1091 = vector.broadcast %jit3A_1090 : f32 to vector<16xf32>
      %select_n3A_1092 = arith.select %eq3A_1089, %div3A_966, %broadcast_in_dim3A_1091 : vector<16xi1>, vector<16xf32>
      %add3A_1093 = arith.addf %select_n3A_1086, %select_n3A_1092 : vector<16xf32>
      %swap3A_1094 = arith.constant 6 : i32
      %swap3A_1095 = arith.index_cast %swap3A_1094 : i32 to index
      %swap3A_1096 = arith.constant 16 : index
      %swap3A_1097 = tpu.vector_load %arg5[%swap3A_1095, %swap3A_1096] {strides = array<i32>} : memref<8x64xf32, #tpu.memory_space<vmem>>, vector<1x16xf32>,
      %swap3A_1098 = vector.shape_cast %swap3A_1097 : vector<1x16xf32> to vector<16xf32>
      %swap3A_1099 = vector.shape_cast %add3A_1093 : vector<16xf32> to vector<1x16xf32>
      tpu.vector_store %arg5[%swap3A_1095, %swap3A_1096], %swap3A_1099 {strides = array<i32>} : memref<8x64xf32, #tpu.memory_space<vmem>>, vector<1x16xf32>,
      %eq3A_1100 = arith.constant 7 : i32
      %eq3A_1101 = vector.broadcast %eq3A_1100 : i32 to vector<16xi32>
      %eq3A_1102 = arith.cmpi eq, %select_n3A_631, %eq3A_1101 : vector<16xi32>
      %jit3A_1103 = arith.constant 0.000000e+00 : f32
      %broadcast_in_dim3A_1104 = vector.broadcast %jit3A_1103 : f32 to vector<16xf32>
      %select_n3A_1105 = arith.select %eq3A_1102, %div3A_740, %broadcast_in_dim3A_1104 : vector<16xi1>, vector<16xf32>
      %eq3A_1106 = arith.constant 7 : i32
      %eq3A_1107 = vector.broadcast %eq3A_1106 : i32 to vector<16xi32>
      %eq3A_1108 = arith.cmpi eq, %select_n3A_825, %eq3A_1107 : vector<16xi32>
      %jit3A_1109 = arith.constant 0.000000e+00 : f32
      %broadcast_in_dim3A_1110 = vector.broadcast %jit3A_1109 : f32 to vector<16xf32>
      %select_n3A_1111 = arith.select %eq3A_1108, %div3A_966, %broadcast_in_dim3A_1110 : vector<16xi1>, vector<16xf32>
      %add3A_1112 = arith.addf %select_n3A_1105, %select_n3A_1111 : vector<16xf32>
      %swap3A_1113 = arith.constant 7 : i32
      %swap3A_1114 = arith.index_cast %swap3A_1113 : i32 to index
      %swap3A_1115 = arith.constant 16 : index
      %swap3A_1116 = tpu.vector_load %arg5[%swap3A_1114, %swap3A_1115] {strides = array<i32>} : memref<8x64xf32, #tpu.memory_space<vmem>>, vector<1x16xf32>,
      %swap3A_1117 = vector.shape_cast %swap3A_1116 : vector<1x16xf32> to vector<16xf32>
      %swap3A_1118 = vector.shape_cast %add3A_1112 : vector<16xf32> to vector<1x16xf32>
      tpu.vector_store %arg5[%swap3A_1114, %swap3A_1115], %swap3A_1118 {strides = array<i32>} : memref<8x64xf32, #tpu.memory_space<vmem>>, vector<1x16xf32>,
      %get3A_1119 = arith.constant 0 : i32
      %get3A_1120 = arith.index_cast %get3A_1119 : i32 to index
      %get3A_1121 = arith.constant 32 : index
      %get3A_1122 = tpu.vector_load %arg4[%get3A_1120, %get3A_1121] {strides = array<i32>} : memref<8x64xf32, #tpu.memory_space<vmem>>, vector<1x16xf32>,
      %get3A_1123 = vector.shape_cast %get3A_1122 : vector<1x16xf32> to vector<16xf32>
      %get3A_1124 = arith.constant 1 : i32
      %get3A_1125 = arith.index_cast %get3A_1124 : i32 to index
      %get3A_1126 = arith.constant 32 : index
      %get3A_1127 = tpu.vector_load %arg4[%get3A_1125, %get3A_1126] {strides = array<i32>} : memref<8x64xf32, #tpu.memory_space<vmem>>, vector<1x16xf32>,
      %get3A_1128 = vector.shape_cast %get3A_1127 : vector<1x16xf32> to vector<16xf32>
      %get3A_1129 = arith.constant 2 : i32
      %get3A_1130 = arith.index_cast %get3A_1129 : i32 to index
      %get3A_1131 = arith.constant 32 : index
      %get3A_1132 = tpu.vector_load %arg4[%get3A_1130, %get3A_1131] {strides = array<i32>} : memref<8x64xf32, #tpu.memory_space<vmem>>, vector<1x16xf32>,
      %get3A_1133 = vector.shape_cast %get3A_1132 : vector<1x16xf32> to vector<16xf32>
      %get3A_1134 = arith.constant 3 : i32
      %get3A_1135 = arith.index_cast %get3A_1134 : i32 to index
      %get3A_1136 = arith.constant 32 : index
      %get3A_1137 = tpu.vector_load %arg4[%get3A_1135, %get3A_1136] {strides = array<i32>} : memref<8x64xf32, #tpu.memory_space<vmem>>, vector<1x16xf32>,
      %get3A_1138 = vector.shape_cast %get3A_1137 : vector<1x16xf32> to vector<16xf32>
      %get3A_1139 = arith.constant 4 : i32
      %get3A_1140 = arith.index_cast %get3A_1139 : i32 to index
      %get3A_1141 = arith.constant 32 : index
      %get3A_1142 = tpu.vector_load %arg4[%get3A_1140, %get3A_1141] {strides = array<i32>} : memref<8x64xf32, #tpu.memory_space<vmem>>, vector<1x16xf32>,
      %get3A_1143 = vector.shape_cast %get3A_1142 : vector<1x16xf32> to vector<16xf32>
      %get3A_1144 = arith.constant 5 : i32
      %get3A_1145 = arith.index_cast %get3A_1144 : i32 to index
      %get3A_1146 = arith.constant 32 : index
      %get3A_1147 = tpu.vector_load %arg4[%get3A_1145, %get3A_1146] {strides = array<i32>} : memref<8x64xf32, #tpu.memory_space<vmem>>, vector<1x16xf32>,
      %get3A_1148 = vector.shape_cast %get3A_1147 : vector<1x16xf32> to vector<16xf32>
      %get3A_1149 = arith.constant 6 : i32
      %get3A_1150 = arith.index_cast %get3A_1149 : i32 to index
      %get3A_1151 = arith.constant 32 : index
      %get3A_1152 = tpu.vector_load %arg4[%get3A_1150, %get3A_1151] {strides = array<i32>} : memref<8x64xf32, #tpu.memory_space<vmem>>, vector<1x16xf32>,
      %get3A_1153 = vector.shape_cast %get3A_1152 : vector<1x16xf32> to vector<16xf32>
      %get3A_1154 = arith.constant 7 : i32
      %get3A_1155 = arith.index_cast %get3A_1154 : i32 to index
      %get3A_1156 = arith.constant 32 : index
      %get3A_1157 = tpu.vector_load %arg4[%get3A_1155, %get3A_1156] {strides = array<i32>} : memref<8x64xf32, #tpu.memory_space<vmem>>, vector<1x16xf32>,
      %get3A_1158 = vector.shape_cast %get3A_1157 : vector<1x16xf32> to vector<16xf32>
      %max3A_1159 = arith.maximumf %get3A_1123, %get3A_1128 : vector<16xf32>
      %max3A_1160 = arith.maximumf %max3A_1159, %get3A_1133 : vector<16xf32>
      %max3A_1161 = arith.maximumf %max3A_1160, %get3A_1138 : vector<16xf32>
      %max3A_1162 = arith.maximumf %max3A_1161, %get3A_1143 : vector<16xf32>
      %max3A_1163 = arith.maximumf %max3A_1162, %get3A_1148 : vector<16xf32>
      %max3A_1164 = arith.maximumf %max3A_1163, %get3A_1153 : vector<16xf32>
      %max3A_1165 = arith.maximumf %max3A_1164, %get3A_1158 : vector<16xf32>
      %broadcast_in_dim3A_1166 = arith.constant 7 : i32
      %broadcast_in_dim3A_1167 = vector.broadcast %broadcast_in_dim3A_1166 : i32 to vector<16xi32>
      %eq3A_1168 = arith.cmpf oeq, %get3A_1153, %max3A_1165 : vector<16xf32>
      %jit3A_1169 = arith.constant 6 : i32
      %broadcast_in_dim3A_1170 = vector.broadcast %jit3A_1169 : i32 to vector<16xi32>
      %select_n3A_1171 = arith.select %eq3A_1168, %broadcast_in_dim3A_1170, %broadcast_in_dim3A_1167 : vector<16xi1>, vector<16xi32>
      %eq3A_1172 = arith.cmpf oeq, %get3A_1148, %max3A_1165 : vector<16xf32>
      %jit3A_1173 = arith.constant 5 : i32
      %broadcast_in_dim3A_1174 = vector.broadcast %jit3A_1173 : i32 to vector<16xi32>
      %select_n3A_1175 = arith.select %eq3A_1172, %broadcast_in_dim3A_1174, %select_n3A_1171 : vector<16xi1>, vector<16xi32>
      %eq3A_1176 = arith.cmpf oeq, %get3A_1143, %max3A_1165 : vector<16xf32>
      %jit3A_1177 = arith.constant 4 : i32
      %broadcast_in_dim3A_1178 = vector.broadcast %jit3A_1177 : i32 to vector<16xi32>
      %select_n3A_1179 = arith.select %eq3A_1176, %broadcast_in_dim3A_1178, %select_n3A_1175 : vector<16xi1>, vector<16xi32>
      %eq3A_1180 = arith.cmpf oeq, %get3A_1138, %max3A_1165 : vector<16xf32>
      %jit3A_1181 = arith.constant 3 : i32
      %broadcast_in_dim3A_1182 = vector.broadcast %jit3A_1181 : i32 to vector<16xi32>
      %select_n3A_1183 = arith.select %eq3A_1180, %broadcast_in_dim3A_1182, %select_n3A_1179 : vector<16xi1>, vector<16xi32>
      %eq3A_1184 = arith.cmpf oeq, %get3A_1133, %max3A_1165 : vector<16xf32>
      %jit3A_1185 = arith.constant 2 : i32
      %broadcast_in_dim3A_1186 = vector.broadcast %jit3A_1185 : i32 to vector<16xi32>
      %select_n3A_1187 = arith.select %eq3A_1184, %broadcast_in_dim3A_1186, %select_n3A_1183 : vector<16xi1>, vector<16xi32>
      %eq3A_1188 = arith.cmpf oeq, %get3A_1128, %max3A_1165 : vector<16xf32>
      %jit3A_1189 = arith.constant 1 : i32
      %broadcast_in_dim3A_1190 = vector.broadcast %jit3A_1189 : i32 to vector<16xi32>
      %select_n3A_1191 = arith.select %eq3A_1188, %broadcast_in_dim3A_1190, %select_n3A_1187 : vector<16xi1>, vector<16xi32>
      %eq3A_1192 = arith.cmpf oeq, %get3A_1123, %max3A_1165 : vector<16xf32>
      %jit3A_1193 = arith.constant 0 : i32
      %broadcast_in_dim3A_1194 = vector.broadcast %jit3A_1193 : i32 to vector<16xi32>
      %select_n3A_1195 = arith.select %eq3A_1192, %broadcast_in_dim3A_1194, %select_n3A_1191 : vector<16xi1>, vector<16xi32>
      %broadcast_in_dim3A_1196 = arith.constant 0.000000e+00 : f32
      %broadcast_in_dim3A_1197 = vector.broadcast %broadcast_in_dim3A_1196 : f32 to vector<16xf32>
      %abs3A_1198 = math.absf %get3A_1123 : vector<16xf32>
      %max3A_1199 = arith.maximumf %abs3A_1198, %max3A_1165 : vector<16xf32>
      %sub3A_1200 = arith.subf %max3A_1165, %get3A_1123 : vector<16xf32>
      %mul3A_1201 = arith.constant 2.000000e-02 : f32
      %mul3A_1202 = vector.broadcast %mul3A_1201 : f32 to vector<16xf32>
      %mul3A_1203 = arith.mulf %mul3A_1202, %max3A_1199 : vector<16xf32>
      %gt3A_1204 = arith.cmpf ogt, %sub3A_1200, %mul3A_1203 : vector<16xf32>
      %sub3A_1205 = arith.subf %get3A_1123, %max3A_1165 : vector<16xf32>
      %exp3A_1206 = math.exp %sub3A_1205 : vector<16xf32>
      %jit3A_1207 = arith.constant 0.000000e+00 : f32
      %broadcast_in_dim3A_1208 = vector.broadcast %jit3A_1207 : f32 to vector<16xf32>
      %select_n3A_1209 = arith.select %gt3A_1204, %broadcast_in_dim3A_1208, %exp3A_1206 : vector<16xi1>, vector<16xf32>
      %add3A_1210 = arith.addf %broadcast_in_dim3A_1197, %select_n3A_1209 : vector<16xf32>
      %abs3A_1211 = math.absf %get3A_1128 : vector<16xf32>
      %max3A_1212 = arith.maximumf %abs3A_1211, %max3A_1165 : vector<16xf32>
      %sub3A_1213 = arith.subf %max3A_1165, %get3A_1128 : vector<16xf32>
      %mul3A_1214 = arith.constant 2.000000e-02 : f32
      %mul3A_1215 = vector.broadcast %mul3A_1214 : f32 to vector<16xf32>
      %mul3A_1216 = arith.mulf %mul3A_1215, %max3A_1212 : vector<16xf32>
      %gt3A_1217 = arith.cmpf ogt, %sub3A_1213, %mul3A_1216 : vector<16xf32>
      %sub3A_1218 = arith.subf %get3A_1128, %max3A_1165 : vector<16xf32>
      %exp3A_1219 = math.exp %sub3A_1218 : vector<16xf32>
      %jit3A_1220 = arith.constant 0.000000e+00 : f32
      %broadcast_in_dim3A_1221 = vector.broadcast %jit3A_1220 : f32 to vector<16xf32>
      %select_n3A_1222 = arith.select %gt3A_1217, %broadcast_in_dim3A_1221, %exp3A_1219 : vector<16xi1>, vector<16xf32>
      %add3A_1223 = arith.addf %add3A_1210, %select_n3A_1222 : vector<16xf32>
      %abs3A_1224 = math.absf %get3A_1133 : vector<16xf32>
      %max3A_1225 = arith.maximumf %abs3A_1224, %max3A_1165 : vector<16xf32>
      %sub3A_1226 = arith.subf %max3A_1165, %get3A_1133 : vector<16xf32>
      %mul3A_1227 = arith.constant 2.000000e-02 : f32
      %mul3A_1228 = vector.broadcast %mul3A_1227 : f32 to vector<16xf32>
      %mul3A_1229 = arith.mulf %mul3A_1228, %max3A_1225 : vector<16xf32>
      %gt3A_1230 = arith.cmpf ogt, %sub3A_1226, %mul3A_1229 : vector<16xf32>
      %sub3A_1231 = arith.subf %get3A_1133, %max3A_1165 : vector<16xf32>
      %exp3A_1232 = math.exp %sub3A_1231 : vector<16xf32>
      %jit3A_1233 = arith.constant 0.000000e+00 : f32
      %broadcast_in_dim3A_1234 = vector.broadcast %jit3A_1233 : f32 to vector<16xf32>
      %select_n3A_1235 = arith.select %gt3A_1230, %broadcast_in_dim3A_1234, %exp3A_1232 : vector<16xi1>, vector<16xf32>
      %add3A_1236 = arith.addf %add3A_1223, %select_n3A_1235 : vector<16xf32>
      %abs3A_1237 = math.absf %get3A_1138 : vector<16xf32>
      %max3A_1238 = arith.maximumf %abs3A_1237, %max3A_1165 : vector<16xf32>
      %sub3A_1239 = arith.subf %max3A_1165, %get3A_1138 : vector<16xf32>
      %mul3A_1240 = arith.constant 2.000000e-02 : f32
      %mul3A_1241 = vector.broadcast %mul3A_1240 : f32 to vector<16xf32>
      %mul3A_1242 = arith.mulf %mul3A_1241, %max3A_1238 : vector<16xf32>
      %gt3A_1243 = arith.cmpf ogt, %sub3A_1239, %mul3A_1242 : vector<16xf32>
      %sub3A_1244 = arith.subf %get3A_1138, %max3A_1165 : vector<16xf32>
      %exp3A_1245 = math.exp %sub3A_1244 : vector<16xf32>
      %jit3A_1246 = arith.constant 0.000000e+00 : f32
      %broadcast_in_dim3A_1247 = vector.broadcast %jit3A_1246 : f32 to vector<16xf32>
      %select_n3A_1248 = arith.select %gt3A_1243, %broadcast_in_dim3A_1247, %exp3A_1245 : vector<16xi1>, vector<16xf32>
      %add3A_1249 = arith.addf %add3A_1236, %select_n3A_1248 : vector<16xf32>
      %abs3A_1250 = math.absf %get3A_1143 : vector<16xf32>
      %max3A_1251 = arith.maximumf %abs3A_1250, %max3A_1165 : vector<16xf32>
      %sub3A_1252 = arith.subf %max3A_1165, %get3A_1143 : vector<16xf32>
      %mul3A_1253 = arith.constant 2.000000e-02 : f32
      %mul3A_1254 = vector.broadcast %mul3A_1253 : f32 to vector<16xf32>
      %mul3A_1255 = arith.mulf %mul3A_1254, %max3A_1251 : vector<16xf32>
      %gt3A_1256 = arith.cmpf ogt, %sub3A_1252, %mul3A_1255 : vector<16xf32>
      %sub3A_1257 = arith.subf %get3A_1143, %max3A_1165 : vector<16xf32>
      %exp3A_1258 = math.exp %sub3A_1257 : vector<16xf32>
      %jit3A_1259 = arith.constant 0.000000e+00 : f32
      %broadcast_in_dim3A_1260 = vector.broadcast %jit3A_1259 : f32 to vector<16xf32>
      %select_n3A_1261 = arith.select %gt3A_1256, %broadcast_in_dim3A_1260, %exp3A_1258 : vector<16xi1>, vector<16xf32>
      %add3A_1262 = arith.addf %add3A_1249, %select_n3A_1261 : vector<16xf32>
      %abs3A_1263 = math.absf %get3A_1148 : vector<16xf32>
      %max3A_1264 = arith.maximumf %abs3A_1263, %max3A_1165 : vector<16xf32>
      %sub3A_1265 = arith.subf %max3A_1165, %get3A_1148 : vector<16xf32>
      %mul3A_1266 = arith.constant 2.000000e-02 : f32
      %mul3A_1267 = vector.broadcast %mul3A_1266 : f32 to vector<16xf32>
      %mul3A_1268 = arith.mulf %mul3A_1267, %max3A_1264 : vector<16xf32>
      %gt3A_1269 = arith.cmpf ogt, %sub3A_1265, %mul3A_1268 : vector<16xf32>
      %sub3A_1270 = arith.subf %get3A_1148, %max3A_1165 : vector<16xf32>
      %exp3A_1271 = math.exp %sub3A_1270 : vector<16xf32>
      %jit3A_1272 = arith.constant 0.000000e+00 : f32
      %broadcast_in_dim3A_1273 = vector.broadcast %jit3A_1272 : f32 to vector<16xf32>
      %select_n3A_1274 = arith.select %gt3A_1269, %broadcast_in_dim3A_1273, %exp3A_1271 : vector<16xi1>, vector<16xf32>
      %add3A_1275 = arith.addf %add3A_1262, %select_n3A_1274 : vector<16xf32>
      %abs3A_1276 = math.absf %get3A_1153 : vector<16xf32>
      %max3A_1277 = arith.maximumf %abs3A_1276, %max3A_1165 : vector<16xf32>
      %sub3A_1278 = arith.subf %max3A_1165, %get3A_1153 : vector<16xf32>
      %mul3A_1279 = arith.constant 2.000000e-02 : f32
      %mul3A_1280 = vector.broadcast %mul3A_1279 : f32 to vector<16xf32>
      %mul3A_1281 = arith.mulf %mul3A_1280, %max3A_1277 : vector<16xf32>
      %gt3A_1282 = arith.cmpf ogt, %sub3A_1278, %mul3A_1281 : vector<16xf32>
      %sub3A_1283 = arith.subf %get3A_1153, %max3A_1165 : vector<16xf32>
      %exp3A_1284 = math.exp %sub3A_1283 : vector<16xf32>
      %jit3A_1285 = arith.constant 0.000000e+00 : f32
      %broadcast_in_dim3A_1286 = vector.broadcast %jit3A_1285 : f32 to vector<16xf32>
      %select_n3A_1287 = arith.select %gt3A_1282, %broadcast_in_dim3A_1286, %exp3A_1284 : vector<16xi1>, vector<16xf32>
      %add3A_1288 = arith.addf %add3A_1275, %select_n3A_1287 : vector<16xf32>
      %abs3A_1289 = math.absf %get3A_1158 : vector<16xf32>
      %max3A_1290 = arith.maximumf %abs3A_1289, %max3A_1165 : vector<16xf32>
      %sub3A_1291 = arith.subf %max3A_1165, %get3A_1158 : vector<16xf32>
      %mul3A_1292 = arith.constant 2.000000e-02 : f32
      %mul3A_1293 = vector.broadcast %mul3A_1292 : f32 to vector<16xf32>
      %mul3A_1294 = arith.mulf %mul3A_1293, %max3A_1290 : vector<16xf32>
      %gt3A_1295 = arith.cmpf ogt, %sub3A_1291, %mul3A_1294 : vector<16xf32>
      %sub3A_1296 = arith.subf %get3A_1158, %max3A_1165 : vector<16xf32>
      %exp3A_1297 = math.exp %sub3A_1296 : vector<16xf32>
      %jit3A_1298 = arith.constant 0.000000e+00 : f32
      %broadcast_in_dim3A_1299 = vector.broadcast %jit3A_1298 : f32 to vector<16xf32>
      %select_n3A_1300 = arith.select %gt3A_1295, %broadcast_in_dim3A_1299, %exp3A_1297 : vector<16xi1>, vector<16xf32>
      %add3A_1301 = arith.addf %add3A_1288, %select_n3A_1300 : vector<16xf32>
      %div3A_1302 = arith.constant 1.000000e+00 : f32
      %div3A_1303 = vector.broadcast %div3A_1302 : f32 to vector<16xf32>
      %div3A_1304 = arith.divf %div3A_1303, %add3A_1301 : vector<16xf32>
      %eq3A_1305 = arith.constant 0 : i32
      %eq3A_1306 = vector.broadcast %eq3A_1305 : i32 to vector<16xi32>
      %eq3A_1307 = arith.cmpi eq, %select_n3A_1195, %eq3A_1306 : vector<16xi32>
      %jit3A_1308 = arith.constant -1.000000e+30 : f32
      %broadcast_in_dim3A_1309 = vector.broadcast %jit3A_1308 : f32 to vector<16xf32>
      %select_n3A_1310 = arith.select %eq3A_1307, %broadcast_in_dim3A_1309, %get3A_1123 : vector<16xi1>, vector<16xf32>
      %eq3A_1311 = arith.constant 1 : i32
      %eq3A_1312 = vector.broadcast %eq3A_1311 : i32 to vector<16xi32>
      %eq3A_1313 = arith.cmpi eq, %select_n3A_1195, %eq3A_1312 : vector<16xi32>
      %jit3A_1314 = arith.constant -1.000000e+30 : f32
      %broadcast_in_dim3A_1315 = vector.broadcast %jit3A_1314 : f32 to vector<16xf32>
      %select_n3A_1316 = arith.select %eq3A_1313, %broadcast_in_dim3A_1315, %get3A_1128 : vector<16xi1>, vector<16xf32>
      %eq3A_1317 = arith.constant 2 : i32
      %eq3A_1318 = vector.broadcast %eq3A_1317 : i32 to vector<16xi32>
      %eq3A_1319 = arith.cmpi eq, %select_n3A_1195, %eq3A_1318 : vector<16xi32>
      %jit3A_1320 = arith.constant -1.000000e+30 : f32
      %broadcast_in_dim3A_1321 = vector.broadcast %jit3A_1320 : f32 to vector<16xf32>
      %select_n3A_1322 = arith.select %eq3A_1319, %broadcast_in_dim3A_1321, %get3A_1133 : vector<16xi1>, vector<16xf32>
      %eq3A_1323 = arith.constant 3 : i32
      %eq3A_1324 = vector.broadcast %eq3A_1323 : i32 to vector<16xi32>
      %eq3A_1325 = arith.cmpi eq, %select_n3A_1195, %eq3A_1324 : vector<16xi32>
      %jit3A_1326 = arith.constant -1.000000e+30 : f32
      %broadcast_in_dim3A_1327 = vector.broadcast %jit3A_1326 : f32 to vector<16xf32>
      %select_n3A_1328 = arith.select %eq3A_1325, %broadcast_in_dim3A_1327, %get3A_1138 : vector<16xi1>, vector<16xf32>
      %eq3A_1329 = arith.constant 4 : i32
      %eq3A_1330 = vector.broadcast %eq3A_1329 : i32 to vector<16xi32>
      %eq3A_1331 = arith.cmpi eq, %select_n3A_1195, %eq3A_1330 : vector<16xi32>
      %jit3A_1332 = arith.constant -1.000000e+30 : f32
      %broadcast_in_dim3A_1333 = vector.broadcast %jit3A_1332 : f32 to vector<16xf32>
      %select_n3A_1334 = arith.select %eq3A_1331, %broadcast_in_dim3A_1333, %get3A_1143 : vector<16xi1>, vector<16xf32>
      %eq3A_1335 = arith.constant 5 : i32
      %eq3A_1336 = vector.broadcast %eq3A_1335 : i32 to vector<16xi32>
      %eq3A_1337 = arith.cmpi eq, %select_n3A_1195, %eq3A_1336 : vector<16xi32>
      %jit3A_1338 = arith.constant -1.000000e+30 : f32
      %broadcast_in_dim3A_1339 = vector.broadcast %jit3A_1338 : f32 to vector<16xf32>
      %select_n3A_1340 = arith.select %eq3A_1337, %broadcast_in_dim3A_1339, %get3A_1148 : vector<16xi1>, vector<16xf32>
      %eq3A_1341 = arith.constant 6 : i32
      %eq3A_1342 = vector.broadcast %eq3A_1341 : i32 to vector<16xi32>
      %eq3A_1343 = arith.cmpi eq, %select_n3A_1195, %eq3A_1342 : vector<16xi32>
      %jit3A_1344 = arith.constant -1.000000e+30 : f32
      %broadcast_in_dim3A_1345 = vector.broadcast %jit3A_1344 : f32 to vector<16xf32>
      %select_n3A_1346 = arith.select %eq3A_1343, %broadcast_in_dim3A_1345, %get3A_1153 : vector<16xi1>, vector<16xf32>
      %eq3A_1347 = arith.constant 7 : i32
      %eq3A_1348 = vector.broadcast %eq3A_1347 : i32 to vector<16xi32>
      %eq3A_1349 = arith.cmpi eq, %select_n3A_1195, %eq3A_1348 : vector<16xi32>
      %jit3A_1350 = arith.constant -1.000000e+30 : f32
      %broadcast_in_dim3A_1351 = vector.broadcast %jit3A_1350 : f32 to vector<16xf32>
      %select_n3A_1352 = arith.select %eq3A_1349, %broadcast_in_dim3A_1351, %get3A_1158 : vector<16xi1>, vector<16xf32>
      %max3A_1353 = arith.maximumf %select_n3A_1310, %select_n3A_1316 : vector<16xf32>
      %max3A_1354 = arith.maximumf %max3A_1353, %select_n3A_1322 : vector<16xf32>
      %max3A_1355 = arith.maximumf %max3A_1354, %select_n3A_1328 : vector<16xf32>
      %max3A_1356 = arith.maximumf %max3A_1355, %select_n3A_1334 : vector<16xf32>
      %max3A_1357 = arith.maximumf %max3A_1356, %select_n3A_1340 : vector<16xf32>
      %max3A_1358 = arith.maximumf %max3A_1357, %select_n3A_1346 : vector<16xf32>
      %max3A_1359 = arith.maximumf %max3A_1358, %select_n3A_1352 : vector<16xf32>
      %broadcast_in_dim3A_1360 = arith.constant 7 : i32
      %broadcast_in_dim3A_1361 = vector.broadcast %broadcast_in_dim3A_1360 : i32 to vector<16xi32>
      %eq3A_1362 = arith.cmpf oeq, %select_n3A_1346, %max3A_1359 : vector<16xf32>
      %jit3A_1363 = arith.constant 6 : i32
      %broadcast_in_dim3A_1364 = vector.broadcast %jit3A_1363 : i32 to vector<16xi32>
      %select_n3A_1365 = arith.select %eq3A_1362, %broadcast_in_dim3A_1364, %broadcast_in_dim3A_1361 : vector<16xi1>, vector<16xi32>
      %eq3A_1366 = arith.cmpf oeq, %select_n3A_1340, %max3A_1359 : vector<16xf32>
      %jit3A_1367 = arith.constant 5 : i32
      %broadcast_in_dim3A_1368 = vector.broadcast %jit3A_1367 : i32 to vector<16xi32>
      %select_n3A_1369 = arith.select %eq3A_1366, %broadcast_in_dim3A_1368, %select_n3A_1365 : vector<16xi1>, vector<16xi32>
      %eq3A_1370 = arith.cmpf oeq, %select_n3A_1334, %max3A_1359 : vector<16xf32>
      %jit3A_1371 = arith.constant 4 : i32
      %broadcast_in_dim3A_1372 = vector.broadcast %jit3A_1371 : i32 to vector<16xi32>
      %select_n3A_1373 = arith.select %eq3A_1370, %broadcast_in_dim3A_1372, %select_n3A_1369 : vector<16xi1>, vector<16xi32>
      %eq3A_1374 = arith.cmpf oeq, %select_n3A_1328, %max3A_1359 : vector<16xf32>
      %jit3A_1375 = arith.constant 3 : i32
      %broadcast_in_dim3A_1376 = vector.broadcast %jit3A_1375 : i32 to vector<16xi32>
      %select_n3A_1377 = arith.select %eq3A_1374, %broadcast_in_dim3A_1376, %select_n3A_1373 : vector<16xi1>, vector<16xi32>
      %eq3A_1378 = arith.cmpf oeq, %select_n3A_1322, %max3A_1359 : vector<16xf32>
      %jit3A_1379 = arith.constant 2 : i32
      %broadcast_in_dim3A_1380 = vector.broadcast %jit3A_1379 : i32 to vector<16xi32>
      %select_n3A_1381 = arith.select %eq3A_1378, %broadcast_in_dim3A_1380, %select_n3A_1377 : vector<16xi1>, vector<16xi32>
      %eq3A_1382 = arith.cmpf oeq, %select_n3A_1316, %max3A_1359 : vector<16xf32>
      %jit3A_1383 = arith.constant 1 : i32
      %broadcast_in_dim3A_1384 = vector.broadcast %jit3A_1383 : i32 to vector<16xi32>
      %select_n3A_1385 = arith.select %eq3A_1382, %broadcast_in_dim3A_1384, %select_n3A_1381 : vector<16xi1>, vector<16xi32>
      %eq3A_1386 = arith.cmpf oeq, %select_n3A_1310, %max3A_1359 : vector<16xf32>
      %jit3A_1387 = arith.constant 0 : i32
      %broadcast_in_dim3A_1388 = vector.broadcast %jit3A_1387 : i32 to vector<16xi32>
      %select_n3A_1389 = arith.select %eq3A_1386, %broadcast_in_dim3A_1388, %select_n3A_1385 : vector<16xi1>, vector<16xi32>
      %broadcast_in_dim3A_1390 = arith.constant 0.000000e+00 : f32
      %broadcast_in_dim3A_1391 = vector.broadcast %broadcast_in_dim3A_1390 : f32 to vector<16xf32>
      %abs3A_1392 = math.absf %get3A_1123 : vector<16xf32>
      %max3A_1393 = arith.maximumf %abs3A_1392, %max3A_1359 : vector<16xf32>
      %sub3A_1394 = arith.subf %max3A_1359, %get3A_1123 : vector<16xf32>
      %mul3A_1395 = arith.constant 2.000000e-02 : f32
      %mul3A_1396 = vector.broadcast %mul3A_1395 : f32 to vector<16xf32>
      %mul3A_1397 = arith.mulf %mul3A_1396, %max3A_1393 : vector<16xf32>
      %gt3A_1398 = arith.cmpf ogt, %sub3A_1394, %mul3A_1397 : vector<16xf32>
      %eq3A_1399 = arith.constant 0 : i32
      %eq3A_1400 = vector.broadcast %eq3A_1399 : i32 to vector<16xi32>
      %eq3A_1401 = arith.cmpi eq, %select_n3A_1195, %eq3A_1400 : vector<16xi32>
      %or3A_1402 = arith.ori %gt3A_1398, %eq3A_1401 : vector<16xi1>
      %sub3A_1403 = arith.subf %get3A_1123, %max3A_1359 : vector<16xf32>
      %exp3A_1404 = math.exp %sub3A_1403 : vector<16xf32>
      %jit3A_1405 = arith.constant 0.000000e+00 : f32
      %broadcast_in_dim3A_1406 = vector.broadcast %jit3A_1405 : f32 to vector<16xf32>
      %select_n3A_1407 = arith.select %or3A_1402, %broadcast_in_dim3A_1406, %exp3A_1404 : vector<16xi1>, vector<16xf32>
      %add3A_1408 = arith.addf %broadcast_in_dim3A_1391, %select_n3A_1407 : vector<16xf32>
      %abs3A_1409 = math.absf %get3A_1128 : vector<16xf32>
      %max3A_1410 = arith.maximumf %abs3A_1409, %max3A_1359 : vector<16xf32>
      %sub3A_1411 = arith.subf %max3A_1359, %get3A_1128 : vector<16xf32>
      %mul3A_1412 = arith.constant 2.000000e-02 : f32
      %mul3A_1413 = vector.broadcast %mul3A_1412 : f32 to vector<16xf32>
      %mul3A_1414 = arith.mulf %mul3A_1413, %max3A_1410 : vector<16xf32>
      %gt3A_1415 = arith.cmpf ogt, %sub3A_1411, %mul3A_1414 : vector<16xf32>
      %eq3A_1416 = arith.constant 1 : i32
      %eq3A_1417 = vector.broadcast %eq3A_1416 : i32 to vector<16xi32>
      %eq3A_1418 = arith.cmpi eq, %select_n3A_1195, %eq3A_1417 : vector<16xi32>
      %or3A_1419 = arith.ori %gt3A_1415, %eq3A_1418 : vector<16xi1>
      %sub3A_1420 = arith.subf %get3A_1128, %max3A_1359 : vector<16xf32>
      %exp3A_1421 = math.exp %sub3A_1420 : vector<16xf32>
      %jit3A_1422 = arith.constant 0.000000e+00 : f32
      %broadcast_in_dim3A_1423 = vector.broadcast %jit3A_1422 : f32 to vector<16xf32>
      %select_n3A_1424 = arith.select %or3A_1419, %broadcast_in_dim3A_1423, %exp3A_1421 : vector<16xi1>, vector<16xf32>
      %add3A_1425 = arith.addf %add3A_1408, %select_n3A_1424 : vector<16xf32>
      %abs3A_1426 = math.absf %get3A_1133 : vector<16xf32>
      %max3A_1427 = arith.maximumf %abs3A_1426, %max3A_1359 : vector<16xf32>
      %sub3A_1428 = arith.subf %max3A_1359, %get3A_1133 : vector<16xf32>
      %mul3A_1429 = arith.constant 2.000000e-02 : f32
      %mul3A_1430 = vector.broadcast %mul3A_1429 : f32 to vector<16xf32>
      %mul3A_1431 = arith.mulf %mul3A_1430, %max3A_1427 : vector<16xf32>
      %gt3A_1432 = arith.cmpf ogt, %sub3A_1428, %mul3A_1431 : vector<16xf32>
      %eq3A_1433 = arith.constant 2 : i32
      %eq3A_1434 = vector.broadcast %eq3A_1433 : i32 to vector<16xi32>
      %eq3A_1435 = arith.cmpi eq, %select_n3A_1195, %eq3A_1434 : vector<16xi32>
      %or3A_1436 = arith.ori %gt3A_1432, %eq3A_1435 : vector<16xi1>
      %sub3A_1437 = arith.subf %get3A_1133, %max3A_1359 : vector<16xf32>
      %exp3A_1438 = math.exp %sub3A_1437 : vector<16xf32>
      %jit3A_1439 = arith.constant 0.000000e+00 : f32
      %broadcast_in_dim3A_1440 = vector.broadcast %jit3A_1439 : f32 to vector<16xf32>
      %select_n3A_1441 = arith.select %or3A_1436, %broadcast_in_dim3A_1440, %exp3A_1438 : vector<16xi1>, vector<16xf32>
      %add3A_1442 = arith.addf %add3A_1425, %select_n3A_1441 : vector<16xf32>
      %abs3A_1443 = math.absf %get3A_1138 : vector<16xf32>
      %max3A_1444 = arith.maximumf %abs3A_1443, %max3A_1359 : vector<16xf32>
      %sub3A_1445 = arith.subf %max3A_1359, %get3A_1138 : vector<16xf32>
      %mul3A_1446 = arith.constant 2.000000e-02 : f32
      %mul3A_1447 = vector.broadcast %mul3A_1446 : f32 to vector<16xf32>
      %mul3A_1448 = arith.mulf %mul3A_1447, %max3A_1444 : vector<16xf32>
      %gt3A_1449 = arith.cmpf ogt, %sub3A_1445, %mul3A_1448 : vector<16xf32>
      %eq3A_1450 = arith.constant 3 : i32
      %eq3A_1451 = vector.broadcast %eq3A_1450 : i32 to vector<16xi32>
      %eq3A_1452 = arith.cmpi eq, %select_n3A_1195, %eq3A_1451 : vector<16xi32>
      %or3A_1453 = arith.ori %gt3A_1449, %eq3A_1452 : vector<16xi1>
      %sub3A_1454 = arith.subf %get3A_1138, %max3A_1359 : vector<16xf32>
      %exp3A_1455 = math.exp %sub3A_1454 : vector<16xf32>
      %jit3A_1456 = arith.constant 0.000000e+00 : f32
      %broadcast_in_dim3A_1457 = vector.broadcast %jit3A_1456 : f32 to vector<16xf32>
      %select_n3A_1458 = arith.select %or3A_1453, %broadcast_in_dim3A_1457, %exp3A_1455 : vector<16xi1>, vector<16xf32>
      %add3A_1459 = arith.addf %add3A_1442, %select_n3A_1458 : vector<16xf32>
      %abs3A_1460 = math.absf %get3A_1143 : vector<16xf32>
      %max3A_1461 = arith.maximumf %abs3A_1460, %max3A_1359 : vector<16xf32>
      %sub3A_1462 = arith.subf %max3A_1359, %get3A_1143 : vector<16xf32>
      %mul3A_1463 = arith.constant 2.000000e-02 : f32
      %mul3A_1464 = vector.broadcast %mul3A_1463 : f32 to vector<16xf32>
      %mul3A_1465 = arith.mulf %mul3A_1464, %max3A_1461 : vector<16xf32>
      %gt3A_1466 = arith.cmpf ogt, %sub3A_1462, %mul3A_1465 : vector<16xf32>
      %eq3A_1467 = arith.constant 4 : i32
      %eq3A_1468 = vector.broadcast %eq3A_1467 : i32 to vector<16xi32>
      %eq3A_1469 = arith.cmpi eq, %select_n3A_1195, %eq3A_1468 : vector<16xi32>
      %or3A_1470 = arith.ori %gt3A_1466, %eq3A_1469 : vector<16xi1>
      %sub3A_1471 = arith.subf %get3A_1143, %max3A_1359 : vector<16xf32>
      %exp3A_1472 = math.exp %sub3A_1471 : vector<16xf32>
      %jit3A_1473 = arith.constant 0.000000e+00 : f32
      %broadcast_in_dim3A_1474 = vector.broadcast %jit3A_1473 : f32 to vector<16xf32>
      %select_n3A_1475 = arith.select %or3A_1470, %broadcast_in_dim3A_1474, %exp3A_1472 : vector<16xi1>, vector<16xf32>
      %add3A_1476 = arith.addf %add3A_1459, %select_n3A_1475 : vector<16xf32>
      %abs3A_1477 = math.absf %get3A_1148 : vector<16xf32>
      %max3A_1478 = arith.maximumf %abs3A_1477, %max3A_1359 : vector<16xf32>
      %sub3A_1479 = arith.subf %max3A_1359, %get3A_1148 : vector<16xf32>
      %mul3A_1480 = arith.constant 2.000000e-02 : f32
      %mul3A_1481 = vector.broadcast %mul3A_1480 : f32 to vector<16xf32>
      %mul3A_1482 = arith.mulf %mul3A_1481, %max3A_1478 : vector<16xf32>
      %gt3A_1483 = arith.cmpf ogt, %sub3A_1479, %mul3A_1482 : vector<16xf32>
      %eq3A_1484 = arith.constant 5 : i32
      %eq3A_1485 = vector.broadcast %eq3A_1484 : i32 to vector<16xi32>
      %eq3A_1486 = arith.cmpi eq, %select_n3A_1195, %eq3A_1485 : vector<16xi32>
      %or3A_1487 = arith.ori %gt3A_1483, %eq3A_1486 : vector<16xi1>
      %sub3A_1488 = arith.subf %get3A_1148, %max3A_1359 : vector<16xf32>
      %exp3A_1489 = math.exp %sub3A_1488 : vector<16xf32>
      %jit3A_1490 = arith.constant 0.000000e+00 : f32
      %broadcast_in_dim3A_1491 = vector.broadcast %jit3A_1490 : f32 to vector<16xf32>
      %select_n3A_1492 = arith.select %or3A_1487, %broadcast_in_dim3A_1491, %exp3A_1489 : vector<16xi1>, vector<16xf32>
      %add3A_1493 = arith.addf %add3A_1476, %select_n3A_1492 : vector<16xf32>
      %abs3A_1494 = math.absf %get3A_1153 : vector<16xf32>
      %max3A_1495 = arith.maximumf %abs3A_1494, %max3A_1359 : vector<16xf32>
      %sub3A_1496 = arith.subf %max3A_1359, %get3A_1153 : vector<16xf32>
      %mul3A_1497 = arith.constant 2.000000e-02 : f32
      %mul3A_1498 = vector.broadcast %mul3A_1497 : f32 to vector<16xf32>
      %mul3A_1499 = arith.mulf %mul3A_1498, %max3A_1495 : vector<16xf32>
      %gt3A_1500 = arith.cmpf ogt, %sub3A_1496, %mul3A_1499 : vector<16xf32>
      %eq3A_1501 = arith.constant 6 : i32
      %eq3A_1502 = vector.broadcast %eq3A_1501 : i32 to vector<16xi32>
      %eq3A_1503 = arith.cmpi eq, %select_n3A_1195, %eq3A_1502 : vector<16xi32>
      %or3A_1504 = arith.ori %gt3A_1500, %eq3A_1503 : vector<16xi1>
      %sub3A_1505 = arith.subf %get3A_1153, %max3A_1359 : vector<16xf32>
      %exp3A_1506 = math.exp %sub3A_1505 : vector<16xf32>
      %jit3A_1507 = arith.constant 0.000000e+00 : f32
      %broadcast_in_dim3A_1508 = vector.broadcast %jit3A_1507 : f32 to vector<16xf32>
      %select_n3A_1509 = arith.select %or3A_1504, %broadcast_in_dim3A_1508, %exp3A_1506 : vector<16xi1>, vector<16xf32>
      %add3A_1510 = arith.addf %add3A_1493, %select_n3A_1509 : vector<16xf32>
      %abs3A_1511 = math.absf %get3A_1158 : vector<16xf32>
      %max3A_1512 = arith.maximumf %abs3A_1511, %max3A_1359 : vector<16xf32>
      %sub3A_1513 = arith.subf %max3A_1359, %get3A_1158 : vector<16xf32>
      %mul3A_1514 = arith.constant 2.000000e-02 : f32
      %mul3A_1515 = vector.broadcast %mul3A_1514 : f32 to vector<16xf32>
      %mul3A_1516 = arith.mulf %mul3A_1515, %max3A_1512 : vector<16xf32>
      %gt3A_1517 = arith.cmpf ogt, %sub3A_1513, %mul3A_1516 : vector<16xf32>
      %eq3A_1518 = arith.constant 7 : i32
      %eq3A_1519 = vector.broadcast %eq3A_1518 : i32 to vector<16xi32>
      %eq3A_1520 = arith.cmpi eq, %select_n3A_1195, %eq3A_1519 : vector<16xi32>
      %or3A_1521 = arith.ori %gt3A_1517, %eq3A_1520 : vector<16xi1>
      %sub3A_1522 = arith.subf %get3A_1158, %max3A_1359 : vector<16xf32>
      %exp3A_1523 = math.exp %sub3A_1522 : vector<16xf32>
      %jit3A_1524 = arith.constant 0.000000e+00 : f32
      %broadcast_in_dim3A_1525 = vector.broadcast %jit3A_1524 : f32 to vector<16xf32>
      %select_n3A_1526 = arith.select %or3A_1521, %broadcast_in_dim3A_1525, %exp3A_1523 : vector<16xi1>, vector<16xf32>
      %add3A_1527 = arith.addf %add3A_1510, %select_n3A_1526 : vector<16xf32>
      %div3A_1528 = arith.constant 1.000000e+00 : f32
      %div3A_1529 = vector.broadcast %div3A_1528 : f32 to vector<16xf32>
      %div3A_1530 = arith.divf %div3A_1529, %add3A_1527 : vector<16xf32>
      %eq3A_1531 = arith.constant 0 : i32
      %eq3A_1532 = vector.broadcast %eq3A_1531 : i32 to vector<16xi32>
      %eq3A_1533 = arith.cmpi eq, %select_n3A_1195, %eq3A_1532 : vector<16xi32>
      %jit3A_1534 = arith.constant 0.000000e+00 : f32
      %broadcast_in_dim3A_1535 = vector.broadcast %jit3A_1534 : f32 to vector<16xf32>
      %select_n3A_1536 = arith.select %eq3A_1533, %div3A_1304, %broadcast_in_dim3A_1535 : vector<16xi1>, vector<16xf32>
      %eq3A_1537 = arith.constant 0 : i32
      %eq3A_1538 = vector.broadcast %eq3A_1537 : i32 to vector<16xi32>
      %eq3A_1539 = arith.cmpi eq, %select_n3A_1389, %eq3A_1538 : vector<16xi32>
      %jit3A_1540 = arith.constant 0.000000e+00 : f32
      %broadcast_in_dim3A_1541 = vector.broadcast %jit3A_1540 : f32 to vector<16xf32>
      %select_n3A_1542 = arith.select %eq3A_1539, %div3A_1530, %broadcast_in_dim3A_1541 : vector<16xi1>, vector<16xf32>
      %add3A_1543 = arith.addf %select_n3A_1536, %select_n3A_1542 : vector<16xf32>
      %swap3A_1544 = arith.constant 0 : i32
      %swap3A_1545 = arith.index_cast %swap3A_1544 : i32 to index
      %swap3A_1546 = arith.constant 32 : index
      %swap3A_1547 = tpu.vector_load %arg5[%swap3A_1545, %swap3A_1546] {strides = array<i32>} : memref<8x64xf32, #tpu.memory_space<vmem>>, vector<1x16xf32>,
      %swap3A_1548 = vector.shape_cast %swap3A_1547 : vector<1x16xf32> to vector<16xf32>
      %swap3A_1549 = vector.shape_cast %add3A_1543 : vector<16xf32> to vector<1x16xf32>
      tpu.vector_store %arg5[%swap3A_1545, %swap3A_1546], %swap3A_1549 {strides = array<i32>} : memref<8x64xf32, #tpu.memory_space<vmem>>, vector<1x16xf32>,
      %eq3A_1550 = arith.constant 1 : i32
      %eq3A_1551 = vector.broadcast %eq3A_1550 : i32 to vector<16xi32>
      %eq3A_1552 = arith.cmpi eq, %select_n3A_1195, %eq3A_1551 : vector<16xi32>
      %jit3A_1553 = arith.constant 0.000000e+00 : f32
      %broadcast_in_dim3A_1554 = vector.broadcast %jit3A_1553 : f32 to vector<16xf32>
      %select_n3A_1555 = arith.select %eq3A_1552, %div3A_1304, %broadcast_in_dim3A_1554 : vector<16xi1>, vector<16xf32>
      %eq3A_1556 = arith.constant 1 : i32
      %eq3A_1557 = vector.broadcast %eq3A_1556 : i32 to vector<16xi32>
      %eq3A_1558 = arith.cmpi eq, %select_n3A_1389, %eq3A_1557 : vector<16xi32>
      %jit3A_1559 = arith.constant 0.000000e+00 : f32
      %broadcast_in_dim3A_1560 = vector.broadcast %jit3A_1559 : f32 to vector<16xf32>
      %select_n3A_1561 = arith.select %eq3A_1558, %div3A_1530, %broadcast_in_dim3A_1560 : vector<16xi1>, vector<16xf32>
      %add3A_1562 = arith.addf %select_n3A_1555, %select_n3A_1561 : vector<16xf32>
      %swap3A_1563 = arith.constant 1 : i32
      %swap3A_1564 = arith.index_cast %swap3A_1563 : i32 to index
      %swap3A_1565 = arith.constant 32 : index
      %swap3A_1566 = tpu.vector_load %arg5[%swap3A_1564, %swap3A_1565] {strides = array<i32>} : memref<8x64xf32, #tpu.memory_space<vmem>>, vector<1x16xf32>,
      %swap3A_1567 = vector.shape_cast %swap3A_1566 : vector<1x16xf32> to vector<16xf32>
      %swap3A_1568 = vector.shape_cast %add3A_1562 : vector<16xf32> to vector<1x16xf32>
      tpu.vector_store %arg5[%swap3A_1564, %swap3A_1565], %swap3A_1568 {strides = array<i32>} : memref<8x64xf32, #tpu.memory_space<vmem>>, vector<1x16xf32>,
      %eq3A_1569 = arith.constant 2 : i32
      %eq3A_1570 = vector.broadcast %eq3A_1569 : i32 to vector<16xi32>
      %eq3A_1571 = arith.cmpi eq, %select_n3A_1195, %eq3A_1570 : vector<16xi32>
      %jit3A_1572 = arith.constant 0.000000e+00 : f32
      %broadcast_in_dim3A_1573 = vector.broadcast %jit3A_1572 : f32 to vector<16xf32>
      %select_n3A_1574 = arith.select %eq3A_1571, %div3A_1304, %broadcast_in_dim3A_1573 : vector<16xi1>, vector<16xf32>
      %eq3A_1575 = arith.constant 2 : i32
      %eq3A_1576 = vector.broadcast %eq3A_1575 : i32 to vector<16xi32>
      %eq3A_1577 = arith.cmpi eq, %select_n3A_1389, %eq3A_1576 : vector<16xi32>
      %jit3A_1578 = arith.constant 0.000000e+00 : f32
      %broadcast_in_dim3A_1579 = vector.broadcast %jit3A_1578 : f32 to vector<16xf32>
      %select_n3A_1580 = arith.select %eq3A_1577, %div3A_1530, %broadcast_in_dim3A_1579 : vector<16xi1>, vector<16xf32>
      %add3A_1581 = arith.addf %select_n3A_1574, %select_n3A_1580 : vector<16xf32>
      %swap3A_1582 = arith.constant 2 : i32
      %swap3A_1583 = arith.index_cast %swap3A_1582 : i32 to index
      %swap3A_1584 = arith.constant 32 : index
      %swap3A_1585 = tpu.vector_load %arg5[%swap3A_1583, %swap3A_1584] {strides = array<i32>} : memref<8x64xf32, #tpu.memory_space<vmem>>, vector<1x16xf32>,
      %swap3A_1586 = vector.shape_cast %swap3A_1585 : vector<1x16xf32> to vector<16xf32>
      %swap3A_1587 = vector.shape_cast %add3A_1581 : vector<16xf32> to vector<1x16xf32>
      tpu.vector_store %arg5[%swap3A_1583, %swap3A_1584], %swap3A_1587 {strides = array<i32>} : memref<8x64xf32, #tpu.memory_space<vmem>>, vector<1x16xf32>,
      %eq3A_1588 = arith.constant 3 : i32
      %eq3A_1589 = vector.broadcast %eq3A_1588 : i32 to vector<16xi32>
      %eq3A_1590 = arith.cmpi eq, %select_n3A_1195, %eq3A_1589 : vector<16xi32>
      %jit3A_1591 = arith.constant 0.000000e+00 : f32
      %broadcast_in_dim3A_1592 = vector.broadcast %jit3A_1591 : f32 to vector<16xf32>
      %select_n3A_1593 = arith.select %eq3A_1590, %div3A_1304, %broadcast_in_dim3A_1592 : vector<16xi1>, vector<16xf32>
      %eq3A_1594 = arith.constant 3 : i32
      %eq3A_1595 = vector.broadcast %eq3A_1594 : i32 to vector<16xi32>
      %eq3A_1596 = arith.cmpi eq, %select_n3A_1389, %eq3A_1595 : vector<16xi32>
      %jit3A_1597 = arith.constant 0.000000e+00 : f32
      %broadcast_in_dim3A_1598 = vector.broadcast %jit3A_1597 : f32 to vector<16xf32>
      %select_n3A_1599 = arith.select %eq3A_1596, %div3A_1530, %broadcast_in_dim3A_1598 : vector<16xi1>, vector<16xf32>
      %add3A_1600 = arith.addf %select_n3A_1593, %select_n3A_1599 : vector<16xf32>
      %swap3A_1601 = arith.constant 3 : i32
      %swap3A_1602 = arith.index_cast %swap3A_1601 : i32 to index
      %swap3A_1603 = arith.constant 32 : index
      %swap3A_1604 = tpu.vector_load %arg5[%swap3A_1602, %swap3A_1603] {strides = array<i32>} : memref<8x64xf32, #tpu.memory_space<vmem>>, vector<1x16xf32>,
      %swap3A_1605 = vector.shape_cast %swap3A_1604 : vector<1x16xf32> to vector<16xf32>
      %swap3A_1606 = vector.shape_cast %add3A_1600 : vector<16xf32> to vector<1x16xf32>
      tpu.vector_store %arg5[%swap3A_1602, %swap3A_1603], %swap3A_1606 {strides = array<i32>} : memref<8x64xf32, #tpu.memory_space<vmem>>, vector<1x16xf32>,
      %eq3A_1607 = arith.constant 4 : i32
      %eq3A_1608 = vector.broadcast %eq3A_1607 : i32 to vector<16xi32>
      %eq3A_1609 = arith.cmpi eq, %select_n3A_1195, %eq3A_1608 : vector<16xi32>
      %jit3A_1610 = arith.constant 0.000000e+00 : f32
      %broadcast_in_dim3A_1611 = vector.broadcast %jit3A_1610 : f32 to vector<16xf32>
      %select_n3A_1612 = arith.select %eq3A_1609, %div3A_1304, %broadcast_in_dim3A_1611 : vector<16xi1>, vector<16xf32>
      %eq3A_1613 = arith.constant 4 : i32
      %eq3A_1614 = vector.broadcast %eq3A_1613 : i32 to vector<16xi32>
      %eq3A_1615 = arith.cmpi eq, %select_n3A_1389, %eq3A_1614 : vector<16xi32>
      %jit3A_1616 = arith.constant 0.000000e+00 : f32
      %broadcast_in_dim3A_1617 = vector.broadcast %jit3A_1616 : f32 to vector<16xf32>
      %select_n3A_1618 = arith.select %eq3A_1615, %div3A_1530, %broadcast_in_dim3A_1617 : vector<16xi1>, vector<16xf32>
      %add3A_1619 = arith.addf %select_n3A_1612, %select_n3A_1618 : vector<16xf32>
      %swap3A_1620 = arith.constant 4 : i32
      %swap3A_1621 = arith.index_cast %swap3A_1620 : i32 to index
      %swap3A_1622 = arith.constant 32 : index
      %swap3A_1623 = tpu.vector_load %arg5[%swap3A_1621, %swap3A_1622] {strides = array<i32>} : memref<8x64xf32, #tpu.memory_space<vmem>>, vector<1x16xf32>,
      %swap3A_1624 = vector.shape_cast %swap3A_1623 : vector<1x16xf32> to vector<16xf32>
      %swap3A_1625 = vector.shape_cast %add3A_1619 : vector<16xf32> to vector<1x16xf32>
      tpu.vector_store %arg5[%swap3A_1621, %swap3A_1622], %swap3A_1625 {strides = array<i32>} : memref<8x64xf32, #tpu.memory_space<vmem>>, vector<1x16xf32>,
      %eq3A_1626 = arith.constant 5 : i32
      %eq3A_1627 = vector.broadcast %eq3A_1626 : i32 to vector<16xi32>
      %eq3A_1628 = arith.cmpi eq, %select_n3A_1195, %eq3A_1627 : vector<16xi32>
      %jit3A_1629 = arith.constant 0.000000e+00 : f32
      %broadcast_in_dim3A_1630 = vector.broadcast %jit3A_1629 : f32 to vector<16xf32>
      %select_n3A_1631 = arith.select %eq3A_1628, %div3A_1304, %broadcast_in_dim3A_1630 : vector<16xi1>, vector<16xf32>
      %eq3A_1632 = arith.constant 5 : i32
      %eq3A_1633 = vector.broadcast %eq3A_1632 : i32 to vector<16xi32>
      %eq3A_1634 = arith.cmpi eq, %select_n3A_1389, %eq3A_1633 : vector<16xi32>
      %jit3A_1635 = arith.constant 0.000000e+00 : f32
      %broadcast_in_dim3A_1636 = vector.broadcast %jit3A_1635 : f32 to vector<16xf32>
      %select_n3A_1637 = arith.select %eq3A_1634, %div3A_1530, %broadcast_in_dim3A_1636 : vector<16xi1>, vector<16xf32>
      %add3A_1638 = arith.addf %select_n3A_1631, %select_n3A_1637 : vector<16xf32>
      %swap3A_1639 = arith.constant 5 : i32
      %swap3A_1640 = arith.index_cast %swap3A_1639 : i32 to index
      %swap3A_1641 = arith.constant 32 : index
      %swap3A_1642 = tpu.vector_load %arg5[%swap3A_1640, %swap3A_1641] {strides = array<i32>} : memref<8x64xf32, #tpu.memory_space<vmem>>, vector<1x16xf32>,
      %swap3A_1643 = vector.shape_cast %swap3A_1642 : vector<1x16xf32> to vector<16xf32>
      %swap3A_1644 = vector.shape_cast %add3A_1638 : vector<16xf32> to vector<1x16xf32>
      tpu.vector_store %arg5[%swap3A_1640, %swap3A_1641], %swap3A_1644 {strides = array<i32>} : memref<8x64xf32, #tpu.memory_space<vmem>>, vector<1x16xf32>,
      %eq3A_1645 = arith.constant 6 : i32
      %eq3A_1646 = vector.broadcast %eq3A_1645 : i32 to vector<16xi32>
      %eq3A_1647 = arith.cmpi eq, %select_n3A_1195, %eq3A_1646 : vector<16xi32>
      %jit3A_1648 = arith.constant 0.000000e+00 : f32
      %broadcast_in_dim3A_1649 = vector.broadcast %jit3A_1648 : f32 to vector<16xf32>
      %select_n3A_1650 = arith.select %eq3A_1647, %div3A_1304, %broadcast_in_dim3A_1649 : vector<16xi1>, vector<16xf32>
      %eq3A_1651 = arith.constant 6 : i32
      %eq3A_1652 = vector.broadcast %eq3A_1651 : i32 to vector<16xi32>
      %eq3A_1653 = arith.cmpi eq, %select_n3A_1389, %eq3A_1652 : vector<16xi32>
      %jit3A_1654 = arith.constant 0.000000e+00 : f32
      %broadcast_in_dim3A_1655 = vector.broadcast %jit3A_1654 : f32 to vector<16xf32>
      %select_n3A_1656 = arith.select %eq3A_1653, %div3A_1530, %broadcast_in_dim3A_1655 : vector<16xi1>, vector<16xf32>
      %add3A_1657 = arith.addf %select_n3A_1650, %select_n3A_1656 : vector<16xf32>
      %swap3A_1658 = arith.constant 6 : i32
      %swap3A_1659 = arith.index_cast %swap3A_1658 : i32 to index
      %swap3A_1660 = arith.constant 32 : index
      %swap3A_1661 = tpu.vector_load %arg5[%swap3A_1659, %swap3A_1660] {strides = array<i32>} : memref<8x64xf32, #tpu.memory_space<vmem>>, vector<1x16xf32>,
      %swap3A_1662 = vector.shape_cast %swap3A_1661 : vector<1x16xf32> to vector<16xf32>
      %swap3A_1663 = vector.shape_cast %add3A_1657 : vector<16xf32> to vector<1x16xf32>
      tpu.vector_store %arg5[%swap3A_1659, %swap3A_1660], %swap3A_1663 {strides = array<i32>} : memref<8x64xf32, #tpu.memory_space<vmem>>, vector<1x16xf32>,
      %eq3A_1664 = arith.constant 7 : i32
      %eq3A_1665 = vector.broadcast %eq3A_1664 : i32 to vector<16xi32>
      %eq3A_1666 = arith.cmpi eq, %select_n3A_1195, %eq3A_1665 : vector<16xi32>
      %jit3A_1667 = arith.constant 0.000000e+00 : f32
      %broadcast_in_dim3A_1668 = vector.broadcast %jit3A_1667 : f32 to vector<16xf32>
      %select_n3A_1669 = arith.select %eq3A_1666, %div3A_1304, %broadcast_in_dim3A_1668 : vector<16xi1>, vector<16xf32>
      %eq3A_1670 = arith.constant 7 : i32
      %eq3A_1671 = vector.broadcast %eq3A_1670 : i32 to vector<16xi32>
      %eq3A_1672 = arith.cmpi eq, %select_n3A_1389, %eq3A_1671 : vector<16xi32>
      %jit3A_1673 = arith.constant 0.000000e+00 : f32
      %broadcast_in_dim3A_1674 = vector.broadcast %jit3A_1673 : f32 to vector<16xf32>
      %select_n3A_1675 = arith.select %eq3A_1672, %div3A_1530, %broadcast_in_dim3A_1674 : vector<16xi1>, vector<16xf32>
      %add3A_1676 = arith.addf %select_n3A_1669, %select_n3A_1675 : vector<16xf32>
      %swap3A_1677 = arith.constant 7 : i32
      %swap3A_1678 = arith.index_cast %swap3A_1677 : i32 to index
      %swap3A_1679 = arith.constant 32 : index
      %swap3A_1680 = tpu.vector_load %arg5[%swap3A_1678, %swap3A_1679] {strides = array<i32>} : memref<8x64xf32, #tpu.memory_space<vmem>>, vector<1x16xf32>,
      %swap3A_1681 = vector.shape_cast %swap3A_1680 : vector<1x16xf32> to vector<16xf32>
      %swap3A_1682 = vector.shape_cast %add3A_1676 : vector<16xf32> to vector<1x16xf32>
      tpu.vector_store %arg5[%swap3A_1678, %swap3A_1679], %swap3A_1682 {strides = array<i32>} : memref<8x64xf32, #tpu.memory_space<vmem>>, vector<1x16xf32>,
      %get3A_1683 = arith.constant 0 : i32
      %get3A_1684 = arith.index_cast %get3A_1683 : i32 to index
      %get3A_1685 = arith.constant 48 : index
      %get3A_1686 = tpu.vector_load %arg4[%get3A_1684, %get3A_1685] {strides = array<i32>} : memref<8x64xf32, #tpu.memory_space<vmem>>, vector<1x16xf32>,
      %get3A_1687 = vector.shape_cast %get3A_1686 : vector<1x16xf32> to vector<16xf32>
      %get3A_1688 = arith.constant 1 : i32
      %get3A_1689 = arith.index_cast %get3A_1688 : i32 to index
      %get3A_1690 = arith.constant 48 : index
      %get3A_1691 = tpu.vector_load %arg4[%get3A_1689, %get3A_1690] {strides = array<i32>} : memref<8x64xf32, #tpu.memory_space<vmem>>, vector<1x16xf32>,
      %get3A_1692 = vector.shape_cast %get3A_1691 : vector<1x16xf32> to vector<16xf32>
      %get3A_1693 = arith.constant 2 : i32
      %get3A_1694 = arith.index_cast %get3A_1693 : i32 to index
      %get3A_1695 = arith.constant 48 : index
      %get3A_1696 = tpu.vector_load %arg4[%get3A_1694, %get3A_1695] {strides = array<i32>} : memref<8x64xf32, #tpu.memory_space<vmem>>, vector<1x16xf32>,
      %get3A_1697 = vector.shape_cast %get3A_1696 : vector<1x16xf32> to vector<16xf32>
      %get3A_1698 = arith.constant 3 : i32
      %get3A_1699 = arith.index_cast %get3A_1698 : i32 to index
      %get3A_1700 = arith.constant 48 : index
      %get3A_1701 = tpu.vector_load %arg4[%get3A_1699, %get3A_1700] {strides = array<i32>} : memref<8x64xf32, #tpu.memory_space<vmem>>, vector<1x16xf32>,
      %get3A_1702 = vector.shape_cast %get3A_1701 : vector<1x16xf32> to vector<16xf32>
      %get3A_1703 = arith.constant 4 : i32
      %get3A_1704 = arith.index_cast %get3A_1703 : i32 to index
      %get3A_1705 = arith.constant 48 : index
      %get3A_1706 = tpu.vector_load %arg4[%get3A_1704, %get3A_1705] {strides = array<i32>} : memref<8x64xf32, #tpu.memory_space<vmem>>, vector<1x16xf32>,
      %get3A_1707 = vector.shape_cast %get3A_1706 : vector<1x16xf32> to vector<16xf32>
      %get3A_1708 = arith.constant 5 : i32
      %get3A_1709 = arith.index_cast %get3A_1708 : i32 to index
      %get3A_1710 = arith.constant 48 : index
      %get3A_1711 = tpu.vector_load %arg4[%get3A_1709, %get3A_1710] {strides = array<i32>} : memref<8x64xf32, #tpu.memory_space<vmem>>, vector<1x16xf32>,
      %get3A_1712 = vector.shape_cast %get3A_1711 : vector<1x16xf32> to vector<16xf32>
      %get3A_1713 = arith.constant 6 : i32
      %get3A_1714 = arith.index_cast %get3A_1713 : i32 to index
      %get3A_1715 = arith.constant 48 : index
      %get3A_1716 = tpu.vector_load %arg4[%get3A_1714, %get3A_1715] {strides = array<i32>} : memref<8x64xf32, #tpu.memory_space<vmem>>, vector<1x16xf32>,
      %get3A_1717 = vector.shape_cast %get3A_1716 : vector<1x16xf32> to vector<16xf32>
      %get3A_1718 = arith.constant 7 : i32
      %get3A_1719 = arith.index_cast %get3A_1718 : i32 to index
      %get3A_1720 = arith.constant 48 : index
      %get3A_1721 = tpu.vector_load %arg4[%get3A_1719, %get3A_1720] {strides = array<i32>} : memref<8x64xf32, #tpu.memory_space<vmem>>, vector<1x16xf32>,
      %get3A_1722 = vector.shape_cast %get3A_1721 : vector<1x16xf32> to vector<16xf32>
      %max3A_1723 = arith.maximumf %get3A_1687, %get3A_1692 : vector<16xf32>
      %max3A_1724 = arith.maximumf %max3A_1723, %get3A_1697 : vector<16xf32>
      %max3A_1725 = arith.maximumf %max3A_1724, %get3A_1702 : vector<16xf32>
      %max3A_1726 = arith.maximumf %max3A_1725, %get3A_1707 : vector<16xf32>
      %max3A_1727 = arith.maximumf %max3A_1726, %get3A_1712 : vector<16xf32>
      %max3A_1728 = arith.maximumf %max3A_1727, %get3A_1717 : vector<16xf32>
      %max3A_1729 = arith.maximumf %max3A_1728, %get3A_1722 : vector<16xf32>
      %broadcast_in_dim3A_1730 = arith.constant 7 : i32
      %broadcast_in_dim3A_1731 = vector.broadcast %broadcast_in_dim3A_1730 : i32 to vector<16xi32>
      %eq3A_1732 = arith.cmpf oeq, %get3A_1717, %max3A_1729 : vector<16xf32>
      %jit3A_1733 = arith.constant 6 : i32
      %broadcast_in_dim3A_1734 = vector.broadcast %jit3A_1733 : i32 to vector<16xi32>
      %select_n3A_1735 = arith.select %eq3A_1732, %broadcast_in_dim3A_1734, %broadcast_in_dim3A_1731 : vector<16xi1>, vector<16xi32>
      %eq3A_1736 = arith.cmpf oeq, %get3A_1712, %max3A_1729 : vector<16xf32>
      %jit3A_1737 = arith.constant 5 : i32
      %broadcast_in_dim3A_1738 = vector.broadcast %jit3A_1737 : i32 to vector<16xi32>
      %select_n3A_1739 = arith.select %eq3A_1736, %broadcast_in_dim3A_1738, %select_n3A_1735 : vector<16xi1>, vector<16xi32>
      %eq3A_1740 = arith.cmpf oeq, %get3A_1707, %max3A_1729 : vector<16xf32>
      %jit3A_1741 = arith.constant 4 : i32
      %broadcast_in_dim3A_1742 = vector.broadcast %jit3A_1741 : i32 to vector<16xi32>
      %select_n3A_1743 = arith.select %eq3A_1740, %broadcast_in_dim3A_1742, %select_n3A_1739 : vector<16xi1>, vector<16xi32>
      %eq3A_1744 = arith.cmpf oeq, %get3A_1702, %max3A_1729 : vector<16xf32>
      %jit3A_1745 = arith.constant 3 : i32
      %broadcast_in_dim3A_1746 = vector.broadcast %jit3A_1745 : i32 to vector<16xi32>
      %select_n3A_1747 = arith.select %eq3A_1744, %broadcast_in_dim3A_1746, %select_n3A_1743 : vector<16xi1>, vector<16xi32>
      %eq3A_1748 = arith.cmpf oeq, %get3A_1697, %max3A_1729 : vector<16xf32>
      %jit3A_1749 = arith.constant 2 : i32
      %broadcast_in_dim3A_1750 = vector.broadcast %jit3A_1749 : i32 to vector<16xi32>
      %select_n3A_1751 = arith.select %eq3A_1748, %broadcast_in_dim3A_1750, %select_n3A_1747 : vector<16xi1>, vector<16xi32>
      %eq3A_1752 = arith.cmpf oeq, %get3A_1692, %max3A_1729 : vector<16xf32>
      %jit3A_1753 = arith.constant 1 : i32
      %broadcast_in_dim3A_1754 = vector.broadcast %jit3A_1753 : i32 to vector<16xi32>
      %select_n3A_1755 = arith.select %eq3A_1752, %broadcast_in_dim3A_1754, %select_n3A_1751 : vector<16xi1>, vector<16xi32>
      %eq3A_1756 = arith.cmpf oeq, %get3A_1687, %max3A_1729 : vector<16xf32>
      %jit3A_1757 = arith.constant 0 : i32
      %broadcast_in_dim3A_1758 = vector.broadcast %jit3A_1757 : i32 to vector<16xi32>
      %select_n3A_1759 = arith.select %eq3A_1756, %broadcast_in_dim3A_1758, %select_n3A_1755 : vector<16xi1>, vector<16xi32>
      %broadcast_in_dim3A_1760 = arith.constant 0.000000e+00 : f32
      %broadcast_in_dim3A_1761 = vector.broadcast %broadcast_in_dim3A_1760 : f32 to vector<16xf32>
      %abs3A_1762 = math.absf %get3A_1687 : vector<16xf32>
      %max3A_1763 = arith.maximumf %abs3A_1762, %max3A_1729 : vector<16xf32>
      %sub3A_1764 = arith.subf %max3A_1729, %get3A_1687 : vector<16xf32>
      %mul3A_1765 = arith.constant 2.000000e-02 : f32
      %mul3A_1766 = vector.broadcast %mul3A_1765 : f32 to vector<16xf32>
      %mul3A_1767 = arith.mulf %mul3A_1766, %max3A_1763 : vector<16xf32>
      %gt3A_1768 = arith.cmpf ogt, %sub3A_1764, %mul3A_1767 : vector<16xf32>
      %sub3A_1769 = arith.subf %get3A_1687, %max3A_1729 : vector<16xf32>
      %exp3A_1770 = math.exp %sub3A_1769 : vector<16xf32>
      %jit3A_1771 = arith.constant 0.000000e+00 : f32
      %broadcast_in_dim3A_1772 = vector.broadcast %jit3A_1771 : f32 to vector<16xf32>
      %select_n3A_1773 = arith.select %gt3A_1768, %broadcast_in_dim3A_1772, %exp3A_1770 : vector<16xi1>, vector<16xf32>
      %add3A_1774 = arith.addf %broadcast_in_dim3A_1761, %select_n3A_1773 : vector<16xf32>
      %abs3A_1775 = math.absf %get3A_1692 : vector<16xf32>
      %max3A_1776 = arith.maximumf %abs3A_1775, %max3A_1729 : vector<16xf32>
      %sub3A_1777 = arith.subf %max3A_1729, %get3A_1692 : vector<16xf32>
      %mul3A_1778 = arith.constant 2.000000e-02 : f32
      %mul3A_1779 = vector.broadcast %mul3A_1778 : f32 to vector<16xf32>
      %mul3A_1780 = arith.mulf %mul3A_1779, %max3A_1776 : vector<16xf32>
      %gt3A_1781 = arith.cmpf ogt, %sub3A_1777, %mul3A_1780 : vector<16xf32>
      %sub3A_1782 = arith.subf %get3A_1692, %max3A_1729 : vector<16xf32>
      %exp3A_1783 = math.exp %sub3A_1782 : vector<16xf32>
      %jit3A_1784 = arith.constant 0.000000e+00 : f32
      %broadcast_in_dim3A_1785 = vector.broadcast %jit3A_1784 : f32 to vector<16xf32>
      %select_n3A_1786 = arith.select %gt3A_1781, %broadcast_in_dim3A_1785, %exp3A_1783 : vector<16xi1>, vector<16xf32>
      %add3A_1787 = arith.addf %add3A_1774, %select_n3A_1786 : vector<16xf32>
      %abs3A_1788 = math.absf %get3A_1697 : vector<16xf32>
      %max3A_1789 = arith.maximumf %abs3A_1788, %max3A_1729 : vector<16xf32>
      %sub3A_1790 = arith.subf %max3A_1729, %get3A_1697 : vector<16xf32>
      %mul3A_1791 = arith.constant 2.000000e-02 : f32
      %mul3A_1792 = vector.broadcast %mul3A_1791 : f32 to vector<16xf32>
      %mul3A_1793 = arith.mulf %mul3A_1792, %max3A_1789 : vector<16xf32>
      %gt3A_1794 = arith.cmpf ogt, %sub3A_1790, %mul3A_1793 : vector<16xf32>
      %sub3A_1795 = arith.subf %get3A_1697, %max3A_1729 : vector<16xf32>
      %exp3A_1796 = math.exp %sub3A_1795 : vector<16xf32>
      %jit3A_1797 = arith.constant 0.000000e+00 : f32
      %broadcast_in_dim3A_1798 = vector.broadcast %jit3A_1797 : f32 to vector<16xf32>
      %select_n3A_1799 = arith.select %gt3A_1794, %broadcast_in_dim3A_1798, %exp3A_1796 : vector<16xi1>, vector<16xf32>
      %add3A_1800 = arith.addf %add3A_1787, %select_n3A_1799 : vector<16xf32>
      %abs3A_1801 = math.absf %get3A_1702 : vector<16xf32>
      %max3A_1802 = arith.maximumf %abs3A_1801, %max3A_1729 : vector<16xf32>
      %sub3A_1803 = arith.subf %max3A_1729, %get3A_1702 : vector<16xf32>
      %mul3A_1804 = arith.constant 2.000000e-02 : f32
      %mul3A_1805 = vector.broadcast %mul3A_1804 : f32 to vector<16xf32>
      %mul3A_1806 = arith.mulf %mul3A_1805, %max3A_1802 : vector<16xf32>
      %gt3A_1807 = arith.cmpf ogt, %sub3A_1803, %mul3A_1806 : vector<16xf32>
      %sub3A_1808 = arith.subf %get3A_1702, %max3A_1729 : vector<16xf32>
      %exp3A_1809 = math.exp %sub3A_1808 : vector<16xf32>
      %jit3A_1810 = arith.constant 0.000000e+00 : f32
      %broadcast_in_dim3A_1811 = vector.broadcast %jit3A_1810 : f32 to vector<16xf32>
      %select_n3A_1812 = arith.select %gt3A_1807, %broadcast_in_dim3A_1811, %exp3A_1809 : vector<16xi1>, vector<16xf32>
      %add3A_1813 = arith.addf %add3A_1800, %select_n3A_1812 : vector<16xf32>
      %abs3A_1814 = math.absf %get3A_1707 : vector<16xf32>
      %max3A_1815 = arith.maximumf %abs3A_1814, %max3A_1729 : vector<16xf32>
      %sub3A_1816 = arith.subf %max3A_1729, %get3A_1707 : vector<16xf32>
      %mul3A_1817 = arith.constant 2.000000e-02 : f32
      %mul3A_1818 = vector.broadcast %mul3A_1817 : f32 to vector<16xf32>
      %mul3A_1819 = arith.mulf %mul3A_1818, %max3A_1815 : vector<16xf32>
      %gt3A_1820 = arith.cmpf ogt, %sub3A_1816, %mul3A_1819 : vector<16xf32>
      %sub3A_1821 = arith.subf %get3A_1707, %max3A_1729 : vector<16xf32>
      %exp3A_1822 = math.exp %sub3A_1821 : vector<16xf32>
      %jit3A_1823 = arith.constant 0.000000e+00 : f32
      %broadcast_in_dim3A_1824 = vector.broadcast %jit3A_1823 : f32 to vector<16xf32>
      %select_n3A_1825 = arith.select %gt3A_1820, %broadcast_in_dim3A_1824, %exp3A_1822 : vector<16xi1>, vector<16xf32>
      %add3A_1826 = arith.addf %add3A_1813, %select_n3A_1825 : vector<16xf32>
      %abs3A_1827 = math.absf %get3A_1712 : vector<16xf32>
      %max3A_1828 = arith.maximumf %abs3A_1827, %max3A_1729 : vector<16xf32>
      %sub3A_1829 = arith.subf %max3A_1729, %get3A_1712 : vector<16xf32>
      %mul3A_1830 = arith.constant 2.000000e-02 : f32
      %mul3A_1831 = vector.broadcast %mul3A_1830 : f32 to vector<16xf32>
      %mul3A_1832 = arith.mulf %mul3A_1831, %max3A_1828 : vector<16xf32>
      %gt3A_1833 = arith.cmpf ogt, %sub3A_1829, %mul3A_1832 : vector<16xf32>
      %sub3A_1834 = arith.subf %get3A_1712, %max3A_1729 : vector<16xf32>
      %exp3A_1835 = math.exp %sub3A_1834 : vector<16xf32>
      %jit3A_1836 = arith.constant 0.000000e+00 : f32
      %broadcast_in_dim3A_1837 = vector.broadcast %jit3A_1836 : f32 to vector<16xf32>
      %select_n3A_1838 = arith.select %gt3A_1833, %broadcast_in_dim3A_1837, %exp3A_1835 : vector<16xi1>, vector<16xf32>
      %add3A_1839 = arith.addf %add3A_1826, %select_n3A_1838 : vector<16xf32>
      %abs3A_1840 = math.absf %get3A_1717 : vector<16xf32>
      %max3A_1841 = arith.maximumf %abs3A_1840, %max3A_1729 : vector<16xf32>
      %sub3A_1842 = arith.subf %max3A_1729, %get3A_1717 : vector<16xf32>
      %mul3A_1843 = arith.constant 2.000000e-02 : f32
      %mul3A_1844 = vector.broadcast %mul3A_1843 : f32 to vector<16xf32>
      %mul3A_1845 = arith.mulf %mul3A_1844, %max3A_1841 : vector<16xf32>
      %gt3A_1846 = arith.cmpf ogt, %sub3A_1842, %mul3A_1845 : vector<16xf32>
      %sub3A_1847 = arith.subf %get3A_1717, %max3A_1729 : vector<16xf32>
      %exp3A_1848 = math.exp %sub3A_1847 : vector<16xf32>
      %jit3A_1849 = arith.constant 0.000000e+00 : f32
      %broadcast_in_dim3A_1850 = vector.broadcast %jit3A_1849 : f32 to vector<16xf32>
      %select_n3A_1851 = arith.select %gt3A_1846, %broadcast_in_dim3A_1850, %exp3A_1848 : vector<16xi1>, vector<16xf32>
      %add3A_1852 = arith.addf %add3A_1839, %select_n3A_1851 : vector<16xf32>
      %abs3A_1853 = math.absf %get3A_1722 : vector<16xf32>
      %max3A_1854 = arith.maximumf %abs3A_1853, %max3A_1729 : vector<16xf32>
      %sub3A_1855 = arith.subf %max3A_1729, %get3A_1722 : vector<16xf32>
      %mul3A_1856 = arith.constant 2.000000e-02 : f32
      %mul3A_1857 = vector.broadcast %mul3A_1856 : f32 to vector<16xf32>
      %mul3A_1858 = arith.mulf %mul3A_1857, %max3A_1854 : vector<16xf32>
      %gt3A_1859 = arith.cmpf ogt, %sub3A_1855, %mul3A_1858 : vector<16xf32>
      %sub3A_1860 = arith.subf %get3A_1722, %max3A_1729 : vector<16xf32>
      %exp3A_1861 = math.exp %sub3A_1860 : vector<16xf32>
      %jit3A_1862 = arith.constant 0.000000e+00 : f32
      %broadcast_in_dim3A_1863 = vector.broadcast %jit3A_1862 : f32 to vector<16xf32>
      %select_n3A_1864 = arith.select %gt3A_1859, %broadcast_in_dim3A_1863, %exp3A_1861 : vector<16xi1>, vector<16xf32>
      %add3A_1865 = arith.addf %add3A_1852, %select_n3A_1864 : vector<16xf32>
      %div3A_1866 = arith.constant 1.000000e+00 : f32
      %div3A_1867 = vector.broadcast %div3A_1866 : f32 to vector<16xf32>
      %div3A_1868 = arith.divf %div3A_1867, %add3A_1865 : vector<16xf32>
      %eq3A_1869 = arith.constant 0 : i32
      %eq3A_1870 = vector.broadcast %eq3A_1869 : i32 to vector<16xi32>
      %eq3A_1871 = arith.cmpi eq, %select_n3A_1759, %eq3A_1870 : vector<16xi32>
      %jit3A_1872 = arith.constant -1.000000e+30 : f32
      %broadcast_in_dim3A_1873 = vector.broadcast %jit3A_1872 : f32 to vector<16xf32>
      %select_n3A_1874 = arith.select %eq3A_1871, %broadcast_in_dim3A_1873, %get3A_1687 : vector<16xi1>, vector<16xf32>
      %eq3A_1875 = arith.constant 1 : i32
      %eq3A_1876 = vector.broadcast %eq3A_1875 : i32 to vector<16xi32>
      %eq3A_1877 = arith.cmpi eq, %select_n3A_1759, %eq3A_1876 : vector<16xi32>
      %jit3A_1878 = arith.constant -1.000000e+30 : f32
      %broadcast_in_dim3A_1879 = vector.broadcast %jit3A_1878 : f32 to vector<16xf32>
      %select_n3A_1880 = arith.select %eq3A_1877, %broadcast_in_dim3A_1879, %get3A_1692 : vector<16xi1>, vector<16xf32>
      %eq3A_1881 = arith.constant 2 : i32
      %eq3A_1882 = vector.broadcast %eq3A_1881 : i32 to vector<16xi32>
      %eq3A_1883 = arith.cmpi eq, %select_n3A_1759, %eq3A_1882 : vector<16xi32>
      %jit3A_1884 = arith.constant -1.000000e+30 : f32
      %broadcast_in_dim3A_1885 = vector.broadcast %jit3A_1884 : f32 to vector<16xf32>
      %select_n3A_1886 = arith.select %eq3A_1883, %broadcast_in_dim3A_1885, %get3A_1697 : vector<16xi1>, vector<16xf32>
      %eq3A_1887 = arith.constant 3 : i32
      %eq3A_1888 = vector.broadcast %eq3A_1887 : i32 to vector<16xi32>
      %eq3A_1889 = arith.cmpi eq, %select_n3A_1759, %eq3A_1888 : vector<16xi32>
      %jit3A_1890 = arith.constant -1.000000e+30 : f32
      %broadcast_in_dim3A_1891 = vector.broadcast %jit3A_1890 : f32 to vector<16xf32>
      %select_n3A_1892 = arith.select %eq3A_1889, %broadcast_in_dim3A_1891, %get3A_1702 : vector<16xi1>, vector<16xf32>
      %eq3A_1893 = arith.constant 4 : i32
      %eq3A_1894 = vector.broadcast %eq3A_1893 : i32 to vector<16xi32>
      %eq3A_1895 = arith.cmpi eq, %select_n3A_1759, %eq3A_1894 : vector<16xi32>
      %jit3A_1896 = arith.constant -1.000000e+30 : f32
      %broadcast_in_dim3A_1897 = vector.broadcast %jit3A_1896 : f32 to vector<16xf32>
      %select_n3A_1898 = arith.select %eq3A_1895, %broadcast_in_dim3A_1897, %get3A_1707 : vector<16xi1>, vector<16xf32>
      %eq3A_1899 = arith.constant 5 : i32
      %eq3A_1900 = vector.broadcast %eq3A_1899 : i32 to vector<16xi32>
      %eq3A_1901 = arith.cmpi eq, %select_n3A_1759, %eq3A_1900 : vector<16xi32>
      %jit3A_1902 = arith.constant -1.000000e+30 : f32
      %broadcast_in_dim3A_1903 = vector.broadcast %jit3A_1902 : f32 to vector<16xf32>
      %select_n3A_1904 = arith.select %eq3A_1901, %broadcast_in_dim3A_1903, %get3A_1712 : vector<16xi1>, vector<16xf32>
      %eq3A_1905 = arith.constant 6 : i32
      %eq3A_1906 = vector.broadcast %eq3A_1905 : i32 to vector<16xi32>
      %eq3A_1907 = arith.cmpi eq, %select_n3A_1759, %eq3A_1906 : vector<16xi32>
      %jit3A_1908 = arith.constant -1.000000e+30 : f32
      %broadcast_in_dim3A_1909 = vector.broadcast %jit3A_1908 : f32 to vector<16xf32>
      %select_n3A_1910 = arith.select %eq3A_1907, %broadcast_in_dim3A_1909, %get3A_1717 : vector<16xi1>, vector<16xf32>
      %eq3A_1911 = arith.constant 7 : i32
      %eq3A_1912 = vector.broadcast %eq3A_1911 : i32 to vector<16xi32>
      %eq3A_1913 = arith.cmpi eq, %select_n3A_1759, %eq3A_1912 : vector<16xi32>
      %jit3A_1914 = arith.constant -1.000000e+30 : f32
      %broadcast_in_dim3A_1915 = vector.broadcast %jit3A_1914 : f32 to vector<16xf32>
      %select_n3A_1916 = arith.select %eq3A_1913, %broadcast_in_dim3A_1915, %get3A_1722 : vector<16xi1>, vector<16xf32>
      %max3A_1917 = arith.maximumf %select_n3A_1874, %select_n3A_1880 : vector<16xf32>
      %max3A_1918 = arith.maximumf %max3A_1917, %select_n3A_1886 : vector<16xf32>
      %max3A_1919 = arith.maximumf %max3A_1918, %select_n3A_1892 : vector<16xf32>
      %max3A_1920 = arith.maximumf %max3A_1919, %select_n3A_1898 : vector<16xf32>
      %max3A_1921 = arith.maximumf %max3A_1920, %select_n3A_1904 : vector<16xf32>
      %max3A_1922 = arith.maximumf %max3A_1921, %select_n3A_1910 : vector<16xf32>
      %max3A_1923 = arith.maximumf %max3A_1922, %select_n3A_1916 : vector<16xf32>
      %broadcast_in_dim3A_1924 = arith.constant 7 : i32
      %broadcast_in_dim3A_1925 = vector.broadcast %broadcast_in_dim3A_1924 : i32 to vector<16xi32>
      %eq3A_1926 = arith.cmpf oeq, %select_n3A_1910, %max3A_1923 : vector<16xf32>
      %jit3A_1927 = arith.constant 6 : i32
      %broadcast_in_dim3A_1928 = vector.broadcast %jit3A_1927 : i32 to vector<16xi32>
      %select_n3A_1929 = arith.select %eq3A_1926, %broadcast_in_dim3A_1928, %broadcast_in_dim3A_1925 : vector<16xi1>, vector<16xi32>
      %eq3A_1930 = arith.cmpf oeq, %select_n3A_1904, %max3A_1923 : vector<16xf32>
      %jit3A_1931 = arith.constant 5 : i32
      %broadcast_in_dim3A_1932 = vector.broadcast %jit3A_1931 : i32 to vector<16xi32>
      %select_n3A_1933 = arith.select %eq3A_1930, %broadcast_in_dim3A_1932, %select_n3A_1929 : vector<16xi1>, vector<16xi32>
      %eq3A_1934 = arith.cmpf oeq, %select_n3A_1898, %max3A_1923 : vector<16xf32>
      %jit3A_1935 = arith.constant 4 : i32
      %broadcast_in_dim3A_1936 = vector.broadcast %jit3A_1935 : i32 to vector<16xi32>
      %select_n3A_1937 = arith.select %eq3A_1934, %broadcast_in_dim3A_1936, %select_n3A_1933 : vector<16xi1>, vector<16xi32>
      %eq3A_1938 = arith.cmpf oeq, %select_n3A_1892, %max3A_1923 : vector<16xf32>
      %jit3A_1939 = arith.constant 3 : i32
      %broadcast_in_dim3A_1940 = vector.broadcast %jit3A_1939 : i32 to vector<16xi32>
      %select_n3A_1941 = arith.select %eq3A_1938, %broadcast_in_dim3A_1940, %select_n3A_1937 : vector<16xi1>, vector<16xi32>
      %eq3A_1942 = arith.cmpf oeq, %select_n3A_1886, %max3A_1923 : vector<16xf32>
      %jit3A_1943 = arith.constant 2 : i32
      %broadcast_in_dim3A_1944 = vector.broadcast %jit3A_1943 : i32 to vector<16xi32>
      %select_n3A_1945 = arith.select %eq3A_1942, %broadcast_in_dim3A_1944, %select_n3A_1941 : vector<16xi1>, vector<16xi32>
      %eq3A_1946 = arith.cmpf oeq, %select_n3A_1880, %max3A_1923 : vector<16xf32>
      %jit3A_1947 = arith.constant 1 : i32
      %broadcast_in_dim3A_1948 = vector.broadcast %jit3A_1947 : i32 to vector<16xi32>
      %select_n3A_1949 = arith.select %eq3A_1946, %broadcast_in_dim3A_1948, %select_n3A_1945 : vector<16xi1>, vector<16xi32>
      %eq3A_1950 = arith.cmpf oeq, %select_n3A_1874, %max3A_1923 : vector<16xf32>
      %jit3A_1951 = arith.constant 0 : i32
      %broadcast_in_dim3A_1952 = vector.broadcast %jit3A_1951 : i32 to vector<16xi32>
      %select_n3A_1953 = arith.select %eq3A_1950, %broadcast_in_dim3A_1952, %select_n3A_1949 : vector<16xi1>, vector<16xi32>
      %broadcast_in_dim3A_1954 = arith.constant 0.000000e+00 : f32
      %broadcast_in_dim3A_1955 = vector.broadcast %broadcast_in_dim3A_1954 : f32 to vector<16xf32>
      %abs3A_1956 = math.absf %get3A_1687 : vector<16xf32>
      %max3A_1957 = arith.maximumf %abs3A_1956, %max3A_1923 : vector<16xf32>
      %sub3A_1958 = arith.subf %max3A_1923, %get3A_1687 : vector<16xf32>
      %mul3A_1959 = arith.constant 2.000000e-02 : f32
      %mul3A_1960 = vector.broadcast %mul3A_1959 : f32 to vector<16xf32>
      %mul3A_1961 = arith.mulf %mul3A_1960, %max3A_1957 : vector<16xf32>
      %gt3A_1962 = arith.cmpf ogt, %sub3A_1958, %mul3A_1961 : vector<16xf32>
      %eq3A_1963 = arith.constant 0 : i32
      %eq3A_1964 = vector.broadcast %eq3A_1963 : i32 to vector<16xi32>
      %eq3A_1965 = arith.cmpi eq, %select_n3A_1759, %eq3A_1964 : vector<16xi32>
      %or3A_1966 = arith.ori %gt3A_1962, %eq3A_1965 : vector<16xi1>
      %sub3A_1967 = arith.subf %get3A_1687, %max3A_1923 : vector<16xf32>
      %exp3A_1968 = math.exp %sub3A_1967 : vector<16xf32>
      %jit3A_1969 = arith.constant 0.000000e+00 : f32
      %broadcast_in_dim3A_1970 = vector.broadcast %jit3A_1969 : f32 to vector<16xf32>
      %select_n3A_1971 = arith.select %or3A_1966, %broadcast_in_dim3A_1970, %exp3A_1968 : vector<16xi1>, vector<16xf32>
      %add3A_1972 = arith.addf %broadcast_in_dim3A_1955, %select_n3A_1971 : vector<16xf32>
      %abs3A_1973 = math.absf %get3A_1692 : vector<16xf32>
      %max3A_1974 = arith.maximumf %abs3A_1973, %max3A_1923 : vector<16xf32>
      %sub3A_1975 = arith.subf %max3A_1923, %get3A_1692 : vector<16xf32>
      %mul3A_1976 = arith.constant 2.000000e-02 : f32
      %mul3A_1977 = vector.broadcast %mul3A_1976 : f32 to vector<16xf32>
      %mul3A_1978 = arith.mulf %mul3A_1977, %max3A_1974 : vector<16xf32>
      %gt3A_1979 = arith.cmpf ogt, %sub3A_1975, %mul3A_1978 : vector<16xf32>
      %eq3A_1980 = arith.constant 1 : i32
      %eq3A_1981 = vector.broadcast %eq3A_1980 : i32 to vector<16xi32>
      %eq3A_1982 = arith.cmpi eq, %select_n3A_1759, %eq3A_1981 : vector<16xi32>
      %or3A_1983 = arith.ori %gt3A_1979, %eq3A_1982 : vector<16xi1>
      %sub3A_1984 = arith.subf %get3A_1692, %max3A_1923 : vector<16xf32>
      %exp3A_1985 = math.exp %sub3A_1984 : vector<16xf32>
      %jit3A_1986 = arith.constant 0.000000e+00 : f32
      %broadcast_in_dim3A_1987 = vector.broadcast %jit3A_1986 : f32 to vector<16xf32>
      %select_n3A_1988 = arith.select %or3A_1983, %broadcast_in_dim3A_1987, %exp3A_1985 : vector<16xi1>, vector<16xf32>
      %add3A_1989 = arith.addf %add3A_1972, %select_n3A_1988 : vector<16xf32>
      %abs3A_1990 = math.absf %get3A_1697 : vector<16xf32>
      %max3A_1991 = arith.maximumf %abs3A_1990, %max3A_1923 : vector<16xf32>
      %sub3A_1992 = arith.subf %max3A_1923, %get3A_1697 : vector<16xf32>
      %mul3A_1993 = arith.constant 2.000000e-02 : f32
      %mul3A_1994 = vector.broadcast %mul3A_1993 : f32 to vector<16xf32>
      %mul3A_1995 = arith.mulf %mul3A_1994, %max3A_1991 : vector<16xf32>
      %gt3A_1996 = arith.cmpf ogt, %sub3A_1992, %mul3A_1995 : vector<16xf32>
      %eq3A_1997 = arith.constant 2 : i32
      %eq3A_1998 = vector.broadcast %eq3A_1997 : i32 to vector<16xi32>
      %eq3A_1999 = arith.cmpi eq, %select_n3A_1759, %eq3A_1998 : vector<16xi32>
      %or3A_2000 = arith.ori %gt3A_1996, %eq3A_1999 : vector<16xi1>
      %sub3A_2001 = arith.subf %get3A_1697, %max3A_1923 : vector<16xf32>
      %exp3A_2002 = math.exp %sub3A_2001 : vector<16xf32>
      %jit3A_2003 = arith.constant 0.000000e+00 : f32
      %broadcast_in_dim3A_2004 = vector.broadcast %jit3A_2003 : f32 to vector<16xf32>
      %select_n3A_2005 = arith.select %or3A_2000, %broadcast_in_dim3A_2004, %exp3A_2002 : vector<16xi1>, vector<16xf32>
      %add3A_2006 = arith.addf %add3A_1989, %select_n3A_2005 : vector<16xf32>
      %abs3A_2007 = math.absf %get3A_1702 : vector<16xf32>
      %max3A_2008 = arith.maximumf %abs3A_2007, %max3A_1923 : vector<16xf32>
      %sub3A_2009 = arith.subf %max3A_1923, %get3A_1702 : vector<16xf32>
      %mul3A_2010 = arith.constant 2.000000e-02 : f32
      %mul3A_2011 = vector.broadcast %mul3A_2010 : f32 to vector<16xf32>
      %mul3A_2012 = arith.mulf %mul3A_2011, %max3A_2008 : vector<16xf32>
      %gt3A_2013 = arith.cmpf ogt, %sub3A_2009, %mul3A_2012 : vector<16xf32>
      %eq3A_2014 = arith.constant 3 : i32
      %eq3A_2015 = vector.broadcast %eq3A_2014 : i32 to vector<16xi32>
      %eq3A_2016 = arith.cmpi eq, %select_n3A_1759, %eq3A_2015 : vector<16xi32>
      %or3A_2017 = arith.ori %gt3A_2013, %eq3A_2016 : vector<16xi1>
      %sub3A_2018 = arith.subf %get3A_1702, %max3A_1923 : vector<16xf32>
      %exp3A_2019 = math.exp %sub3A_2018 : vector<16xf32>
      %jit3A_2020 = arith.constant 0.000000e+00 : f32
      %broadcast_in_dim3A_2021 = vector.broadcast %jit3A_2020 : f32 to vector<16xf32>
      %select_n3A_2022 = arith.select %or3A_2017, %broadcast_in_dim3A_2021, %exp3A_2019 : vector<16xi1>, vector<16xf32>
      %add3A_2023 = arith.addf %add3A_2006, %select_n3A_2022 : vector<16xf32>
      %abs3A_2024 = math.absf %get3A_1707 : vector<16xf32>
      %max3A_2025 = arith.maximumf %abs3A_2024, %max3A_1923 : vector<16xf32>
      %sub3A_2026 = arith.subf %max3A_1923, %get3A_1707 : vector<16xf32>
      %mul3A_2027 = arith.constant 2.000000e-02 : f32
      %mul3A_2028 = vector.broadcast %mul3A_2027 : f32 to vector<16xf32>
      %mul3A_2029 = arith.mulf %mul3A_2028, %max3A_2025 : vector<16xf32>
      %gt3A_2030 = arith.cmpf ogt, %sub3A_2026, %mul3A_2029 : vector<16xf32>
      %eq3A_2031 = arith.constant 4 : i32
      %eq3A_2032 = vector.broadcast %eq3A_2031 : i32 to vector<16xi32>
      %eq3A_2033 = arith.cmpi eq, %select_n3A_1759, %eq3A_2032 : vector<16xi32>
      %or3A_2034 = arith.ori %gt3A_2030, %eq3A_2033 : vector<16xi1>
      %sub3A_2035 = arith.subf %get3A_1707, %max3A_1923 : vector<16xf32>
      %exp3A_2036 = math.exp %sub3A_2035 : vector<16xf32>
      %jit3A_2037 = arith.constant 0.000000e+00 : f32
      %broadcast_in_dim3A_2038 = vector.broadcast %jit3A_2037 : f32 to vector<16xf32>
      %select_n3A_2039 = arith.select %or3A_2034, %broadcast_in_dim3A_2038, %exp3A_2036 : vector<16xi1>, vector<16xf32>
      %add3A_2040 = arith.addf %add3A_2023, %select_n3A_2039 : vector<16xf32>
      %abs3A_2041 = math.absf %get3A_1712 : vector<16xf32>
      %max3A_2042 = arith.maximumf %abs3A_2041, %max3A_1923 : vector<16xf32>
      %sub3A_2043 = arith.subf %max3A_1923, %get3A_1712 : vector<16xf32>
      %mul3A_2044 = arith.constant 2.000000e-02 : f32
      %mul3A_2045 = vector.broadcast %mul3A_2044 : f32 to vector<16xf32>
      %mul3A_2046 = arith.mulf %mul3A_2045, %max3A_2042 : vector<16xf32>
      %gt3A_2047 = arith.cmpf ogt, %sub3A_2043, %mul3A_2046 : vector<16xf32>
      %eq3A_2048 = arith.constant 5 : i32
      %eq3A_2049 = vector.broadcast %eq3A_2048 : i32 to vector<16xi32>
      %eq3A_2050 = arith.cmpi eq, %select_n3A_1759, %eq3A_2049 : vector<16xi32>
      %or3A_2051 = arith.ori %gt3A_2047, %eq3A_2050 : vector<16xi1>
      %sub3A_2052 = arith.subf %get3A_1712, %max3A_1923 : vector<16xf32>
      %exp3A_2053 = math.exp %sub3A_2052 : vector<16xf32>
      %jit3A_2054 = arith.constant 0.000000e+00 : f32
      %broadcast_in_dim3A_2055 = vector.broadcast %jit3A_2054 : f32 to vector<16xf32>
      %select_n3A_2056 = arith.select %or3A_2051, %broadcast_in_dim3A_2055, %exp3A_2053 : vector<16xi1>, vector<16xf32>
      %add3A_2057 = arith.addf %add3A_2040, %select_n3A_2056 : vector<16xf32>
      %abs3A_2058 = math.absf %get3A_1717 : vector<16xf32>
      %max3A_2059 = arith.maximumf %abs3A_2058, %max3A_1923 : vector<16xf32>
      %sub3A_2060 = arith.subf %max3A_1923, %get3A_1717 : vector<16xf32>
      %mul3A_2061 = arith.constant 2.000000e-02 : f32
      %mul3A_2062 = vector.broadcast %mul3A_2061 : f32 to vector<16xf32>
      %mul3A_2063 = arith.mulf %mul3A_2062, %max3A_2059 : vector<16xf32>
      %gt3A_2064 = arith.cmpf ogt, %sub3A_2060, %mul3A_2063 : vector<16xf32>
      %eq3A_2065 = arith.constant 6 : i32
      %eq3A_2066 = vector.broadcast %eq3A_2065 : i32 to vector<16xi32>
      %eq3A_2067 = arith.cmpi eq, %select_n3A_1759, %eq3A_2066 : vector<16xi32>
      %or3A_2068 = arith.ori %gt3A_2064, %eq3A_2067 : vector<16xi1>
      %sub3A_2069 = arith.subf %get3A_1717, %max3A_1923 : vector<16xf32>
      %exp3A_2070 = math.exp %sub3A_2069 : vector<16xf32>
      %jit3A_2071 = arith.constant 0.000000e+00 : f32
      %broadcast_in_dim3A_2072 = vector.broadcast %jit3A_2071 : f32 to vector<16xf32>
      %select_n3A_2073 = arith.select %or3A_2068, %broadcast_in_dim3A_2072, %exp3A_2070 : vector<16xi1>, vector<16xf32>
      %add3A_2074 = arith.addf %add3A_2057, %select_n3A_2073 : vector<16xf32>
      %abs3A_2075 = math.absf %get3A_1722 : vector<16xf32>
      %max3A_2076 = arith.maximumf %abs3A_2075, %max3A_1923 : vector<16xf32>
      %sub3A_2077 = arith.subf %max3A_1923, %get3A_1722 : vector<16xf32>
      %mul3A_2078 = arith.constant 2.000000e-02 : f32
      %mul3A_2079 = vector.broadcast %mul3A_2078 : f32 to vector<16xf32>
      %mul3A_2080 = arith.mulf %mul3A_2079, %max3A_2076 : vector<16xf32>
      %gt3A_2081 = arith.cmpf ogt, %sub3A_2077, %mul3A_2080 : vector<16xf32>
      %eq3A_2082 = arith.constant 7 : i32
      %eq3A_2083 = vector.broadcast %eq3A_2082 : i32 to vector<16xi32>
      %eq3A_2084 = arith.cmpi eq, %select_n3A_1759, %eq3A_2083 : vector<16xi32>
      %or3A_2085 = arith.ori %gt3A_2081, %eq3A_2084 : vector<16xi1>
      %sub3A_2086 = arith.subf %get3A_1722, %max3A_1923 : vector<16xf32>
      %exp3A_2087 = math.exp %sub3A_2086 : vector<16xf32>
      %jit3A_2088 = arith.constant 0.000000e+00 : f32
      %broadcast_in_dim3A_2089 = vector.broadcast %jit3A_2088 : f32 to vector<16xf32>
      %select_n3A_2090 = arith.select %or3A_2085, %broadcast_in_dim3A_2089, %exp3A_2087 : vector<16xi1>, vector<16xf32>
      %add3A_2091 = arith.addf %add3A_2074, %select_n3A_2090 : vector<16xf32>
      %div3A_2092 = arith.constant 1.000000e+00 : f32
      %div3A_2093 = vector.broadcast %div3A_2092 : f32 to vector<16xf32>
      %div3A_2094 = arith.divf %div3A_2093, %add3A_2091 : vector<16xf32>
      %eq3A_2095 = arith.constant 0 : i32
      %eq3A_2096 = vector.broadcast %eq3A_2095 : i32 to vector<16xi32>
      %eq3A_2097 = arith.cmpi eq, %select_n3A_1759, %eq3A_2096 : vector<16xi32>
      %jit3A_2098 = arith.constant 0.000000e+00 : f32
      %broadcast_in_dim3A_2099 = vector.broadcast %jit3A_2098 : f32 to vector<16xf32>
      %select_n3A_2100 = arith.select %eq3A_2097, %div3A_1868, %broadcast_in_dim3A_2099 : vector<16xi1>, vector<16xf32>
      %eq3A_2101 = arith.constant 0 : i32
      %eq3A_2102 = vector.broadcast %eq3A_2101 : i32 to vector<16xi32>
      %eq3A_2103 = arith.cmpi eq, %select_n3A_1953, %eq3A_2102 : vector<16xi32>
      %jit3A_2104 = arith.constant 0.000000e+00 : f32
      %broadcast_in_dim3A_2105 = vector.broadcast %jit3A_2104 : f32 to vector<16xf32>
      %select_n3A_2106 = arith.select %eq3A_2103, %div3A_2094, %broadcast_in_dim3A_2105 : vector<16xi1>, vector<16xf32>
      %add3A_2107 = arith.addf %select_n3A_2100, %select_n3A_2106 : vector<16xf32>
      %swap3A_2108 = arith.constant 0 : i32
      %swap3A_2109 = arith.index_cast %swap3A_2108 : i32 to index
      %swap3A_2110 = arith.constant 48 : index
      %swap3A_2111 = tpu.vector_load %arg5[%swap3A_2109, %swap3A_2110] {strides = array<i32>} : memref<8x64xf32, #tpu.memory_space<vmem>>, vector<1x16xf32>,
      %swap3A_2112 = vector.shape_cast %swap3A_2111 : vector<1x16xf32> to vector<16xf32>
      %swap3A_2113 = vector.shape_cast %add3A_2107 : vector<16xf32> to vector<1x16xf32>
      tpu.vector_store %arg5[%swap3A_2109, %swap3A_2110], %swap3A_2113 {strides = array<i32>} : memref<8x64xf32, #tpu.memory_space<vmem>>, vector<1x16xf32>,
      %eq3A_2114 = arith.constant 1 : i32
      %eq3A_2115 = vector.broadcast %eq3A_2114 : i32 to vector<16xi32>
      %eq3A_2116 = arith.cmpi eq, %select_n3A_1759, %eq3A_2115 : vector<16xi32>
      %jit3A_2117 = arith.constant 0.000000e+00 : f32
      %broadcast_in_dim3A_2118 = vector.broadcast %jit3A_2117 : f32 to vector<16xf32>
      %select_n3A_2119 = arith.select %eq3A_2116, %div3A_1868, %broadcast_in_dim3A_2118 : vector<16xi1>, vector<16xf32>
      %eq3A_2120 = arith.constant 1 : i32
      %eq3A_2121 = vector.broadcast %eq3A_2120 : i32 to vector<16xi32>
      %eq3A_2122 = arith.cmpi eq, %select_n3A_1953, %eq3A_2121 : vector<16xi32>
      %jit3A_2123 = arith.constant 0.000000e+00 : f32
      %broadcast_in_dim3A_2124 = vector.broadcast %jit3A_2123 : f32 to vector<16xf32>
      %select_n3A_2125 = arith.select %eq3A_2122, %div3A_2094, %broadcast_in_dim3A_2124 : vector<16xi1>, vector<16xf32>
      %add3A_2126 = arith.addf %select_n3A_2119, %select_n3A_2125 : vector<16xf32>
      %swap3A_2127 = arith.constant 1 : i32
      %swap3A_2128 = arith.index_cast %swap3A_2127 : i32 to index
      %swap3A_2129 = arith.constant 48 : index
      %swap3A_2130 = tpu.vector_load %arg5[%swap3A_2128, %swap3A_2129] {strides = array<i32>} : memref<8x64xf32, #tpu.memory_space<vmem>>, vector<1x16xf32>,
      %swap3A_2131 = vector.shape_cast %swap3A_2130 : vector<1x16xf32> to vector<16xf32>
      %swap3A_2132 = vector.shape_cast %add3A_2126 : vector<16xf32> to vector<1x16xf32>
      tpu.vector_store %arg5[%swap3A_2128, %swap3A_2129], %swap3A_2132 {strides = array<i32>} : memref<8x64xf32, #tpu.memory_space<vmem>>, vector<1x16xf32>,
      %eq3A_2133 = arith.constant 2 : i32
      %eq3A_2134 = vector.broadcast %eq3A_2133 : i32 to vector<16xi32>
      %eq3A_2135 = arith.cmpi eq, %select_n3A_1759, %eq3A_2134 : vector<16xi32>
      %jit3A_2136 = arith.constant 0.000000e+00 : f32
      %broadcast_in_dim3A_2137 = vector.broadcast %jit3A_2136 : f32 to vector<16xf32>
      %select_n3A_2138 = arith.select %eq3A_2135, %div3A_1868, %broadcast_in_dim3A_2137 : vector<16xi1>, vector<16xf32>
      %eq3A_2139 = arith.constant 2 : i32
      %eq3A_2140 = vector.broadcast %eq3A_2139 : i32 to vector<16xi32>
      %eq3A_2141 = arith.cmpi eq, %select_n3A_1953, %eq3A_2140 : vector<16xi32>
      %jit3A_2142 = arith.constant 0.000000e+00 : f32
      %broadcast_in_dim3A_2143 = vector.broadcast %jit3A_2142 : f32 to vector<16xf32>
      %select_n3A_2144 = arith.select %eq3A_2141, %div3A_2094, %broadcast_in_dim3A_2143 : vector<16xi1>, vector<16xf32>
      %add3A_2145 = arith.addf %select_n3A_2138, %select_n3A_2144 : vector<16xf32>
      %swap3A_2146 = arith.constant 2 : i32
      %swap3A_2147 = arith.index_cast %swap3A_2146 : i32 to index
      %swap3A_2148 = arith.constant 48 : index
      %swap3A_2149 = tpu.vector_load %arg5[%swap3A_2147, %swap3A_2148] {strides = array<i32>} : memref<8x64xf32, #tpu.memory_space<vmem>>, vector<1x16xf32>,
      %swap3A_2150 = vector.shape_cast %swap3A_2149 : vector<1x16xf32> to vector<16xf32>
      %swap3A_2151 = vector.shape_cast %add3A_2145 : vector<16xf32> to vector<1x16xf32>
      tpu.vector_store %arg5[%swap3A_2147, %swap3A_2148], %swap3A_2151 {strides = array<i32>} : memref<8x64xf32, #tpu.memory_space<vmem>>, vector<1x16xf32>,
      %eq3A_2152 = arith.constant 3 : i32
      %eq3A_2153 = vector.broadcast %eq3A_2152 : i32 to vector<16xi32>
      %eq3A_2154 = arith.cmpi eq, %select_n3A_1759, %eq3A_2153 : vector<16xi32>
      %jit3A_2155 = arith.constant 0.000000e+00 : f32
      %broadcast_in_dim3A_2156 = vector.broadcast %jit3A_2155 : f32 to vector<16xf32>
      %select_n3A_2157 = arith.select %eq3A_2154, %div3A_1868, %broadcast_in_dim3A_2156 : vector<16xi1>, vector<16xf32>
      %eq3A_2158 = arith.constant 3 : i32
      %eq3A_2159 = vector.broadcast %eq3A_2158 : i32 to vector<16xi32>
      %eq3A_2160 = arith.cmpi eq, %select_n3A_1953, %eq3A_2159 : vector<16xi32>
      %jit3A_2161 = arith.constant 0.000000e+00 : f32
      %broadcast_in_dim3A_2162 = vector.broadcast %jit3A_2161 : f32 to vector<16xf32>
      %select_n3A_2163 = arith.select %eq3A_2160, %div3A_2094, %broadcast_in_dim3A_2162 : vector<16xi1>, vector<16xf32>
      %add3A_2164 = arith.addf %select_n3A_2157, %select_n3A_2163 : vector<16xf32>
      %swap3A_2165 = arith.constant 3 : i32
      %swap3A_2166 = arith.index_cast %swap3A_2165 : i32 to index
      %swap3A_2167 = arith.constant 48 : index
      %swap3A_2168 = tpu.vector_load %arg5[%swap3A_2166, %swap3A_2167] {strides = array<i32>} : memref<8x64xf32, #tpu.memory_space<vmem>>, vector<1x16xf32>,
      %swap3A_2169 = vector.shape_cast %swap3A_2168 : vector<1x16xf32> to vector<16xf32>
      %swap3A_2170 = vector.shape_cast %add3A_2164 : vector<16xf32> to vector<1x16xf32>
      tpu.vector_store %arg5[%swap3A_2166, %swap3A_2167], %swap3A_2170 {strides = array<i32>} : memref<8x64xf32, #tpu.memory_space<vmem>>, vector<1x16xf32>,
      %eq3A_2171 = arith.constant 4 : i32
      %eq3A_2172 = vector.broadcast %eq3A_2171 : i32 to vector<16xi32>
      %eq3A_2173 = arith.cmpi eq, %select_n3A_1759, %eq3A_2172 : vector<16xi32>
      %jit3A_2174 = arith.constant 0.000000e+00 : f32
      %broadcast_in_dim3A_2175 = vector.broadcast %jit3A_2174 : f32 to vector<16xf32>
      %select_n3A_2176 = arith.select %eq3A_2173, %div3A_1868, %broadcast_in_dim3A_2175 : vector<16xi1>, vector<16xf32>
      %eq3A_2177 = arith.constant 4 : i32
      %eq3A_2178 = vector.broadcast %eq3A_2177 : i32 to vector<16xi32>
      %eq3A_2179 = arith.cmpi eq, %select_n3A_1953, %eq3A_2178 : vector<16xi32>
      %jit3A_2180 = arith.constant 0.000000e+00 : f32
      %broadcast_in_dim3A_2181 = vector.broadcast %jit3A_2180 : f32 to vector<16xf32>
      %select_n3A_2182 = arith.select %eq3A_2179, %div3A_2094, %broadcast_in_dim3A_2181 : vector<16xi1>, vector<16xf32>
      %add3A_2183 = arith.addf %select_n3A_2176, %select_n3A_2182 : vector<16xf32>
      %swap3A_2184 = arith.constant 4 : i32
      %swap3A_2185 = arith.index_cast %swap3A_2184 : i32 to index
      %swap3A_2186 = arith.constant 48 : index
      %swap3A_2187 = tpu.vector_load %arg5[%swap3A_2185, %swap3A_2186] {strides = array<i32>} : memref<8x64xf32, #tpu.memory_space<vmem>>, vector<1x16xf32>,
      %swap3A_2188 = vector.shape_cast %swap3A_2187 : vector<1x16xf32> to vector<16xf32>
      %swap3A_2189 = vector.shape_cast %add3A_2183 : vector<16xf32> to vector<1x16xf32>
      tpu.vector_store %arg5[%swap3A_2185, %swap3A_2186], %swap3A_2189 {strides = array<i32>} : memref<8x64xf32, #tpu.memory_space<vmem>>, vector<1x16xf32>,
      %eq3A_2190 = arith.constant 5 : i32
      %eq3A_2191 = vector.broadcast %eq3A_2190 : i32 to vector<16xi32>
      %eq3A_2192 = arith.cmpi eq, %select_n3A_1759, %eq3A_2191 : vector<16xi32>
      %jit3A_2193 = arith.constant 0.000000e+00 : f32
      %broadcast_in_dim3A_2194 = vector.broadcast %jit3A_2193 : f32 to vector<16xf32>
      %select_n3A_2195 = arith.select %eq3A_2192, %div3A_1868, %broadcast_in_dim3A_2194 : vector<16xi1>, vector<16xf32>
      %eq3A_2196 = arith.constant 5 : i32
      %eq3A_2197 = vector.broadcast %eq3A_2196 : i32 to vector<16xi32>
      %eq3A_2198 = arith.cmpi eq, %select_n3A_1953, %eq3A_2197 : vector<16xi32>
      %jit3A_2199 = arith.constant 0.000000e+00 : f32
      %broadcast_in_dim3A_2200 = vector.broadcast %jit3A_2199 : f32 to vector<16xf32>
      %select_n3A_2201 = arith.select %eq3A_2198, %div3A_2094, %broadcast_in_dim3A_2200 : vector<16xi1>, vector<16xf32>
      %add3A_2202 = arith.addf %select_n3A_2195, %select_n3A_2201 : vector<16xf32>
      %swap3A_2203 = arith.constant 5 : i32
      %swap3A_2204 = arith.index_cast %swap3A_2203 : i32 to index
      %swap3A_2205 = arith.constant 48 : index
      %swap3A_2206 = tpu.vector_load %arg5[%swap3A_2204, %swap3A_2205] {strides = array<i32>} : memref<8x64xf32, #tpu.memory_space<vmem>>, vector<1x16xf32>,
      %swap3A_2207 = vector.shape_cast %swap3A_2206 : vector<1x16xf32> to vector<16xf32>
      %swap3A_2208 = vector.shape_cast %add3A_2202 : vector<16xf32> to vector<1x16xf32>
      tpu.vector_store %arg5[%swap3A_2204, %swap3A_2205], %swap3A_2208 {strides = array<i32>} : memref<8x64xf32, #tpu.memory_space<vmem>>, vector<1x16xf32>,
      %eq3A_2209 = arith.constant 6 : i32
      %eq3A_2210 = vector.broadcast %eq3A_2209 : i32 to vector<16xi32>
      %eq3A_2211 = arith.cmpi eq, %select_n3A_1759, %eq3A_2210 : vector<16xi32>
      %jit3A_2212 = arith.constant 0.000000e+00 : f32
      %broadcast_in_dim3A_2213 = vector.broadcast %jit3A_2212 : f32 to vector<16xf32>
      %select_n3A_2214 = arith.select %eq3A_2211, %div3A_1868, %broadcast_in_dim3A_2213 : vector<16xi1>, vector<16xf32>
      %eq3A_2215 = arith.constant 6 : i32
      %eq3A_2216 = vector.broadcast %eq3A_2215 : i32 to vector<16xi32>
      %eq3A_2217 = arith.cmpi eq, %select_n3A_1953, %eq3A_2216 : vector<16xi32>
      %jit3A_2218 = arith.constant 0.000000e+00 : f32
      %broadcast_in_dim3A_2219 = vector.broadcast %jit3A_2218 : f32 to vector<16xf32>
      %select_n3A_2220 = arith.select %eq3A_2217, %div3A_2094, %broadcast_in_dim3A_2219 : vector<16xi1>, vector<16xf32>
      %add3A_2221 = arith.addf %select_n3A_2214, %select_n3A_2220 : vector<16xf32>
      %swap3A_2222 = arith.constant 6 : i32
      %swap3A_2223 = arith.index_cast %swap3A_2222 : i32 to index
      %swap3A_2224 = arith.constant 48 : index
      %swap3A_2225 = tpu.vector_load %arg5[%swap3A_2223, %swap3A_2224] {strides = array<i32>} : memref<8x64xf32, #tpu.memory_space<vmem>>, vector<1x16xf32>,
      %swap3A_2226 = vector.shape_cast %swap3A_2225 : vector<1x16xf32> to vector<16xf32>
      %swap3A_2227 = vector.shape_cast %add3A_2221 : vector<16xf32> to vector<1x16xf32>
      tpu.vector_store %arg5[%swap3A_2223, %swap3A_2224], %swap3A_2227 {strides = array<i32>} : memref<8x64xf32, #tpu.memory_space<vmem>>, vector<1x16xf32>,
      %eq3A_2228 = arith.constant 7 : i32
      %eq3A_2229 = vector.broadcast %eq3A_2228 : i32 to vector<16xi32>
      %eq3A_2230 = arith.cmpi eq, %select_n3A_1759, %eq3A_2229 : vector<16xi32>
      %jit3A_2231 = arith.constant 0.000000e+00 : f32
      %broadcast_in_dim3A_2232 = vector.broadcast %jit3A_2231 : f32 to vector<16xf32>
      %select_n3A_2233 = arith.select %eq3A_2230, %div3A_1868, %broadcast_in_dim3A_2232 : vector<16xi1>, vector<16xf32>
      %eq3A_2234 = arith.constant 7 : i32
      %eq3A_2235 = vector.broadcast %eq3A_2234 : i32 to vector<16xi32>
      %eq3A_2236 = arith.cmpi eq, %select_n3A_1953, %eq3A_2235 : vector<16xi32>
      %jit3A_2237 = arith.constant 0.000000e+00 : f32
      %broadcast_in_dim3A_2238 = vector.broadcast %jit3A_2237 : f32 to vector<16xf32>
      %select_n3A_2239 = arith.select %eq3A_2236, %div3A_2094, %broadcast_in_dim3A_2238 : vector<16xi1>, vector<16xf32>
      %add3A_2240 = arith.addf %select_n3A_2233, %select_n3A_2239 : vector<16xf32>
      %swap3A_2241 = arith.constant 7 : i32
      %swap3A_2242 = arith.index_cast %swap3A_2241 : i32 to index
      %swap3A_2243 = arith.constant 48 : index
      %swap3A_2244 = tpu.vector_load %arg5[%swap3A_2242, %swap3A_2243] {strides = array<i32>} : memref<8x64xf32, #tpu.memory_space<vmem>>, vector<1x16xf32>,
      %swap3A_2245 = vector.shape_cast %swap3A_2244 : vector<1x16xf32> to vector<16xf32>
      %swap3A_2246 = vector.shape_cast %add3A_2240 : vector<16xf32> to vector<1x16xf32>
      tpu.vector_store %arg5[%swap3A_2242, %swap3A_2243], %swap3A_2246 {strides = array<i32>} : memref<8x64xf32, #tpu.memory_space<vmem>>, vector<1x16xf32>,
      "tpu.region"() ({
        %run_scoped3A = tpu.sem_alloc : memref<!tpu.dma_semaphore, #tpu.memory_space<semaphore_mem>>
        tpu.enqueue_dma source(%arg5 : memref<8x64xf32, #tpu.memory_space<vmem>>) target(%arg3 : memref<8x64xf32, #tpu.memory_space<hbm>>) target_semaphore(%run_scoped3A : memref<!tpu.dma_semaphore, #tpu.memory_space<semaphore_mem>>)
        tpu.wait_dma2 semaphore(%run_scoped3A : memref<!tpu.dma_semaphore, #tpu.memory_space<semaphore_mem>>) src(%arg5 : memref<8x64xf32, #tpu.memory_space<vmem>>) dst(%arg3 : memref<8x64xf32, #tpu.memory_space<hbm>>)
        tpu.yield
      }) : () -> ()
    } else {
    }
    return
  }
}

module attributes {stable_mosaic.version = 14 : i64} {
  func.func @_logits_body(%arg0: memref<64x2048xf32, #tpu.memory_space<vmem>>, %arg1: memref<8x2048xf32, #tpu.memory_space<vmem>>, %arg2: memref<8x64xf32, #tpu.memory_space<vmem>>) attributes {dimension_semantics = [], scalar_prefetch = 0 : i64, scratch_operands = 0 : i64, tpu.core_type = #tpu.core_type<tc>} {
    %get3A = arith.constant 0 : index
    %get3A_0 = arith.constant 0 : index
    %get3A_1 = vector.load %arg1[%get3A, %get3A_0] : memref<8x2048xf32, #tpu.memory_space<vmem>>, vector<8x2048xf32>
    %get3A_2 = arith.constant 0 : index
    %get3A_3 = arith.constant 0 : index
    %get3A_4 = vector.load %arg0[%get3A_2, %get3A_3] : memref<64x2048xf32, #tpu.memory_space<vmem>>, vector<64x2048xf32>
    %dot_general3A = arith.constant dense<0.000000e+00> : vector<8x64xf32>
    %dot_general3A_5 = tpu.matmul %get3A_1, %get3A_4, %dot_general3A {dimension_numbers = #tpu.dot_dimension_numbers<[1], [1], [0], [0], [0, 0, 1, 0], [], []>, transpose_lhs_hint = false} : vector<8x2048xf32>, vector<64x2048xf32>, vector<8x64xf32> -> vector<8x64xf32>
    %swap3A = arith.constant 0 : index
    %swap3A_6 = arith.constant 0 : index
    %swap3A_7 = vector.load %arg2[%swap3A, %swap3A_6] : memref<8x64xf32, #tpu.memory_space<vmem>>, vector<8x64xf32>
    tpu.vector_store %arg2[%swap3A, %swap3A_6], %dot_general3A_5 {strides = array<i32>} : memref<8x64xf32, #tpu.memory_space<vmem>>, vector<8x64xf32>,
    return
  }
}

module attributes {stable_mosaic.version = 14 : i64} {
  func.func @_moe_body(%arg0: i32, %arg1: i32, %arg2: memref<64x2048xf32, #tpu.memory_space<vmem>>, %arg3: memref<8x64xf32, #tpu.memory_space<vmem>>, %arg4: memref<1x1x512x2048xf32, #tpu.memory_space<vmem>>, %arg5: memref<1x1x512x2048xf32, #tpu.memory_space<vmem>>, %arg6: memref<1x2048x512xf32, #tpu.memory_space<vmem>>, %arg7: memref<64x2048xf32, #tpu.memory_space<vmem>>) attributes {dimension_semantics = [#tpu.dimension_semantics<arbitrary>, #tpu.dimension_semantics<arbitrary>], iteration_bounds = array<i64: 8, 4>, scalar_prefetch = 0 : i64, scratch_operands = 0 : i64, tpu.core_type = #tpu.core_type<tc>, window_params = [{pipeline_mode = #tpu.pipeline_mode<synchronous>, transform_indices = @transform_0, window_bounds = array<i64: 64, 2048>}, {pipeline_mode = #tpu.pipeline_mode<synchronous>, transform_indices = @transform_1, window_bounds = array<i64: 8, 64>}, {transform_indices = @transform_2, window_bounds = array<i64: 1, 1, 512, 2048>}, {transform_indices = @transform_3, window_bounds = array<i64: 1, 1, 512, 2048>}, {transform_indices = @transform_4, window_bounds = array<i64: 1, 2048, 512>}, {pipeline_mode = #tpu.pipeline_mode<synchronous>, transform_indices = @transform_5, window_bounds = array<i64: 64, 2048>}]} {
    %eq3A = arith.constant 0 : i32
    %eq3A_0 = arith.cmpi eq, %arg0, %eq3A : i32
    %eq3A_1 = arith.constant 0 : i32
    %eq3A_2 = arith.cmpi eq, %arg1, %eq3A_1 : i32
    %and3A = arith.andi %eq3A_0, %eq3A_2 : i1
    %convert_element_type3A = arith.extui %and3A : i1 to i32
    %cond3A = arith.constant 0 : i32
    %cond3A_3 = arith.cmpi ne, %convert_element_type3A, %cond3A : i32
    scf.if %cond3A_3 {
      %broadcast_in_dim3A = arith.constant 0.000000e+00 : f32
      %broadcast_in_dim3A_50 = vector.broadcast %broadcast_in_dim3A : f32 to vector<64x2048xf32>
      %swap3A_51 = arith.constant 0 : index
      %swap3A_52 = arith.constant 0 : index
      %swap3A_53 = vector.load %arg7[%swap3A_51, %swap3A_52] : memref<64x2048xf32, #tpu.memory_space<vmem>>, vector<64x2048xf32>
      tpu.vector_store %arg7[%swap3A_51, %swap3A_52], %broadcast_in_dim3A_50 {strides = array<i32>} : memref<64x2048xf32, #tpu.memory_space<vmem>>, vector<64x2048xf32>,
    } else {
    }
    %get3A = arith.constant 0 : index
    %get3A_4 = arith.constant 0 : index
    %get3A_5 = vector.load %arg2[%get3A, %get3A_4] : memref<64x2048xf32, #tpu.memory_space<vmem>>, vector<64x2048xf32>
    %get3A_6 = arith.constant 0 : index
    %get3A_7 = arith.constant 0 : index
    %get3A_8 = arith.constant 0 : index
    %get3A_9 = arith.constant 0 : index
    %get3A_10 = vector.load %arg4[%get3A_6, %get3A_7, %get3A_8, %get3A_9] : memref<1x1x512x2048xf32, #tpu.memory_space<vmem>>, vector<1x1x512x2048xf32>
    %get3A_11 = vector.shape_cast %get3A_10 : vector<1x1x512x2048xf32> to vector<512x2048xf32>
    %dot_general3A = arith.constant dense<0.000000e+00> : vector<64x512xf32>
    %dot_general3A_12 = tpu.matmul %get3A_5, %get3A_11, %dot_general3A {dimension_numbers = #tpu.dot_dimension_numbers<[1], [1], [0], [0], [0, 0, 1, 0], [], []>, transpose_lhs_hint = false} : vector<64x2048xf32>, vector<512x2048xf32>, vector<64x512xf32> -> vector<64x512xf32>
    %get3A_13 = arith.constant 0 : index
    %get3A_14 = arith.constant 0 : index
    %get3A_15 = arith.constant 0 : index
    %get3A_16 = arith.constant 0 : index
    %get3A_17 = vector.load %arg5[%get3A_13, %get3A_14, %get3A_15, %get3A_16] : memref<1x1x512x2048xf32, #tpu.memory_space<vmem>>, vector<1x1x512x2048xf32>
    %get3A_18 = vector.shape_cast %get3A_17 : vector<1x1x512x2048xf32> to vector<512x2048xf32>
    %dot_general3A_19 = arith.constant dense<0.000000e+00> : vector<64x512xf32>
    %dot_general3A_20 = tpu.matmul %get3A_5, %get3A_18, %dot_general3A_19 {dimension_numbers = #tpu.dot_dimension_numbers<[1], [1], [0], [0], [0, 0, 1, 0], [], []>, transpose_lhs_hint = false} : vector<64x2048xf32>, vector<512x2048xf32>, vector<64x512xf32> -> vector<64x512xf32>
    %logistic3A = arith.negf %dot_general3A_12 : vector<64x512xf32>
    %logistic3A_21 = math.exp %logistic3A : vector<64x512xf32>
    %logistic3A_22 = arith.constant 1.000000e+00 : f32
    %logistic3A_23 = vector.broadcast %logistic3A_22 : f32 to vector<64x512xf32>
    %logistic3A_24 = arith.addf %logistic3A_23, %logistic3A_21 : vector<64x512xf32>
    %logistic3A_25 = arith.divf %logistic3A_23, %logistic3A_24 : vector<64x512xf32>
    %mul3A = arith.mulf %dot_general3A_12, %logistic3A_25 : vector<64x512xf32>
    %mul3A_26 = arith.mulf %mul3A, %dot_general3A_20 : vector<64x512xf32>
    %iota3A = tpu.iota {dimensions = array<i32: 1>} : vector<1x8xi32>
    %eq3A_27 = vector.broadcast %arg0 : i32 to vector<1x8xi32>
    %eq3A_28 = arith.cmpi eq, %iota3A, %eq3A_27 : vector<1x8xi32>
    %convert_element_type3A_29 = arith.extui %eq3A_28 : vector<1x8xi1> to vector<1x8xi32>
    %convert_element_type3A_30 = arith.sitofp %convert_element_type3A_29 : vector<1x8xi32> to vector<1x8xf32>
    %get3A_31 = arith.constant 0 : index
    %get3A_32 = arith.constant 0 : index
    %get3A_33 = vector.load %arg3[%get3A_31, %get3A_32] : memref<8x64xf32, #tpu.memory_space<vmem>>, vector<8x64xf32>
    %dot_general3A_34 = arith.constant dense<0.000000e+00> : vector<64x1xf32>
    %dot_general3A_35 = tpu.matmul %get3A_33, %convert_element_type3A_30, %dot_general3A_34 {dimension_numbers = #tpu.dot_dimension_numbers<[0], [1], [1], [0], [0, 1, 1, 0], [], []>, transpose_lhs_hint = false} : vector<8x64xf32>, vector<1x8xf32>, vector<64x1xf32> -> vector<64x1xf32>
    %get3A_36 = arith.constant 0 : index
    %get3A_37 = arith.constant 0 : index
    %get3A_38 = vector.load %arg7[%get3A_36, %get3A_37] : memref<64x2048xf32, #tpu.memory_space<vmem>>, vector<64x2048xf32>
    %mul3A_39 = vector.broadcast %dot_general3A_35 : vector<64x1xf32> to vector<64x512xf32>
    %mul3A_40 = arith.mulf %mul3A_39, %mul3A_26 : vector<64x512xf32>
    %get3A_41 = arith.constant 0 : index
    %get3A_42 = arith.constant 0 : index
    %get3A_43 = arith.constant 0 : index
    %get3A_44 = vector.load %arg6[%get3A_41, %get3A_42, %get3A_43] : memref<1x2048x512xf32, #tpu.memory_space<vmem>>, vector<1x2048x512xf32>
    %get3A_45 = vector.shape_cast %get3A_44 : vector<1x2048x512xf32> to vector<2048x512xf32>
    %dot_general3A_46 = arith.constant dense<0.000000e+00> : vector<64x2048xf32>
    %dot_general3A_47 = tpu.matmul %mul3A_40, %get3A_45, %dot_general3A_46 {dimension_numbers = #tpu.dot_dimension_numbers<[1], [1], [0], [0], [0, 0, 1, 0], [], []>, transpose_lhs_hint = false} : vector<64x512xf32>, vector<2048x512xf32>, vector<64x2048xf32> -> vector<64x2048xf32>
    %add3A = arith.addf %get3A_38, %dot_general3A_47 : vector<64x2048xf32>
    %swap3A = arith.constant 0 : index
    %swap3A_48 = arith.constant 0 : index
    %swap3A_49 = vector.load %arg7[%swap3A, %swap3A_48] : memref<64x2048xf32, #tpu.memory_space<vmem>>, vector<64x2048xf32>
    tpu.vector_store %arg7[%swap3A, %swap3A_48], %add3A {strides = array<i32>} : memref<64x2048xf32, #tpu.memory_space<vmem>>, vector<64x2048xf32>,
    return
  }
  func.func @transform_0(%arg0: i32, %arg1: i32) -> (i32, i32) {
    %c0_i32 = arith.constant 0 : i32
    %c0_i32_0 = arith.constant 0 : i32
    %c0_i32_1 = arith.constant 0 : i32
    return %c0_i32, %c0_i32_0 : i32, i32
  }
  func.func @transform_1(%arg0: i32, %arg1: i32) -> (i32, i32) {
    %c0_i32 = arith.constant 0 : i32
    %c0_i32_0 = arith.constant 0 : i32
    %c0_i32_1 = arith.constant 0 : i32
    return %c0_i32, %c0_i32_0 : i32, i32
  }
  func.func @transform_2(%arg0: i32, %arg1: i32) -> (i32, i32, i32, i32) {
    %c0_i32 = arith.constant 0 : i32
    %c0_i32_0 = arith.constant 0 : i32
    %c0_i32_1 = arith.constant 0 : i32
    return %arg0, %c0_i32, %arg1, %c0_i32_0 : i32, i32, i32, i32
  }
  func.func @transform_3(%arg0: i32, %arg1: i32) -> (i32, i32, i32, i32) {
    %c1_i32 = arith.constant 1 : i32
    %c0_i32 = arith.constant 0 : i32
    %c0_i32_0 = arith.constant 0 : i32
    return %arg0, %c1_i32, %arg1, %c0_i32 : i32, i32, i32, i32
  }
  func.func @transform_4(%arg0: i32, %arg1: i32) -> (i32, i32, i32) {
    %c0_i32 = arith.constant 0 : i32
    %c0_i32_0 = arith.constant 0 : i32
    return %arg0, %c0_i32, %arg1 : i32, i32, i32
  }
  func.func @transform_5(%arg0: i32, %arg1: i32) -> (i32, i32) {
    %c0_i32 = arith.constant 0 : i32
    %c0_i32_0 = arith.constant 0 : i32
    %c0_i32_1 = arith.constant 0 : i32
    return %c0_i32, %c0_i32_0 : i32, i32
  }
}

</mosaic_0001>

<sc_bundles>
// kernel: kernel.5.cloned.1.call-start
scs
__scs_entry_jumppad:
0x0: {  	(pc) =	sbr.rel $0x88, $3  }
0x1: {  	(tag) =	ssettag $0x0;
	lr =	simm.s32 $0x1  }
0x2: {  	[smem:$0x3F9D] =	sst lr;
	_ =	strace $0xD0000000  }
0x3: {  	_ = 	snop  }
0x4: {  	_ = 	snop  }
0x5: {  	_ = 	snop  }
0x6: {  	_ = 	snop  }
0x7: {  	_ = 	snop  }
__scs_overlays_trampoline_lowered:
0x8: {  	[smem:$0x3FAC] =	sst s0  }
0x9: {  	[smem:$0x3FAD] =	sst s1  }
0xa: {  	[smem:$0x3FAE] =	sst s2  }
0xb: {  	[smem:$0x3FAF] =	sst s3  }
0xc: {  	[smem:$0x3FB0] =	sst s4  }
0xd: {  	[smem:$0x3FB1] =	sst s5  }
0xe: {  	[smem:$0x3FB2] =	sst s6  }
0xf: {  	[smem:$0x3FB3] =	sst s7  }
0x10: {  	[smem:$0x3FB4] =	sst s8  }
0x11: {  	[smem:$0x3FB5] =	sst s9;
	s0 =	simm.s32 @!p0 $0x0  }
0x12: {  	s1 =	sld [smem:$0x3F9B];
	s0 =	simm.s32 @p0 $0x1  }
0x13: {  	[smem:$0x3FB6] =	sst s0;
	s0 =	simm.s32 @!p1 $0x0  }
0x14: {  	s2 =	sld [smem:$0x3F9A];
	s0 =	simm.s32 @p1 $0x1  }
0x15: {  	[smem:$0x3FB7] =	sst s0;
	s0 =	simm.s32 @!p2 $0x0  }
0x16: {  	s3 =	sld [smem:$0x3FDB];
	s0 =	simm.s32 @p2 $0x1  }
0x17: {  	s4 =	simm.s32 $0x1BF5;
	[smem:$0x3FB9] =	sst s0  }
0x18: {  	s0 =	sld [smem:$0x3F9C];
	_ =	swait.ge [sflag:s4], $0x0  }
0x19: {  	s7 =	sld [smem:$0x3F9D]  }
0x1a: {  	s8 =	sadd.s32 $0xFFFFE003, lr  }
0x1b: {  	s9 =	sadd.s32 $0xFFFFFEF7, lr;
	s5 =	simm.s32 $0xFFFFFFFF;
	p2 =	slt.u32 s8, $0xFFFFF086  }
0x1c: {  	p1 =	slt.u32 s9, $0xF7A;
	s5 =	simm.s32 @!p2 $0x0  }
0x1d: {  	s5 =	simm.s32 @p1 $0x1;
	p0 =	seq.s32 s7, s2  }
0x1e: {  	s7 =	smul.u32 @!p0 $0xF7A, s2;
	p2 =	seq.s32 @!p0 s5, $0x0  }
0x1f: {  	s9 =	smul.u32 $0xF7A, s1;
	s8 =	simm.s32 @!p0 $0x1BF5;
	p2 =	por !p2, p0  }
0x20: {  	[sflag:s8] =	ssyncset.s32 @!p0 $0xFFFFF086;
	s6 =	sadd.s32 @!p0 s3, s7;
	s7 =	simm.s32 @!p0 $0x108  }
0x21: {  	s3 =	sadd.s32 s3, s9;
	s6 =	sadd.s32 @!p0 $0x88, s6;
	s7 =	simm.s32 @p2 $0x1082  }
0x22: {  	[simem:s7], [sflag:s8] =	dma.local @!p0 [hbm:s6], $0xF7A  }
0x23: {  	s9 =	sor.u32 $0xD0000000, s2;
	s6 =	simm.s32 $0x108;
	_ =	swait.ge @!p0 [sflag:s8], $0x0  }
0x24: {  	s3 =	sadd.s32 $0x88, s3;
	s6 =	simm.s32 @!p1 $0x1082;
	[sflag:s4] =	ssyncset.s32 $0xFFFFF086  }
0x25: {  	[simem:s6], [sflag:s4] =	dma.local [hbm:s3], $0xF7A  }
0x26: {  	[smem:$0x3F9D] =	sst s1;
	(tag) =	ssettag s2;
	_ =	strace s9  }
0x27: {  	s1 =	sld [smem:$0x3FAD]  }
0x28: {  	s2 =	sld [smem:$0x3FAE]  }
0x29: {  	s4 =	sld [smem:$0x3FB0]  }
0x2a: {  	p0 =	seq.s32 s5, $0x0;
	s5 =	sld [smem:$0x3FB1]  }
0x2b: {  	s6 =	sld [smem:$0x3FB2]  }
0x2c: {  	s7 =	sld [smem:$0x3FB3]  }
0x2d: {  	s3 =	simm.s32 $0x108;
	s8 =	sld [smem:$0x3FB4]  }
0x2e: {  	s3 =	simm.s32 @!p0 $0x1082;
	s9 =	sld [smem:$0x3FB5]  }
0x2f: {  	lr =	sadd.s32 s0, s3;
	s0 =	sld [smem:$0x3FAC]  }
0x30: {  	s3 =	sld [smem:$0x3FAF]  }
0x31: {  	[smem:$0x3FB8] =	sst s10  }
0x32: {  	s10 =	sld [smem:$0x3FB6];
	_ =	sdelay $0x3  }
0x33: {  	p0 =	seq.s32 s10, $0x1;
	s10 =	sld [smem:$0x3FB8];
	_ =	sdelay $0x3  }
0x34: {  	[smem:$0x3FB8] =	sst s10  }
0x35: {  	s10 =	sld [smem:$0x3FB7];
	_ =	sdelay $0x3  }
0x36: {  	p1 =	seq.s32 s10, $0x1;
	s10 =	sld [smem:$0x3FB8];
	_ =	sdelay $0x3  }
0x37: {  	[smem:$0x3FB8] =	sst s10  }
0x38: {  	s10 =	sld [smem:$0x3FB9]  }
0x39: {  	_ = 	snop;
	(pc) =	sbr.ind lr, $3  }
0x3a: {  	_ = 	snop  }
0x3b: {  	_ = 	snop  }
0x3c: {  	p2 =	seq.s32 s10, $0x1;
	s10 =	sld [smem:$0x3FB8]  }
0x3d: {  	_ =	shalt  }
0x3e: {  	_ =	shalt  }
0x3f: {  	_ =	shalt  }
0x40: {  	_ =	shalt  }
0x41: {  	_ =	shalt  }
0x42: {  	_ =	shalt  }
0x43: {  	_ =	shalt  }
0x44: {  	_ =	shalt  }
0x45: {  	_ =	shalt  }
0x46: {  	_ =	shalt  }
0x47: {  	_ =	shalt  }
0x48: {  	_ =	shalt  }
0x49: {  	_ =	shalt  }
0x4a: {  	_ =	shalt  }
0x4b: {  	_ =	shalt  }
0x4c: {  	_ =	shalt  }
0x4d: {  	_ =	shalt  }
0x4e: {  	_ =	shalt  }
0x4f: {  	_ =	shalt  }
0x50: {  	_ =	shalt  }
0x51: {  	_ =	shalt  }
0x52: {  	_ =	shalt  }
0x53: {  	_ =	shalt  }
0x54: {  	_ =	shalt  }
0x55: {  	_ =	shalt  }
0x56: {  	_ =	shalt  }
0x57: {  	_ =	shalt  }
0x58: {  	_ =	shalt  }
0x59: {  	_ =	shalt  }
0x5a: {  	_ =	shalt  }
0x5b: {  	_ =	shalt  }
0x5c: {  	_ =	shalt  }
0x5d: {  	_ =	shalt  }
0x5e: {  	_ =	shalt  }
0x5f: {  	_ =	shalt  }
0x60: {  	_ =	shalt  }
0x61: {  	_ =	shalt  }
0x62: {  	_ =	shalt  }
0x63: {  	_ =	shalt  }
0x64: {  	_ =	shalt  }
0x65: {  	_ =	shalt  }
0x66: {  	_ =	shalt  }
0x67: {  	_ =	shalt  }
0x68: {  	_ =	shalt  }
0x69: {  	_ =	shalt  }
0x6a: {  	_ =	shalt  }
0x6b: {  	_ =	shalt  }
0x6c: {  	_ =	shalt  }
0x6d: {  	_ =	shalt  }
0x6e: {  	_ =	shalt  }
0x6f: {  	_ =	shalt  }
0x70: {  	_ =	shalt  }
0x71: {  	_ =	shalt  }
0x72: {  	_ =	shalt  }
0x73: {  	_ =	shalt  }
0x74: {  	_ =	shalt  }
0x75: {  	_ =	shalt  }
0x76: {  	_ =	shalt  }
0x77: {  	_ =	shalt  }
0x78: {  	_ =	shalt  }
0x79: {  	_ =	shalt  }
0x7a: {  	_ =	shalt  }
0x7b: {  	_ =	shalt  }
0x7c: {  	_ =	shalt  }
0x7d: {  	_ =	shalt  }
0x7e: {  	_ =	shalt  }
0x7f: {  	_ =	shalt  }
0x80: {  	_ =	shalt  }
0x81: {  	_ =	shalt  }
0x82: {  	_ =	shalt  }
0x83: {  	_ =	shalt  }
0x84: {  	_ =	shalt  }
0x85: {  	_ =	shalt  }
0x86: {  	_ =	shalt  }
0x87: {  	_ =	shalt  }
.Lfunc_end0:
.L_simem_size_0:
called_computation_lowered:
.L_overlay_start_0:
0x88: {  	s2 =	sld [smem:$0x3FD9]  }
0x89: {  	s3 =	sld [smem:$0x3FFE];
	_ =	sdelay $0x1  }
0x8a: {  	s1 =	srdreg.scid  }
0x8b: {  	s0 =	sand.u32 $0x1, s1  }
0x8c: {  	s17 =	sshll.u32 s0, $0xA;
	s2 =	sadd.s32 s3, s2  }
0x8d: {  	s2 =	sadd.s32 s2, s17  }
0x8e: {  	[smem:$0x3FC4] =	sst s2  }
0x8f: {  	_ = 	snop  }
0x90: {  	s2 =	sld [smem:$0x3FD0];
	(tm) =	ssettm $0x1  }
0x91: {  	s18 =	sld [smem:$0x3FFB];
	_ =	sdelay $0x3  }
0x92: {  	_ =	strace s18  }
0x93: {  	s3 =	sld [smem:$0x3FFC];
	_ =	sdelay $0x3  }
0x94: {  	_ =	strace s3  }
0x95: {  	s3 =	sld [smem:$0x3FFD];
	_ =	sdelay $0x3  }
0x96: {  	_ =	strace s3  }
0x97: {  	_ =	strace $0x8FFFFFFF  }
0x98: {  	s19 =	sld [smem:$0x3FDB];
	_ =	sdelay $0x1  }
0x99: {  	s4 =	simm.s32 $_scs_section_size  }
0x9a: {  	s5 =	simm.s32 $_size__tile_overlayer_lowered;
	s6 =	simm.s32 $_tile_overlayer_lowered  }
0x9b: {  	s22 =	simm.s32 $0x1BFF;
	s21 =	sshll.u32 s6, $0x1;
	s3 =	sadd.s32 s4, s19  }
0x9c: {  	s7 =	simm.s32 $0x0;
	s20 =	sshll.u32 s5, $0x1;
	s5 =	sadd.s32 s21, s3  }
0x9d: {  	[timem:s7], [sflag:s22] =	dma.local [hbm:s5], s20  }
0x9e: {  	_ =	swait.ge [sflag:s22], s20  }
0x9f: {  	s4 =	ssub.s32 $0x0, s20;
	[sflag:s22] =	ssyncset.done $0x0  }
0xa0: {  	[sflag:s22] =	ssyncadd.s32 s4;
	_ =	sdelay $0x1  }
0xa1: {  	s23 =	simm.s32 $0x1B8B  }
0xa2: {  	_ =	swait.ge [sflag:s23], $0x1  }
0xa3: {  	[sflag:s23] =	ssyncset.done $0x0  }
0xa4: {  	s25 =	simm.s32 $0x1B8E;
	s24 =	sld [smem:$0x3FFE];
	[sflag:s23] =	ssyncadd.s32 $0xFFFFFFFF  }
0xa5: {  	s26 =	simm.s32 $execute0_lowered;
	[smem:$0x3FD2] =	sst s25  }
0xa6: {  	s5 =	sshll.u32 s26, $0x1;
	_ =	strace $0x80000046;
	[dreg:$0x1] =	wrdreg $0xFFFFFFFF  }
0xa7: {  	s28 =	simm.s32 $_size_execute0_lowered;
	s3 =	sadd.s32 s3, s5;
	[dreg:$0x0] =	wrdreg $0x0  }
0xa8: {  	s5 =	sshll.u32 s28, $0x1;
	[dreg:$0x2] =	wrdreg s3  }
0xa9: {  	[dreg:$0x3] =	wrdreg s5  }
0xaa: {  	[dreg:$0x4] =	wrdreg $0xC0  }
0xab: {  	_ =	task [dreg:s7], $0x5FFFF  }
0xac: {  	[dreg:$0x1] =	wrdreg $0xFFFFFFFF  }
0xad: {  	[dreg:$0x0] =	wrdreg $0x60  }
0xae: {  	[dreg:$0x2] =	wrdreg s2  }
0xaf: {  	[dreg:$0x3] =	wrdreg s24  }
0xb0: {  	[dreg:$0x4] =	wrdreg $0x9  }
0xb1: {  	_ =	task.clear_ibuf [dreg:s7], $0x5FFFF;
	_ =	strace $0x90000046  }
0xb2: {  	s29 =	simm.s32 $0x9;
	_ =	strace $0x80000048  }
0xb3: {  	_ =	swait.ge [sflag:s29], $0x1  }
0xb4: {  	[sflag:s29] =	ssyncadd.s32 $0xFFFFFFFF  }
0xb5: {  	_ =	strace $0x90000048  }
0xb6: {  	_ =	sfence  }
0xb7: {  	s30 =	sld [smem:$0x0];
	_ =	sdelay $0x2  }
0xb8: {  	s31 =	sshll.u32 s1, $0xD;
	s1 =	sshrl.u32 s1, $0x2  }
0xb9: {  	s3 =	sand.u32 $0x4000, s31;
	s1 =	sadd.s32 s1, s30  }
0xba: {  	s0 =	sor.u32 s3, s0;
	s1 =	sshll.u32 s1, $0x11  }
0xbb: {  	s0 =	sor.u32 s1, s0  }
0xbc: {  	s0 =	sadd.s32 $0x8F2B, s0  }
0xbd: {  	[sflag:s0] =	ssyncadd.remote.s32 $0x1  }
0xbe: {  	_ =	sfence.sel $0xFFFF  }
0xbf: {  	[dreg:$0x0] =	wrdreg $0xFFFFFFFF;
	(pc) =	sbr.abs _section_cstart, $3  }
0xc0: {  	[dreg:$0x1] =	wrdreg $0xFFFFFFFF  }
0xc1: {  	_ =	task.clear_ibuf [dreg:s7], $0x2FFFF;
	_ =	strace $0x9FFFFFFF  }
0xc2: {  	(tm) =	ssettm $0x7FFFFFFF  }
0xc3: {  	_ =	shalt  }
tec
execute0_lowered:
.L_overlay_start_1:
0x0: {  	(tag) =	ssettag $0x1  }
0x1: {  	s0 =	srdreg.scid  }
0x2: {  	s4 =	sand.u32 $0x1, s0;
	s0 =	stileid.u32  }
0x3: {  	s5 =	sshll.u32 s0, $0x1;
	s6 =	ssub.s32 $0x0, s4  }
0x4: {  	p0 =	sne.s32 s5, s6  }
.Ltmp0:
0x5: {  	_ = 	snop;
	(pc) =	sbr.rel @p0 .LBB2_3-.Ltmp0, $4  }
0x6: {  	_ = 	snop  }
0x7: {  	s2 =	rddreg [dreg:$0x0]  }
0x8: {  	s3 =	rddreg [dreg:$0x1]  }
0x9: {  	s1 =	rddreg [dreg:$0x2];
	_ =	strace $0x80000047  }
0xa: {  	s4 =	ssub.s32 $0x2, s4  }
0xb: {  	s5 =	sshrl.u32 s4, $0x1  }
0xc: {  	s3 =	sadd.s32 $0xC00, s3;
	s6 =	simm.s32 $0x1;
	s4 =	ssub.s32 s4, s5  }
0xd: {  	s7 =	simm.s32 $0x400;
	s5 =	simm.s32 $0x0;
	s4 =	smax.u32 s4, $0x1  }
.LBB2_2:
0xe: {  	[tilespmem:s5], [sflag:$0x1] =	stream.linear.gather [hbm4b:s2+s5], $0x400, $0x38;
	[tilespmem:$0x800] =	vst v63  }
0xf: {  	_ =	swait.ge [sflag:s6], $0x400  }
0x10: {  	[sflag:s6] =	ssyncset.done $0x0  }
0x11: {  	[sflag:s6] =	ssyncadd.s32 $0xFFFFFC00  }
0x12: {  	v8 =	vld [tilespmem:$0x0]  }
0x13: {  	v16 =	vld [tilespmem:$0x80]  }
0x14: {  	v15 =	vld [tilespmem:$0x100]  }
0x15: {  	v13 =	vld [tilespmem:$0x180]  }
0x16: {  	v12 =	vld [tilespmem:$0x200]  }
0x17: {  	v11 =	vld [tilespmem:$0x280]  }
0x18: {  	v9 =	vld [tilespmem:$0x300];
	v1 =	vmax.f32 v8, v16  }
0x19: {  	v14 =	vld [tilespmem:$0x380];
	v1 =	vmax.f32 v1, v15  }
0x1a: {  	v1 =	vmax.f32 v1, v13  }
0x1b: {  	v1 =	vmax.f32 v1, v12  }
0x1c: {  	v1 =	vmax.f32 v1, v11  }
0x1d: {  	v1 =	vmax.f32 v1, v9  }
0x1e: {  	v1 =	vmax.f32 v1, v14  }
0x1f: {  	v2 =	vsub.f32 v8, v1  }
0x20: {  	v40 =	vimm.s32 $0x7;
	v45 =	vimm.s32 $0x0;
	v49 =	vimm.s32 $0x0  }
0x21: {  	v17 =	vand.u32 $0x7FFFFFFF, v8;
	v18 =	vand.u32 $0x7FFFFFFF, v16;
	v2 =	vmul.f32 $1.442695020e+00, v2  }
0x22: {  	v19 =	vand.u32 $0x7FFFFFFF, v15;
	v20 =	vand.u32 $0x7FFFFFFF, v13;
	vm0 =	veq.f32 v9, v1  }
0x23: {  	vm15 =	veq.f32 v11, v1;
	v3 =	vsub.f32 v16, v1;
	(erf) = vpow2.f32 v2  }
0x24: {  	vm4 =	veq.f32 v12, v1;
	vm5 =	veq.f32 v13, v1;
	v4 =	vsub.f32 v15, v1  }
0x25: {  	vm6 =	veq.f32 v15, v1;
	v5 =	vmax.f32 v17, v1;
	v3 =	vmul.f32 $1.442695020e+00, v3  }
0x26: {  	v54 =	vsub.f32 v1, v8;
	vm7 =	veq.f32 v16, v1;
	v55 =	vsub.f32 v13, v1  }
0x27: {  	v57 =	vsub.f32 v12, v1;
	vm1 =	vne.f32 v8, v1;
	(erf) = vpow2.f32 v3  }
0x28: {  	v58 =	vmax.f32 v18, v1;
	v60 =	vsub.f32 v11, v1;
	v7 =	vsub.f32 v1, v16  }
0x29: {  	v10 =	vmax.f32 v19, v1;
	v63 =	vsub.f32 v1, v15;
	v24 =	vsub.f32 v1, v13  }
0x2a: {  	v27 =	vsub.f32 v1, v12;
	v29 =	vsub.f32 v1, v11;
	v53 =	vmul.f32 $1.442695020e+00, v4  }
0x2b: {  	v23 =	vmax.f32 v20, v1;
	v31 =	vsub.f32 v9, v1;
	v34 =	vsub.f32 v14, v1  }
0x2c: {  	v37 =	vsub.f32 v1, v9;
	v3 =	vmul.f32 $1.442695020e+00, v55;
	v6 =	vpop (erf);
	(erf) = vpow2.f32 v53  }
0x2d: {  	v41 =	vsub.f32 v1, v14;
	v5 =	vmul.f32 $1.999999960e-02, v5;
	v10 =	vmul.f32 $1.999999960e-02, v10  }
0x2e: {  	v56 =	vadd.f32 $0.0e+00, v6;
	(erf) = vpow2.f32 v3;
	v6 =	vmul.f32 $1.999999960e-02, v58  }
0x2f: {  	v52 =	vsel vm0, $0x6, v40;
	v59 =	vmul.f32 $1.442695020e+00, v57;
	v61 =	vmul.f32 $1.442695020e+00, v60  }
0x30: {  	vm2 =	vgt.f32 v54, v5;
	v2 =	vsel vm15, $0x5, v52;
	v62 =	vpop (erf);
	vm10 =	vgt.f32 v7, v6  }
0x31: {  	v2 =	vsel vm4, $0x4, v2;
	v4 =	vsel vm2, $0x0, v56;
	v5 =	vsel vm10, $0x0, v62  }
0x32: {  	v21 =	vadd.f32 v4, v5;
	v5 =	vmul.f32 $1.999999960e-02, v23;
	v23 =	vand.u32 $0x7FFFFFFF, v9  }
0x33: {  	v38 =	vmul.f32 $1.442695020e+00, v34;
	v2 =	vsel vm5, $0x3, v2;
	v33 =	vmax.f32 v23, v1  }
0x34: {  	v2 =	vsel vm6, $0x2, v2;
	(erf) = vpow2.f32 v59;
	v36 =	vmul.f32 $1.999999960e-02, v33  }
0x35: {  	vm11 =	vgt.f32 v63, v10;
	v2 =	vsel vm7, $0x1, v2;
	(erf) = vpow2.f32 v61;
	v22 =	vpop (erf)  }
0x36: {  	vm12 =	vgt.f32 v24, v5;
	vm2 =	vgt.f32 v37, v36;
	v4 =	vsel vm11, $0x0, v22  }
0x37: {  	vm11 =	veq.f32 v8, v1;
	v22 =	vand.u32 $0x7FFFFFFF, v11;
	v26 =	vpop (erf);
	v3 =	vadd.f32 v21, v4  }
0x38: {  	v21 =	vand.u32 $0x7FFFFFFF, v12;
	v28 =	vmax.f32 v22, v1;
	v5 =	vsel vm12, $0x0, v26  }
0x39: {  	v24 =	vsel vm11, $0x0, v2;
	v0 =	vsel vm11, $0xF149F2CA, v8;
	v25 =	vmax.f32 v21, v1  }
0x3a: {  	v7 =	vmul.f32 $1.999999960e-02, v28;
	vm10 =	veq.s32 v24, $0x2;
	vm8 =	veq.s32 v24, $0x3  }
0x3b: {  	v4 =	vmul.f32 $1.999999960e-02, v25;
	v3 =	vadd.f32 v3, v5;
	v5 =	vmul.f32 $1.442695020e+00, v31  }
0x3c: {  	vm9 =	veq.s32 v24, $0x4;
	vm3 =	veq.s32 v24, $0x5;
	vm6 =	veq.s32 v24, $0x6  }
0x3d: {  	v30 =	vpop (erf);
	vm14 =	vgt.f32 v29, v7;
	vm13 =	vgt.f32 v27, v4;
	(erf) = vpow2.f32 v5  }
0x3e: {  	v27 =	vand.u32 $0x7FFFFFFF, v14;
	v4 =	vsel vm13, $0x0, v30;
	vm13 =	vmand vm1, vm7  }
0x3f: {  	v39 =	vmax.f32 v27, v1;
	(erf) = vpow2.f32 v38;
	v5 =	vsel vm13, $0xF149F2CA, v16  }
0x40: {  	v32 =	vpop (erf);
	v1 =	vsel vm10, $0xF149F2CA, v15;
	v3 =	vadd.f32 v3, v4;
	v42 =	vmax.f32 v0, v5  }
0x41: {  	v2 =	vsel vm8, $0xF149F2CA, v13;
	v35 =	vsel vm14, $0x0, v32;
	v43 =	vmax.f32 v42, v1  }
0x42: {  	v25 =	vadd.f32 v3, v35;
	v3 =	vsel vm9, $0xF149F2CA, v12;
	v44 =	vmax.f32 v43, v2  }
0x43: {  	vm15 =	veq.s32 v24, $0x7;
	v7 =	vsel vm3, $0xF149F2CA, v11;
	v28 =	vmax.f32 v44, v3  }
0x44: {  	v10 =	vsel vm6, $0xF149F2CA, v9;
	v26 =	vmul.f32 $1.999999960e-02, v39;
	v46 =	vmax.f32 v28, v7  }
0x45: {  	v48 =	vsel vm15, $0xF149F2CA, v14;
	v4 =	vsel vm3, $0xFFFFFFFF, v45;
	v24 =	vmax.f32 v46, v10  }
0x46: {  	[tilespmem:$0x1FF30] =	vst v4;
	v4 =	vsel vm15, $0xFFFFFFFF, v49;
	vm4 =	vgt.f32 v41, v26;
	v29 =	vpop (erf);
	v6 =	vmax.f32 v24, v48  }
0x47: {  	v47 =	vsel vm2, $0x0, v29;
	v52 =	vsub.f32 v8, v6;
	v54 =	vsub.f32 v16, v6  }
0x48: {  	vm2 =	vmmov vm15;
	v50 =	vpop (erf);
	v55 =	vsub.f32 v15, v6;
	v25 =	vadd.f32 v25, v47  }
0x49: {  	v17 =	vmax.f32 v17, v6;
	v57 =	vsub.f32 v6, v8;
	v51 =	vsel vm4, $0x0, v50  }
0x4a: {  	v18 =	vmax.f32 v18, v6;
	v16 =	vsub.f32 v6, v16;
	v24 =	vadd.f32 v25, v51  }
0x4b: {  	v59 =	vsub.f32 v13, v6;
	v60 =	vmax.f32 v19, v6;
	v62 =	vsub.f32 v12, v6  }
0x4c: {  	v15 =	vsub.f32 v6, v15;
	v53 =	vmul.f32 $1.442695020e+00, v52;
	(erf) = vrcp.f32 v24  }
0x4d: {  	v28 =	vsub.f32 v11, v6;
	v31 =	vmax.f32 v20, v6;
	v32 =	vsub.f32 v9, v6  }
0x4e: {  	v13 =	vsub.f32 v6, v13;
	v24 =	vmul.f32 $1.442695020e+00, v54;
	(erf) = vpow2.f32 v53  }
0x4f: {  	v34 =	vmax.f32 v21, v6;
	v35 =	vsub.f32 v14, v6;
	v17 =	vmul.f32 $1.999999960e-02, v17  }
0x50: {  	v12 =	vsub.f32 v6, v12;
	v56 =	vmul.f32 $1.442695020e+00, v55;
	(erf) = vpow2.f32 v24  }
0x51: {  	v37 =	vmax.f32 v22, v6;
	v18 =	vmul.f32 $1.999999960e-02, v18;
	v33 =	vmul.f32 $1.999999960e-02, v31  }
0x52: {  	v11 =	vsub.f32 v6, v11;
	v36 =	vmul.f32 $1.999999960e-02, v34;
	(erf) = vpow2.f32 v56  }
0x53: {  	v44 =	vmax.f32 v23, v6;
	v41 =	vmul.f32 $1.999999960e-02, v37;
	v61 =	vmul.f32 $1.442695020e+00, v59  }
0x54: {  	[tilespmem:$0x1FF40] =	vst v4;
	v46 =	vsub.f32 v6, v9;
	v47 =	vmul.f32 $1.999999960e-02, v44;
	v4 =	vmul.f32 $1.442695020e+00, v62  }
0x55: {  	v14 =	vsub.f32 v6, v14;
	v30 =	vmul.f32 $1.442695020e+00, v28;
	v8 =	vpop (erf);
	(erf) = vpow2.f32 v61  }
0x56: {  	v38 =	vmul.f32 $1.442695020e+00, v35;
	vm5 =	vgt.f32 v57, v17;
	vm7 =	vgt.f32 v16, v18  }
0x57: {  	v16 =	vmul.f32 $1.999999960e-02, v60;
	vm14 =	vgt.f32 v13, v33;
	v58 =	vpop (erf);
	(erf) = vpow2.f32 v4  }
0x58: {  	v26 =	vld [tilespmem:$0x10];
	vm0 =	vmor vm11, vm5;
	vm1 =	vmor vm13, vm7;
	v17 =	vadd.f32 $0.0e+00, v58  }
0x59: {  	v25 =	vld [tilespmem:$0x90];
	vm12 =	vgt.f32 v15, v16;
	v16 =	vmul.f32 $1.442695020e+00, v32;
	v63 =	vpop (erf);
	(erf) = vpow2.f32 v30  }
0x5a: {  	vm15 =	vgt.f32 v12, v36;
	v13 =	vld [tilespmem:$0x210];
	v24 =	vsel vm1, $0x0, v63;
	v17 =	vsel vm0, $0x0, v17  }
0x5b: {  	v29 =	vpop (erf);
	(erf) = vpow2.f32 v16;
	vm0 =	vmor vm10, vm12;
	v17 =	vadd.f32 v24, v17  }
0x5c: {  	vm4 =	vgt.f32 v11, v41;
	v51 =	vmax.f32 v27, v6;
	v16 =	vld [tilespmem:$0x110];
	v15 =	vsel vm0, $0x0, v29  }
0x5d: {  	vm5 =	vmor vm3, vm4;
	vm7 =	vgt.f32 v46, v47;
	v17 =	vadd.f32 v17, v15;
	v15 =	vld [tilespmem:$0x190]  }
0x5e: {  	v20 =	vmul.f32 $1.999999960e-02, v51;
	v48 =	vmax.f32 v26, v25;
	vm0 =	vmor vm8, vm14;
	v39 =	vpop (erf)  }
0x5f: {  	v12 =	vld [tilespmem:$0x290];
	v31 =	vand.u32 $0x7FFFFFFF, v25;
	v34 =	vand.u32 $0x7FFFFFFF, v13;
	v19 =	vsel vm0, $0x0, v39  }
0x60: {  	v11 =	vld [tilespmem:$0x310];
	v30 =	vand.u32 $0x7FFFFFFF, v26;
	vm0 =	vmor vm9, vm15;
	v42 =	vpop (erf);
	v17 =	vadd.f32 v17, v19  }
0x61: {  	v9 =	vld [tilespmem:$0x390];
	v50 =	vmax.f32 v48, v16;
	(erf) = vpow2.f32 v38;
	v43 =	vsel vm0, $0x0, v42  }
0x62: {  	vm12 =	vgt.f32 v14, v20;
	v45 =	vpop (erf);
	v19 =	vmax.f32 v50, v15;
	v17 =	vadd.f32 v17, v43  }
0x63: {  	v32 =	vand.u32 $0x7FFFFFFF, v16;
	v49 =	vsel vm5, $0x0, v45;
	v19 =	vmax.f32 v19, v13  }
0x64: {  	vm0 =	vmor vm6, vm7;
	v52 =	vpop (erf);
	v19 =	vmax.f32 v19, v12;
	v17 =	vadd.f32 v17, v49  }
0x65: {  	v33 =	vand.u32 $0x7FFFFFFF, v15;
	v18 =	vsel vm0, $0x0, v52;
	v53 =	vmax.f32 v19, v11  }
0x66: {  	vm0 =	vmor vm2, vm12;
	v19 =	vmax.f32 v53, v9;
	v17 =	vadd.f32 v17, v18  }
0x67: {  	v56 =	vsub.f32 v26, v19;
	vm14 =	veq.f32 v11, v19;
	vm15 =	veq.f32 v12, v19  }
0x68: {  	vm4 =	veq.f32 v13, v19;
	v59 =	vsub.f32 v25, v19;
	vm5 =	veq.f32 v15, v19  }
0x69: {  	v60 =	vsub.f32 v16, v19;
	vm7 =	veq.f32 v16, v19;
	v62 =	vsub.f32 v19, v26  }
0x6a: {  	v61 =	vmax.f32 v30, v19;
	v4 =	vsub.f32 v15, v19;
	v27 =	vsub.f32 v13, v19;
	v54 =	vpop (erf)  }
0x6b: {  	vm1 =	vne.f32 v26, v19;
	v36 =	vsub.f32 v12, v19;
	v55 =	vsel vm0, $0x0, v54  }
0x6c: {  	v28 =	vmax.f32 v31, v19;
	v37 =	vsub.f32 v19, v25;
	v14 =	vadd.f32 v17, v55  }
0x6d: {  	v38 =	vmax.f32 v32, v19;
	v42 =	vsub.f32 v19, v16;
	v46 =	vmax.f32 v33, v19  }
0x6e: {  	v47 =	vsub.f32 v19, v15;
	v48 =	vmax.f32 v34, v19;
	(erf) = vrcp.f32 v14  }
0x6f: {  	v50 =	vsub.f32 v19, v13;
	v20 =	vmul.f32 $1.999999960e-02, v61;
	v57 =	vmul.f32 $1.442695020e+00, v56  }
0x70: {  	v52 =	vsub.f32 v19, v12;
	v22 =	vmul.f32 $1.999999960e-02, v28;
	v17 =	vmul.f32 $1.442695020e+00, v59  }
0x71: {  	v58 =	vsel vm14, $0x6, v40;
	v43 =	vmul.f32 $1.999999960e-02, v38;
	(erf) = vpow2.f32 v57  }
0x72: {  	v28 =	vand.u32 $0x7FFFFFFF, v12;
	v18 =	vmul.f32 $1.442695020e+00, v60;
	(erf) = vpow2.f32 v17  }
0x73: {  	vm0 =	veq.f32 v25, v19;
	v29 =	vmul.f32 $1.442695020e+00, v27;
	v39 =	vmul.f32 $1.442695020e+00, v36  }
0x74: {  	v51 =	vmax.f32 v28, v19;
	v54 =	vsub.f32 v11, v19;
	v60 =	vsub.f32 v19, v11  }
0x75: {  	vm12 =	vgt.f32 v62, v20;
	(erf) = vpow2.f32 v18;
	v18 =	vmul.f32 $1.442695020e+00, v4  }
0x76: {  	vm14 =	vgt.f32 v37, v22;
	v23 =	vmul.f32 $1.999999960e-02, v51;
	v14 =	vsel vm15, $0x5, v58  }
0x77: {  	v37 =	vsub.f32 v19, v9;
	v14 =	vsel vm4, $0x4, v14;
	v17 =	vpop (erf);
	(erf) = vpow2.f32 v18  }
0x78: {  	vm15 =	vgt.f32 v42, v43;
	v57 =	vsub.f32 v9, v19;
	v14 =	vsel vm5, $0x3, v14  }
0x79: {  	v42 =	vimm.s32 $0x0;
	v14 =	vsel vm7, $0x2, v14;
	vm7 =	vgt.f32 v52, v23  }
0x7a: {  	v61 =	vmul.f32 $1.442695020e+00, v57;
	v14 =	vsel vm0, $0x1, v14;
	v63 =	vpop (erf);
	(erf) = vpow2.f32 v29  }
0x7b: {  	v29 =	vand.u32 $0x7FFFFFFF, v11;
	v24 =	vadd.f32 $0.0e+00, v63;
	v41 =	vpop (erf);
	(erf) = vpow2.f32 v39  }
0x7c: {  	v56 =	vmax.f32 v29, v19;
	v39 =	vimm.s32 $0x0;
	v21 =	vsel vm14, $0x0, v41  }
0x7d: {  	v59 =	vmul.f32 $1.999999960e-02, v56;
	v41 =	vimm.s32 $0x0;
	v20 =	vsel vm12, $0x0, v24  }
0x7e: {  	v45 =	vpop (erf);
	vm12 =	veq.f32 v26, v19;
	v44 =	vadd.f32 v20, v21;
	v21 =	vmul.f32 $1.999999960e-02, v46  }
0x7f: {  	v24 =	vimm.s32 $0x0;
	v20 =	vsel vm15, $0x0, v45;
	v35 =	vsel vm12, $0x0, v14  }
0x80: {  	v14 =	vand.u32 $0x7FFFFFFF, v9;
	v18 =	vadd.f32 v44, v20;
	vm4 =	vgt.f32 v47, v21;
	v49 =	vpop (erf)  }
0x81: {  	vm2 =	vgt.f32 v60, v59;
	v45 =	vimm.s32 $0x0;
	v21 =	vsel vm4, $0x0, v49  }
0x82: {  	v62 =	vmax.f32 v14, v19;
	v18 =	vadd.f32 v18, v21;
	v21 =	vmul.f32 $1.442695020e+00, v54  }
0x83: {  	vm15 =	veq.s32 v35, $0x2;
	vm14 =	veq.s32 v35, $0x3;
	v20 =	vmul.f32 $1.999999960e-02, v48  }
0x84: {  	vm3 =	veq.s32 v35, $0x4;
	v38 =	vmul.f32 $1.999999960e-02, v62;
	(erf) = vpow2.f32 v21  }
0x85: {  	v19 =	vsel vm15, $0xF149F2CA, v16;
	v22 =	vsel vm14, $0xF149F2CA, v15;
	v4 =	vsel vm14, $0xFFFFFFFF, v24;
	v53 =	vpop (erf)  }
0x86: {  	[tilespmem:$0x1FF50] =	vst v4;
	v4 =	vsel vm3, $0xFFFFFFFF, v39;
	vm5 =	vgt.f32 v50, v20;
	v55 =	vpop (erf);
	(erf) = vpow2.f32 v61  }
0x87: {  	v20 =	vsel vm5, $0x0, v53;
	v58 =	vsel vm7, $0x0, v55;
	vm7 =	vmand vm1, vm0  }
0x88: {  	v18 =	vadd.f32 v18, v20;
	v20 =	vsel vm12, $0xF149F2CA, v26;
	v21 =	vsel vm7, $0xF149F2CA, v25  }
0x89: {  	vm4 =	veq.s32 v35, $0x6;
	vm5 =	veq.s32 v35, $0x7;
	v63 =	vmax.f32 v20, v21  }
0x8a: {  	vm0 =	veq.s32 v35, $0x5;
	v44 =	vsel vm5, $0xF149F2CA, v9;
	v27 =	vmax.f32 v63, v19  }
0x8b: {  	v36 =	vadd.f32 v18, v58;
	v18 =	vsel vm3, $0xF149F2CA, v13;
	v23 =	vmax.f32 v27, v22  }
0x8c: {  	vm1 =	vgt.f32 v37, v38;
	v24 =	vsel vm0, $0xF149F2CA, v12;
	v23 =	vmax.f32 v23, v18  }
0x8d: {  	[tilespmem:$0x1FF60] =	vst v4;
	v4 =	vsel vm0, $0xFFFFFFFF, v41;
	v27 =	vsel vm4, $0xF149F2CA, v11;
	v23 =	vmax.f32 v23, v24;
	v39 =	vpop (erf)  }
0x8e: {  	[tilespmem:$0x1FF70] =	vst v4;
	v4 =	vsel vm4, $0xFFFFFFFF, v42;
	v23 =	vmax.f32 v23, v27;
	v43 =	vsel vm2, $0x0, v39  }
0x8f: {  	[tilespmem:$0x1FF80] =	vst v4;
	v4 =	vsel vm5, $0xFFFFFFFF, v45;
	v23 =	vmax.f32 v23, v44;
	v46 =	vpop (erf);
	v35 =	vadd.f32 v36, v43  }
0x90: {  	v45 =	vnsel vm13, $0x0, v8;
	v47 =	vsub.f32 v26, v23;
	v36 =	vsel vm1, $0x0, v46  }
0x91: {  	vm13 =	veq.f32 v5, v6;
	v49 =	vsub.f32 v25, v23;
	v35 =	vadd.f32 v35, v36  }
0x92: {  	v50 =	vsub.f32 v16, v23;
	v51 =	vsub.f32 v15, v23;
	v30 =	vmax.f32 v30, v23  }
0x93: {  	v26 =	vsub.f32 v23, v26;
	v31 =	vmax.f32 v31, v23;
	(erf) = vrcp.f32 v35  }
0x94: {  	v25 =	vsub.f32 v23, v25;
	v54 =	vsub.f32 v13, v23;
	v55 =	vmax.f32 v32, v23  }
0x95: {  	v16 =	vsub.f32 v23, v16;
	v56 =	vmax.f32 v33, v23;
	v15 =	vsub.f32 v23, v15  }
0x96: {  	v58 =	vsub.f32 v12, v23;
	v62 =	vsub.f32 v11, v23;
	v33 =	vmax.f32 v34, v23  }
0x97: {  	v30 =	vmul.f32 $1.999999960e-02, v30;
	v48 =	vmul.f32 $1.442695020e+00, v47;
	vm1 =	veq.f32 v10, v6  }
0x98: {  	v10 =	vsel vm1, $0x6, v40;
	vm1 =	veq.f32 v7, v6;
	v35 =	vmul.f32 $1.442695020e+00, v49  }
0x99: {  	v7 =	vsel vm1, $0x5, v10;
	v10 =	vmul.f32 $1.442695020e+00, v50;
	(erf) = vpow2.f32 v48  }
0x9a: {  	v13 =	vsub.f32 v23, v13;
	v52 =	vmul.f32 $1.442695020e+00, v51;
	(erf) = vpow2.f32 v35  }
0x9b: {  	v38 =	vld [tilespmem:$0x20];
	v41 =	vmax.f32 v28, v23;
	v31 =	vmul.f32 $1.999999960e-02, v31;
	(erf) = vpow2.f32 v10  }
0x9c: {  	[tilespmem:$0x1FF90] =	vst v4;
	v12 =	vsub.f32 v23, v12;
	v34 =	vmul.f32 $1.999999960e-02, v33;
	v4 =	vpop (erf);
	(erf) = vpow2.f32 v52  }
0x9d: {  	v11 =	vsub.f32 v23, v11;
	v44 =	vmul.f32 $1.999999960e-02, v41;
	v59 =	vmul.f32 $1.442695020e+00, v58  }
0x9e: {  	v37 =	vld [tilespmem:$0xA0];
	v39 =	vnsel vm11, $0x0, v8;
	v51 =	vmax.f32 v14, v23;
	vm2 =	vgt.f32 v26, v30  }
0x9f: {  	v26 =	vmul.f32 $1.999999960e-02, v56;
	vm11 =	vgt.f32 v12, v44;
	v46 =	vmax.f32 v29, v23  }
0xa0: {  	[tilespmem:$0x1FFA0] =	vst v39;
	v12 =	vnsel vm8, $0x0, v8;
	v39 =	vand.u32 $0x7FFFFFFF, v38;
	vm1 =	veq.f32 v3, v6  }
0xa1: {  	v7 =	vsel vm1, $0x4, v7;
	vm1 =	veq.f32 v2, v6;
	v10 =	vmul.f32 $1.442695020e+00, v54  }
0xa2: {  	v2 =	vsel vm1, $0x3, v7;
	vm1 =	vmor vm12, vm2;
	vm2 =	vgt.f32 v25, v31;
	v53 =	vpop (erf)  }
0xa3: {  	v25 =	vmul.f32 $1.999999960e-02, v55;
	v49 =	vmax.f32 v38, v37;
	(erf) = vpow2.f32 v10;
	v57 =	vpop (erf)  }
0xa4: {  	vm2 =	vmor vm7, vm2;
	v35 =	vsub.f32 v9, v23;
	v9 =	vsub.f32 v23, v9;
	v60 =	vpop (erf)  }
0xa5: {  	v10 =	vmul.f32 $1.442695020e+00, v62;
	v7 =	vadd.f32 $0.0e+00, v53;
	v61 =	vpop (erf);
	(erf) = vpow2.f32 v59  }
0xa6: {  	v36 =	vld [tilespmem:$0x120];
	v42 =	vmul.f32 $1.442695020e+00, v35;
	v30 =	vsel vm2, $0x0, v57;
	vm2 =	vgt.f32 v15, v26  }
0xa7: {  	v7 =	vsel vm1, $0x0, v7;
	vm1 =	vgt.f32 v16, v25;
	(erf) = vpow2.f32 v10  }
0xa8: {  	vm2 =	vmor vm14, vm2;
	v7 =	vadd.f32 v30, v7;
	vm1 =	vmor vm15, vm1  }
0xa9: {  	vm14 =	veq.f32 v1, v6;
	v31 =	vsel vm1, $0x0, v60;
	(erf) = vpow2.f32 v42  }
0xaa: {  	v63 =	vsel vm14, $0x2, v2;
	vm14 =	vgt.f32 v13, v34;
	v7 =	vadd.f32 v7, v31  }
0xab: {  	v50 =	vmax.f32 v49, v36;
	vm1 =	vmor vm3, vm14;
	v32 =	vsel vm2, $0x0, v61  }
0xac: {  	v35 =	vld [tilespmem:$0x1A0];
	v53 =	vsel vm13, $0x1, v63;
	v43 =	vpop (erf);
	v10 =	vmul.f32 $1.999999960e-02, v46;
	v7 =	vadd.f32 v7, v32  }
0xad: {  	v33 =	vld [tilespmem:$0x220];
	v13 =	vsel vm1, $0x0, v43;
	vm1 =	vmor vm0, vm11;
	v43 =	vand.u32 $0x7FFFFFFF, v37  }
0xae: {  	v58 =	vld [tilespmem:$0x1FF30];
	v42 =	vand.u32 $0x7FFFFFFF, v36;
	vm14 =	vgt.f32 v11, v10;
	v10 =	vmul.f32 $1.999999960e-02, v51;
	v47 =	vpop (erf)  }
0xaf: {  	v32 =	vld [tilespmem:$0x2A0];
	v7 =	vadd.f32 v7, v13;
	v13 =	vnsel vm9, $0x0, v8;
	v48 =	vsel vm1, $0x0, v47  }
0xb0: {  	vm1 =	vmor vm4, vm14;
	v52 =	vpop (erf);
	vm4 =	vgt.f32 v9, v10;
	v10 =	vnsel vm10, $0x0, v8  }
0xb1: {  	v5 =	vadd.f32 v7, v48;
	v7 =	vmax.f32 v50, v35;
	v11 =	vsel vm1, $0x0, v52  }
0xb2: {  	v30 =	vld [tilespmem:$0x320];
	vm1 =	vmor vm5, vm4;
	v54 =	vpop (erf);
	vm5 =	vne.f32 v0, v6;
	v7 =	vmax.f32 v7, v33  }
0xb3: {  	v31 =	vld [tilespmem:$0x3A0];
	v55 =	vsel vm1, $0x0, v54;
	v34 =	vnsel vm5, $0x0, v53;
	v0 =	vsel vm5, $0x0, v17  }
0xb4: {  	vm11 =	vmand vm5, vm13;
	vm5 =	vnez.u8 v58;
	v7 =	vmax.f32 v7, v32  }
0xb5: {  	v5 =	vadd.f32 v5, v11;
	vm13 =	veq.s32 v34, $0x2;
	vm14 =	veq.s32 v34, $0x3  }
0xb6: {  	vm4 =	veq.s32 v34, $0x4;
	v6 =	vnsel vm5, $0x0, v8;
	vm8 =	veq.s32 v34, $0x5  }
0xb7: {  	v7 =	vmax.f32 v7, v30;
	v11 =	vnsel vm13, $0x0, v17;
	v14 =	vnsel vm14, $0x0, v17  }
0xb8: {  	v15 =	vnsel vm4, $0x0, v17;
	v9 =	vnsel vm8, $0x0, v17;
	v25 =	vmax.f32 v7, v31  }
0xb9: {  	v5 =	vadd.f32 v5, v55;
	v7 =	vnsel vm11, $0x0, v17;
	v10 =	vadd.f32 v11, v10  }
0xba: {  	vm11 =	veq.f32 v27, v23;
	v11 =	vadd.f32 v14, v12;
	v13 =	vadd.f32 v15, v13  }
0xbb: {  	v6 =	vadd.f32 v9, v6;
	v56 =	vsub.f32 v38, v25;
	vm9 =	veq.f32 v30, v25  }
0xbc: {  	vm10 =	veq.f32 v32, v25;
	v60 =	vsub.f32 v37, v25;
	vm13 =	veq.f32 v33, v25  }
0xbd: {  	vm14 =	veq.f32 v35, v25;
	v50 =	vsel vm11, $0x6, v40;
	vm4 =	veq.f32 v36, v25  }
0xbe: {  	v62 =	vmax.f32 v39, v25;
	v63 =	vsub.f32 v25, v38;
	v1 =	vsub.f32 v36, v25  }
0xbf: {  	[tilespmem:$0x1FFC0] =	vst v45;
	vm1 =	veq.f32 v37, v25;
	v3 =	vsub.f32 v35, v25;
	v45 =	vsub.f32 v33, v25  }
0xc0: {  	v47 =	vmax.f32 v43, v25;
	v41 =	vsub.f32 v25, v37;
	v48 =	vmax.f32 v42, v25  }
0xc1: {  	v49 =	vsub.f32 v32, v25;
	v52 =	vsub.f32 v25, v36;
	v57 =	vmul.f32 $1.442695020e+00, v56  }
0xc2: {  	v44 =	vsub.f32 v30, v25;
	(erf) = vrcp.f32 v5;
	v26 =	vmul.f32 $1.442695020e+00, v60  }
0xc3: {  	vm8 =	vne.f32 v38, v25;
	v55 =	vsub.f32 v25, v35;
	(erf) = vpow2.f32 v57  }
0xc4: {  	v5 =	vnsel vm6, $0x0, v8;
	v59 =	vsel vm9, $0x6, v40;
	(erf) = vpow2.f32 v26  }
0xc5: {  	v28 =	vmul.f32 $1.999999960e-02, v62;
	v62 =	vsub.f32 v25, v32;
	v2 =	vmul.f32 $1.442695020e+00, v1  }
0xc6: {  	v16 =	vsel vm10, $0x5, v59;
	v46 =	vmul.f32 $1.442695020e+00, v3;
	v40 =	vmul.f32 $1.442695020e+00, v45  }
0xc7: {  	v16 =	vsel vm13, $0x4, v16;
	vm5 =	vgt.f32 v63, v28;
	v28 =	vmul.f32 $1.999999960e-02, v47  }
0xc8: {  	v53 =	vmul.f32 $1.442695020e+00, v44;
	vm13 =	veq.f32 v38, v25;
	v61 =	vsel vm14, $0x3, v16  }
0xc9: {  	v57 =	vsub.f32 v25, v33;
	v27 =	vsel vm4, $0x2, v61;
	vm6 =	vgt.f32 v41, v28  }
0xca: {  	v26 =	vmul.f32 $1.999999960e-02, v48;
	v41 =	vand.u32 $0x7FFFFFFF, v35;
	v48 =	vand.u32 $0x7FFFFFFF, v31  }
0xcb: {  	v27 =	vsel vm1, $0x1, v27;
	v54 =	vmax.f32 v41, v25;
	v16 =	vpop (erf);
	(erf) = vpow2.f32 v2  }
0xcc: {  	[tilespmem:$0x1FFB0] =	vst v0;
	vm9 =	vgt.f32 v52, v26;
	v2 =	vsub.f32 v25, v30;
	v0 =	vpop (erf);
	(erf) = vpow2.f32 v46  }
0xcd: {  	v29 =	vadd.f32 $0.0e+00, v0;
	(erf) = vpow2.f32 v40;
	v51 =	vpop (erf);
	v40 =	vmul.f32 $1.442695020e+00, v49  }
0xce: {  	v49 =	vand.u32 $0x7FFFFFFF, v32;
	v0 =	vsub.f32 v31, v25;
	v28 =	vsel vm6, $0x0, v51  }
0xcf: {  	v61 =	vmax.f32 v49, v25;
	v51 =	vsel vm13, $0x0, v27;
	vm6 =	veq.f32 v24, v23  }
0xd0: {  	v29 =	vsel vm5, $0x0, v29;
	(erf) = vpow2.f32 v40;
	v40 =	vand.u32 $0x7FFFFFFF, v33  }
0xd1: {  	v47 =	vmul.f32 $1.442695020e+00, v0;
	vm5 =	veq.s32 v51, $0x5;
	vm4 =	veq.s32 v51, $0x6  }
0xd2: {  	vm3 =	veq.s32 v51, $0x7;
	v28 =	vadd.f32 v29, v28;
	v29 =	vmul.f32 $1.999999960e-02, v54  }
0xd3: {  	v24 =	vsel vm6, $0x5, v50;
	vm6 =	veq.s32 v34, $0x6;
	v46 =	vmax.f32 v40, v25  }
0xd4: {  	v46 =	vmul.f32 $1.999999960e-02, v46;
	v45 =	vpop (erf);
	(erf) = vpow2.f32 v53;
	vm10 =	vgt.f32 v55, v29  }
0xd5: {  	v29 =	vmul.f32 $1.999999960e-02, v61;
	v53 =	vsub.f32 v25, v31;
	v56 =	vsel vm9, $0x0, v45  }
0xd6: {  	vm11 =	vgt.f32 v57, v46;
	v46 =	vand.u32 $0x7FFFFFFF, v30;
	v45 =	vsel vm5, $0xF149F2CA, v32  }
0xd7: {  	v26 =	vadd.f32 v28, v56;
	v63 =	vmax.f32 v46, v25;
	vm14 =	vgt.f32 v62, v29  }
0xd8: {  	v56 =	vmax.f32 v48, v25;
	v25 =	vsel vm13, $0xF149F2CA, v38;
	v62 =	vsel vm3, $0xF149F2CA, v31;
	v58 =	vpop (erf)  }
0xd9: {  	v54 =	vmul.f32 $1.999999960e-02, v56;
	v28 =	vsel vm10, $0x0, v58;
	v59 =	vpop (erf);
	(erf) = vpow2.f32 v47  }
0xda: {  	vm10 =	veq.s32 v51, $0x3;
	v26 =	vadd.f32 v26, v28;
	v60 =	vsel vm11, $0x0, v59  }
0xdb: {  	v28 =	vmul.f32 $1.999999960e-02, v63;
	vm11 =	veq.s32 v51, $0x2;
	v29 =	vsel vm10, $0xF149F2CA, v35  }
0xdc: {  	v59 =	vimm.s32 $0x0;
	v63 =	vimm.s32 $0x0;
	v1 =	vpop (erf);
	v26 =	vadd.f32 v26, v60  }
0xdd: {  	vm9 =	vgt.f32 v53, v54;
	v3 =	vsel vm14, $0x0, v1;
	vm14 =	vmand vm8, vm1  }
0xde: {  	v27 =	vsel vm11, $0xF149F2CA, v36;
	v52 =	vadd.f32 v26, v3;
	v26 =	vsel vm14, $0xF149F2CA, v37  }
0xdf: {  	v0 =	vsel vm5, $0xFFFFFFFF, v59;
	vm0 =	vgt.f32 v2, v28;
	v57 =	vmax.f32 v25, v26  }
0xe0: {  	vm8 =	veq.s32 v51, $0x4;
	v60 =	vimm.s32 $0x0;
	v58 =	vmax.f32 v57, v27  }
0xe1: {  	[tilespmem:$0x1FFD0] =	vst v0;
	v44 =	vsel vm8, $0xF149F2CA, v33;
	v0 =	vsel vm4, $0xFFFFFFFF, v60;
	v55 =	vpop (erf);
	v47 =	vmax.f32 v58, v29  }
0xe2: {  	v54 =	vld [tilespmem:$0x1FF40];
	[tilespmem:$0x1FFE0] =	vst v0;
	v0 =	vsel vm3, $0xFFFFFFFF, v63;
	v28 =	vsel vm0, $0x0, v55;
	v55 =	vmax.f32 v47, v44  }
0xe3: {  	v61 =	vadd.f32 v52, v28;
	v47 =	vsel vm4, $0xF149F2CA, v30;
	v1 =	vpop (erf);
	v55 =	vmax.f32 v55, v45  }
0xe4: {  	v2 =	vsel vm9, $0x0, v1;
	vm9 =	veq.f32 v18, v23;
	v18 =	vnsel vm6, $0x0, v17  }
0xe5: {  	[tilespmem:$0x1FFF0] =	vst v0;
	vm6 =	veq.f32 v22, v23;
	v0 =	vmax.f32 v55, v47;
	v50 =	vadd.f32 v61, v2  }
0xe6: {  	v24 =	vsel vm9, $0x4, v24;
	vm9 =	veq.f32 v19, v23;
	v5 =	vadd.f32 v18, v5  }
0xe7: {  	v28 =	vmax.f32 v0, v62;
	v22 =	vsel vm6, $0x3, v24;
	vm6 =	vnez.u8 v54  }
0xe8: {  	v52 =	vsub.f32 v38, v28;
	(erf) = vrcp.f32 v50;
	v53 =	vsub.f32 v37, v28  }
0xe9: {  	v19 =	vnsel vm6, $0x0, v8;
	v55 =	vsel vm9, $0x2, v22;
	v57 =	vsub.f32 v36, v28  }
0xea: {  	vm9 =	veq.s32 v34, $0x7;
	v38 =	vsub.f32 v28, v38;
	v37 =	vsub.f32 v28, v37  }
0xeb: {  	vm6 =	veq.f32 v21, v23;
	v61 =	vsub.f32 v35, v28;
	v63 =	vsub.f32 v33, v28  }
0xec: {  	v58 =	vmax.f32 v39, v28;
	v36 =	vsub.f32 v28, v36;
	v2 =	vsub.f32 v32, v28  }
0xed: {  	v59 =	vmax.f32 v43, v28;
	v50 =	vsub.f32 v30, v28;
	v35 =	vsub.f32 v28, v35  }
0xee: {  	v62 =	vmax.f32 v42, v28;
	v33 =	vsub.f32 v28, v33;
	v32 =	vsub.f32 v28, v32  }
0xef: {  	v21 =	vnsel vm9, $0x0, v17;
	v17 =	vnsel vm12, $0x0, v4;
	v8 =	vsel vm6, $0x1, v55  }
0xf0: {  	vm9 =	vne.f32 v20, v23;
	v39 =	vmul.f32 $1.999999960e-02, v58;
	v3 =	vmul.f32 $1.442695020e+00, v52  }
0xf1: {  	v20 =	vnsel vm7, $0x0, v4;
	v43 =	vmul.f32 $1.999999960e-02, v59;
	v56 =	vmul.f32 $1.442695020e+00, v53  }
0xf2: {  	v55 =	vmax.f32 v49, v28;
	v24 =	vmul.f32 $1.442695020e+00, v57;
	(erf) = vpow2.f32 v3  }
0xf3: {  	v34 =	vnsel vm9, $0x0, v8;
	v22 =	vsel vm9, $0x0, v16;
	v1 =	vmul.f32 $1.442695020e+00, v63  }
0xf4: {  	vm12 =	vmand vm9, vm6;
	v42 =	vmul.f32 $1.442695020e+00, v2;
	(erf) = vpow2.f32 v56  }
0xf5: {  	v52 =	vmax.f32 v40, v28;
	v53 =	vsub.f32 v31, v28;
	(erf) = vpow2.f32 v24  }
0xf6: {  	v2 =	vmax.f32 v48, v28;
	v31 =	vsub.f32 v28, v31;
	v23 =	vnsel vm12, $0x0, v16  }
0xf7: {  	vm6 =	vgt.f32 v38, v39;
	vm7 =	vgt.f32 v37, v43;
	v39 =	vmul.f32 $1.442695020e+00, v61  }
0xf8: {  	v37 =	vmul.f32 $1.999999960e-02, v62;
	v54 =	vmul.f32 $1.999999960e-02, v52;
	v62 =	vsub.f32 v28, v30  }
0xf9: {  	vm2 =	veq.s32 v34, $0x7;
	vm0 =	vmor vm13, vm6;
	v8 =	vpop (erf);
	(erf) = vpow2.f32 v39  }
0xfa: {  	vm1 =	vmor vm14, vm7;
	vm9 =	vgt.f32 v36, v37;
	v37 =	vmul.f32 $1.442695020e+00, v50  }
0xfb: {  	v56 =	vmul.f32 $1.442695020e+00, v53;
	vm6 =	vgt.f32 v33, v54;
	v54 =	vimm.s32 $0x7;
	v60 =	vpop (erf)  }
0xfc: {  	v24 =	vnsel vm15, $0x0, v4;
	(erf) = vpow2.f32 v1;
	v38 =	vadd.f32 $0.0e+00, v60  }
0xfd: {  	vm12 =	vmor vm11, vm9;
	v0 =	vpop (erf);
	(erf) = vpow2.f32 v42;
	v60 =	vmax.f32 v46, v28  }
0xfe: {  	v43 =	vsel vm1, $0x0, v0;
	v3 =	vpop (erf);
	(erf) = vpow2.f32 v37;
	v38 =	vsel vm0, $0x0, v38  }
0xff: {  	v46 =	vmul.f32 $1.999999960e-02, v60;
	v38 =	vadd.f32 v43, v38;
	v43 =	vmax.f32 v41, v28  }
0x100: {  	v42 =	vld [tilespmem:$0xB0];
	v37 =	vmul.f32 $1.999999960e-02, v2;
	v36 =	vsel vm12, $0x0, v3;
	v51 =	vmul.f32 $1.999999960e-02, v43  }
0x101: {  	vm0 =	veq.s32 v34, $0x2;
	v43 =	vld [tilespmem:$0x30];
	v36 =	vadd.f32 v38, v36;
	v38 =	vmul.f32 $1.999999960e-02, v55  }
0x102: {  	v53 =	vld [tilespmem:$0x1FF50];
	vm12 =	vgt.f32 v62, v46;
	v57 =	vpop (erf);
	(erf) = vpow2.f32 v56;
	vm15 =	vgt.f32 v35, v51  }
0x103: {  	v41 =	vld [tilespmem:$0x130];
	vm1 =	vmor vm10, vm15;
	vm7 =	vgt.f32 v32, v38;
	vm15 =	vgt.f32 v31, v37  }
0x104: {  	v40 =	vld [tilespmem:$0x1B0];
	v39 =	vsel vm1, $0x0, v57;
	vm1 =	vmor vm8, vm6;
	vm9 =	vmor vm5, vm7  }
0x105: {  	v59 =	vpop (erf);
	vm5 =	veq.s32 v34, $0x3;
	vm6 =	veq.f32 v47, v28;
	vm7 =	veq.f32 v45, v28  }
0x106: {  	v58 =	vadd.f32 v36, v39;
	v39 =	vld [tilespmem:$0x230];
	v35 =	vsel vm1, $0x0, v59;
	v63 =	vmax.f32 v43, v42  }
0x107: {  	v38 =	vld [tilespmem:$0x2B0];
	vm1 =	vmor vm4, vm12;
	vm4 =	vnez.u8 v53;
	v55 =	vsel vm6, $0x6, v54  }
0x108: {  	v32 =	vld [tilespmem:$0x330];
	v61 =	vpop (erf);
	vm12 =	veq.f32 v44, v28;
	v1 =	vmax.f32 v63, v41;
	v33 =	vadd.f32 v58, v35  }
0x109: {  	v30 =	vld [tilespmem:$0x3B0];
	v0 =	vsel vm9, $0x0, v61;
	v3 =	vpop (erf);
	v56 =	vsel vm7, $0x5, v55;
	v36 =	vmax.f32 v1, v40  }
0x10a: {  	v63 =	vld [tilespmem:$0x1FF60];
	v35 =	vsel vm1, $0x0, v3;
	vm1 =	vmor vm3, vm15;
	v33 =	vadd.f32 v33, v0  }
0x10b: {  	v61 =	vsel vm12, $0x4, v56;
	v56 =	vand.u32 $0x7FFFFFFF, v43;
	v46 =	vpop (erf);
	v36 =	vmax.f32 v36, v39  }
0x10c: {  	v51 =	vsel vm1, $0x0, v46;
	v36 =	vmax.f32 v36, v38;
	v35 =	vadd.f32 v33, v35  }
0x10d: {  	v33 =	vnsel vm4, $0x0, v4;
	v37 =	vmax.f32 v36, v32;
	v36 =	vnsel vm0, $0x0, v16  }
0x10e: {  	v49 =	vmax.f32 v37, v30;
	v31 =	vadd.f32 v35, v51;
	v35 =	vnsel vm5, $0x0, v16  }
0x10f: {  	vm5 =	vnez.u8 v63;
	v52 =	vsub.f32 v43, v49;
	vm9 =	veq.f32 v32, v49  }
0x110: {  	vm15 =	veq.f32 v38, v49;
	vm4 =	veq.f32 v39, v49;
	v59 =	vsub.f32 v42, v49  }
0x111: {  	vm6 =	veq.f32 v40, v49;
	v2 =	vsub.f32 v41, v49;
	vm7 =	veq.f32 v41, v49  }
0x112: {  	v51 =	vsub.f32 v40, v49;
	(erf) = vrcp.f32 v31;
	v37 =	vmul.f32 $1.442695020e+00, v52  }
0x113: {  	v53 =	vmax.f32 v56, v49;
	v60 =	vsub.f32 v39, v49;
	v62 =	vsub.f32 v49, v42  }
0x114: {  	v57 =	vsel vm9, $0x6, v54;
	v1 =	vmul.f32 $1.442695020e+00, v59;
	(erf) = vpow2.f32 v37  }
0x115: {  	v54 =	vsub.f32 v49, v43;
	v45 =	vmul.f32 $1.999999960e-02, v53;
	v53 =	vand.u32 $0x7FFFFFFF, v40  }
0x116: {  	v58 =	vsel vm15, $0x5, v57;
	v52 =	vmul.f32 $1.442695020e+00, v2;
	(erf) = vpow2.f32 v1  }
0x117: {  	v55 =	vmul.f32 $1.442695020e+00, v51;
	v63 =	vmul.f32 $1.442695020e+00, v60;
	vm15 =	veq.f32 v42, v49  }
0x118: {  	v0 =	vsel vm4, $0x4, v58;
	v58 =	vand.u32 $0x7FFFFFFF, v42;
	vm9 =	vgt.f32 v54, v45  }
0x119: {  	vm4 =	veq.f32 v43, v49;
	v54 =	vand.u32 $0x7FFFFFFF, v32;
	(erf) = vpow2.f32 v52  }
0x11a: {  	v3 =	vsel vm6, $0x3, v0;
	v59 =	vmax.f32 v58, v49;
	v0 =	vsub.f32 v38, v49  }
0x11b: {  	v37 =	vnsel vm5, $0x0, v4;
	v50 =	vmul.f32 $1.999999960e-02, v59;
	v31 =	vpop (erf);
	(erf) = vpow2.f32 v55  }
0x11c: {  	v46 =	vsel vm7, $0x2, v3;
	v59 =	vmax.f32 v53, v49;
	v1 =	vmul.f32 $1.442695020e+00, v0  }
0x11d: {  	v3 =	vsub.f32 v49, v41;
	v51 =	vmul.f32 $1.999999960e-02, v59;
	v57 =	vpop (erf);
	(erf) = vpow2.f32 v63  }
0x11e: {  	v59 =	vand.u32 $0x7FFFFFFF, v39;
	v44 =	vadd.f32 $0.0e+00, v57;
	v57 =	vand.u32 $0x7FFFFFFF, v41  }
0x11f: {  	v46 =	vsel vm15, $0x1, v46;
	v55 =	vpop (erf);
	(erf) = vpow2.f32 v1;
	v2 =	vmax.f32 v57, v49  }
0x120: {  	vm12 =	vgt.f32 v62, v50;
	v62 =	vsub.f32 v49, v40;
	v47 =	vmul.f32 $1.999999960e-02, v2  }
0x121: {  	v60 =	vsel vm12, $0x0, v55;
	v55 =	vand.u32 $0x7FFFFFFF, v38;
	v44 =	vsel vm9, $0x0, v44  }
0x122: {  	v63 =	vpop (erf);
	v2 =	vmax.f32 v59, v49;
	v44 =	vadd.f32 v44, v60;
	vm5 =	vgt.f32 v3, v47  }
0x123: {  	v3 =	vsub.f32 v49, v39;
	v47 =	vmul.f32 $1.999999960e-02, v2;
	v45 =	vsel vm5, $0x0, v63  }
0x124: {  	vm6 =	vgt.f32 v62, v51;
	v60 =	vmax.f32 v55, v49;
	v0 =	vpop (erf);
	v44 =	vadd.f32 v44, v45  }
0x125: {  	v63 =	vsub.f32 v49, v38;
	v1 =	vsel vm6, $0x0, v0;
	vm7 =	vgt.f32 v3, v47  }
0x126: {  	v45 =	vmul.f32 $1.999999960e-02, v60;
	v0 =	vsub.f32 v32, v49;
	v44 =	vadd.f32 v44, v1;
	v62 =	vpop (erf)  }
0x127: {  	v52 =	vand.u32 $0x7FFFFFFF, v30;
	v3 =	vsub.f32 v30, v49;
	v47 =	vsel vm7, $0x0, v62  }
0x128: {  	vm12 =	vgt.f32 v63, v45;
	v2 =	vmul.f32 $1.442695020e+00, v0;
	v1 =	vpop (erf);
	v44 =	vadd.f32 v44, v47  }
0x129: {  	vm9 =	vne.f32 v43, v49;
	v60 =	vsel vm4, $0x0, v46;
	v45 =	vsel vm12, $0x0, v1  }
0x12a: {  	(erf) = vpow2.f32 v2;
	v62 =	vadd.f32 v44, v45;
	v45 =	vmul.f32 $1.442695020e+00, v3  }
0x12b: {  	v51 =	vmax.f32 v52, v49;
	vm3 =	vmand vm9, vm15;
	vm5 =	veq.s32 v60, $0x2  }
0x12c: {  	vm15 =	veq.s32 v60, $0x3;
	vm9 =	veq.s32 v60, $0x5;
	(erf) = vpow2.f32 v45  }
0x12d: {  	vm6 =	veq.s32 v60, $0x7;
	v0 =	vmax.f32 v54, v49;
	v63 =	vsub.f32 v49, v32  }
0x12e: {  	v46 =	vsel vm5, $0xF149F2CA, v41;
	v44 =	vsel vm4, $0xF149F2CA, v43;
	v45 =	vsel vm3, $0xF149F2CA, v42  }
0x12f: {  	vm7 =	veq.s32 v60, $0x6;
	v3 =	vmul.f32 $1.999999960e-02, v0;
	v1 =	vmax.f32 v44, v45  }
0x130: {  	v47 =	vsel vm15, $0xF149F2CA, v40;
	vm12 =	veq.s32 v60, $0x4;
	v2 =	vmax.f32 v1, v46  }
0x131: {  	v48 =	vsel vm12, $0xF149F2CA, v39;
	vm0 =	vgt.f32 v63, v3;
	v50 =	vmax.f32 v2, v47  }
0x132: {  	v2 =	vsub.f32 v49, v30;
	v49 =	vmax.f32 v50, v48;
	v50 =	vsel vm9, $0xF149F2CA, v38  }
0x133: {  	v1 =	vmul.f32 $1.999999960e-02, v51;
	v51 =	vsel vm7, $0xF149F2CA, v32;
	v49 =	vmax.f32 v49, v50;
	v0 =	vpop (erf)  }
0x134: {  	v60 =	vsel vm6, $0xF149F2CA, v30;
	v0 =	vsel vm0, $0x0, v0;
	v63 =	vmax.f32 v49, v51  }
0x135: {  	vm0 =	vgt.f32 v2, v1;
	v0 =	vadd.f32 v62, v0;
	v49 =	vmax.f32 v63, v60;
	v62 =	vpop (erf)  }
0x136: {  	v17 =	vadd.f32 v22, v17;
	v63 =	vld [tilespmem:$0x1FF70];
	v2 =	vsub.f32 v43, v49;
	v1 =	vsel vm0, $0x0, v62  }
0x137: {  	v56 =	vmax.f32 v56, v49;
	vm0 =	veq.s32 v34, $0x4;
	v0 =	vadd.f32 v0, v1  }
0x138: {  	v53 =	vmax.f32 v53, v49;
	v60 =	vnsel vm0, $0x0, v16;
	vm0 =	veq.f32 v29, v28  }
0x139: {  	v1 =	vsel vm0, $0x3, v61;
	vm0 =	veq.s32 v34, $0x5;
	(erf) = vrcp.f32 v0  }
0x13a: {  	v0 =	vsub.f32 v42, v49;
	v61 =	vnsel vm0, $0x0, v16;
	vm0 =	veq.f32 v27, v28;
	v27 =	vld [tilespmem:$0x1FF80]  }
0x13b: {  	v2 =	vmul.f32 $1.442695020e+00, v2;
	v62 =	vld [tilespmem:$0x1FF90];
	vm1 =	vnez.u8 v63;
	v63 =	vsub.f32 v41, v49  }
0x13c: {  	v41 =	vsub.f32 v49, v41;
	v29 =	vnsel vm1, $0x0, v4;
	v0 =	vmul.f32 $1.442695020e+00, v0  }
0x13d: {  	v42 =	vsub.f32 v49, v42;
	(erf) = vpow2.f32 v2;
	v1 =	vsel vm0, $0x2, v1  }
0x13e: {  	vm0 =	veq.s32 v34, $0x6;
	v34 =	vmul.f32 $1.999999960e-02, v56;
	(erf) = vpow2.f32 v0  }
0x13f: {  	v0 =	vmul.f32 $1.442695020e+00, v63;
	vm1 =	vnez.u8 v27;
	v27 =	vnsel vm0, $0x0, v16  }
0x140: {  	vm0 =	vnez.u8 v62;
	v62 =	vmax.f32 v58, v49;
	v58 =	vmax.f32 v57, v49  }
0x141: {  	v2 =	vnsel vm1, $0x0, v4;
	vm1 =	veq.f32 v26, v28;
	v4 =	vnsel vm0, $0x0, v4  }
0x142: {  	vm0 =	vne.f32 v25, v28;
	v25 =	vnsel vm2, $0x0, v16;
	v26 =	vnsel vm13, $0x0, v8  }
0x143: {  	v28 =	vsub.f32 v49, v43;
	(erf) = vpow2.f32 v0;
	v0 =	vsub.f32 v40, v49  }
0x144: {  	v43 =	vmul.f32 $1.999999960e-02, v62;
	v62 =	vsub.f32 v39, v49;
	v40 =	vsub.f32 v49, v40  }
0x145: {  	v39 =	vsub.f32 v49, v39;
	v1 =	vsel vm1, $0x1, v1;
	vm13 =	vmand vm0, vm1  }
0x146: {  	v2 =	vadd.f32 v27, v2;
	v4 =	vadd.f32 v25, v4;
	v16 =	vnsel vm0, $0x0, v1  }
0x147: {  	v1 =	vsel vm0, $0x0, v31;
	v0 =	vmul.f32 $1.442695020e+00, v0;
	vm0 =	vgt.f32 v28, v34;
	v3 =	vpop (erf)  }
0x148: {  	vm1 =	vgt.f32 v42, v43;
	v42 =	vmul.f32 $1.999999960e-02, v58;
	v43 =	vnsel vm14, $0x0, v8;
	v63 =	vpop (erf)  }
0x149: {  	vm0 =	vmor vm4, vm0;
	v56 =	vadd.f32 $0.0e+00, v63;
	v63 =	vmul.f32 $1.442695020e+00, v62  }
0x14a: {  	v1 =	vadd.f32 v1, v26;
	(erf) = vpow2.f32 v0;
	v62 =	vsub.f32 v38, v49  }
0x14b: {  	vm14 =	vgt.f32 v41, v42;
	v42 =	vnsel vm13, $0x0, v31;
	(erf) = vpow2.f32 v63  }
0x14c: {  	v28 =	vmul.f32 $1.442695020e+00, v62;
	v63 =	vmul.f32 $1.999999960e-02, v53;
	v53 =	vsub.f32 v32, v49  }
0x14d: {  	v38 =	vsub.f32 v49, v38;
	v34 =	vsel vm0, $0x0, v56;
	vm0 =	vmor vm3, vm1  }
0x14e: {  	v56 =	vpop (erf);
	(erf) = vpow2.f32 v28;
	v28 =	vmul.f32 $1.442695020e+00, v53;
	v53 =	vnsel vm11, $0x0, v8  }
0x14f: {  	v0 =	vsel vm0, $0x0, v56;
	vm0 =	vmor vm5, vm14;
	vm14 =	vgt.f32 v40, v63  }
0x150: {  	v56 =	vmax.f32 v59, v49;
	v59 =	vmax.f32 v55, v49;
	v63 =	vsub.f32 v30, v49  }
0x151: {  	v57 =	vpop (erf);
	v55 =	vadd.f32 v21, v19;
	v21 =	vadd.f32 v35, v33;
	v40 =	vmul.f32 $1.999999960e-02, v56  }
0x152: {  	v41 =	vsel vm0, $0x0, v57;
	v0 =	vadd.f32 v0, v34;
	v34 =	vmax.f32 v54, v49  }
0x153: {  	vm13 =	vmor vm15, vm14;
	(erf) = vpow2.f32 v28;
	v14 =	vmul.f32 $1.999999960e-02, v34  }
0x154: {  	vm14 =	vgt.f32 v39, v40;
	v58 =	vpop (erf);
	v40 =	vmul.f32 $1.999999960e-02, v59;
	v0 =	vadd.f32 v0, v41  }
0x155: {  	v59 =	vld [tilespmem:$0x1FFC0];
	vm1 =	vmor vm12, vm14;
	v39 =	vsel vm13, $0x0, v58;
	vm13 =	veq.s32 v16, $0x2;
	v62 =	vpop (erf)  }
0x156: {  	v57 =	vld [tilespmem:$0x1FFA0];
	vm11 =	vgt.f32 v38, v40;
	v28 =	vsel vm1, $0x0, v62;
	v62 =	vmul.f32 $1.442695020e+00, v63  }
0x157: {  	v58 =	vld [tilespmem:$0x1FFB0];
	v40 =	vsub.f32 v49, v32;
	v54 =	vnsel vm13, $0x0, v31;
	v0 =	vadd.f32 v0, v39  }
0x158: {  	vm13 =	veq.s32 v16, $0x4;
	v32 =	vadd.f32 v42, v43;
	(erf) = vpow2.f32 v62  }
0x159: {  	v43 =	vnsel vm4, $0x0, v3;
	vm0 =	vmor vm9, vm11;
	v9 =	vadd.f32 v54, v53  }
0x15a: {  	[tilespmem:$0x500] =	vst v10;
	v54 =	vnsel vm12, $0x0, v3;
	vm14 =	vgt.f32 v40, v14;
	v7 =	vadd.f32 v7, v59  }
0x15b: {  	[tilespmem:$0x580] =	vst v11;
	v63 =	vpop (erf);
	v0 =	vadd.f32 v0, v28;
	v59 =	vnsel vm10, $0x0, v8;
	vm10 =	veq.s32 v16, $0x3  }
0x15c: {  	[tilespmem:$0x600] =	vst v13;
	v38 =	vadd.f32 v58, v57;
	v12 =	vsel vm0, $0x0, v63;
	vm0 =	vmor vm7, vm14  }
0x15d: {  	[tilespmem:$0x680] =	vst v6;
	v33 =	vld [tilespmem:$0x1FFD0];
	v57 =	vadd.f32 v23, v20;
	v58 =	vadd.f32 v36, v24;
	v62 =	vmax.f32 v52, v49  }
0x15e: {  	[tilespmem:$0x700] =	vst v5;
	v63 =	vsub.f32 v49, v30;
	v23 =	vadd.f32 v60, v37;
	v20 =	vmul.f32 $1.999999960e-02, v62  }
0x15f: {  	[tilespmem:$0x410] =	vst v17;
	v22 =	vnsel vm10, $0x0, v31;
	v24 =	vadd.f32 v61, v29;
	v56 =	vpop (erf);
	v0 =	vadd.f32 v0, v12  }
0x160: {  	[tilespmem:$0x710] =	vst v2;
	v29 =	vnsel vm8, $0x0, v8;
	v15 =	vsel vm0, $0x0, v56;
	vm11 =	vgt.f32 v63, v20  }
0x161: {  	[tilespmem:$0x790] =	vst v4;
	v30 =	vnsel vm13, $0x0, v31;
	v0 =	vadd.f32 v0, v15;
	vm0 =	vmor vm6, vm11;
	v28 =	vpop (erf)  }
0x162: {  	[tilespmem:$0x420] =	vst v1;
	vm14 =	vnez.u8 v33;
	vm8 =	veq.s32 v16, $0x5;
	v6 =	vsel vm0, $0x0, v28  }
0x163: {  	[tilespmem:$0x780] =	vst v55;
	vm10 =	veq.s32 v16, $0x6;
	vm13 =	veq.f32 v51, v49;
	v0 =	vadd.f32 v0, v6  }
0x164: {  	v35 =	vld [tilespmem:$0x1FFE0];
	v51 =	vnsel vm15, $0x0, v3;
	v60 =	vnsel vm7, $0x0, v3;
	[tilespmem:$0x480] =	vst v7;
	v7 =	vadd.f32 v22, v59  }
0x165: {  	[tilespmem:$0x590] =	vst v21;
	v34 =	vnsel vm8, $0x0, v31;
	v5 =	vadd.f32 v30, v29;
	(erf) = vrcp.f32 v0  }
0x166: {  	[tilespmem:$0x4A0] =	vst v32;
	v37 =	vld [tilespmem:$0x1FFF0];
	v36 =	vnsel vm10, $0x0, v31;
	vm8 =	veq.f32 v50, v49;
	vm10 =	veq.s32 v16, $0x7  }
0x167: {  	[tilespmem:$0x400] =	vst v38;
	v38 =	vimm.s32 $0x7;
	v40 =	vnsel vm10, $0x0, v31;
	vm10 =	vne.f32 v44, v49  }
0x168: {  	[tilespmem:$0x520] =	vst v9;
	v56 =	vnsel vm9, $0x0, v3;
	v10 =	vsel vm13, $0x6, v38;
	vm13 =	veq.f32 v47, v49  }
0x169: {  	[tilespmem:$0x490] =	vst v57;
	vm11 =	vnez.u8 v35;
	v39 =	vsel vm8, $0x5, v10;
	vm8 =	veq.f32 v45, v49  }
0x16a: {  	[tilespmem:$0x510] =	vst v58;
	v45 =	vnsel vm3, $0x0, v3;
	v6 =	vnsel vm11, $0x0, v8;
	vm11 =	veq.f32 v48, v49  }
0x16b: {  	[tilespmem:$0x610] =	vst v23;
	v2 =	vsel vm11, $0x4, v39;
	v0 =	vnsel vm14, $0x0, v8;
	vm14 =	vnez.u8 v37  }
0x16c: {  	[tilespmem:$0x690] =	vst v24;
	v2 =	vsel vm13, $0x3, v2;
	v8 =	vnsel vm14, $0x0, v8;
	vm14 =	veq.f32 v46, v49  }
0x16d: {  	[tilespmem:$0x5A0] =	vst v7;
	vm0 =	vmand vm10, vm8;
	v6 =	vadd.f32 v36, v6;
	v2 =	vsel vm14, $0x2, v2  }
0x16e: {  	[tilespmem:$0x620] =	vst v5;
	v0 =	vadd.f32 v34, v0;
	v49 =	vnsel vm5, $0x0, v3;
	v2 =	vsel vm8, $0x1, v2;
	v42 =	vpop (erf)  }
0x16f: {  	[tilespmem:$0x720] =	vst v6;
	v41 =	vadd.f32 v40, v8;
	v2 =	vnsel vm10, $0x0, v2;
	v44 =	vsel vm10, $0x0, v42  }
0x170: {  	[tilespmem:$0x6A0] =	vst v0;
	vm11 =	veq.s32 v2, $0x2;
	v46 =	vnsel vm0, $0x0, v42;
	v47 =	vadd.f32 v44, v43  }
0x171: {  	[tilespmem:$0x7A0] =	vst v41;
	vm1 =	veq.s32 v2, $0x3;
	v50 =	vnsel vm11, $0x0, v42;
	v48 =	vadd.f32 v46, v45  }
0x172: {  	vm12 =	veq.s32 v2, $0x4;
	v52 =	vnsel vm1, $0x0, v42;
	v0 =	vadd.f32 v50, v49;
	[tilespmem:$0x430] =	vst v47  }
0x173: {  	vm13 =	veq.s32 v2, $0x5;
	v55 =	vnsel vm12, $0x0, v42;
	v53 =	vadd.f32 v52, v51;
	[tilespmem:$0x4B0] =	vst v48  }
0x174: {  	vm14 =	veq.s32 v2, $0x6;
	v57 =	vnsel vm13, $0x0, v42;
	v58 =	vadd.f32 v55, v54;
	[tilespmem:$0x530] =	vst v0  }
0x175: {  	vm15 =	veq.s32 v2, $0x7;
	v61 =	vnsel vm14, $0x0, v42;
	v59 =	vadd.f32 v57, v56;
	[tilespmem:$0x5B0] =	vst v53  }
0x176: {  	v63 =	vnsel vm6, $0x0, v3;
	v2 =	vnsel vm15, $0x0, v42;
	v62 =	vadd.f32 v61, v60;
	[tilespmem:$0x630] =	vst v58  }
0x177: {  	v1 =	vadd.f32 v2, v63;
	[tilespmem:$0x6B0] =	vst v59  }
0x178: {  	p0 =	sne.s32 s4, $0x1;
	[tilespmem:$0x730] =	vst v62  }
.Ltmp1:
0x179: {  	[tilespmem:$0x7B0] =	vst v1;
	(pc) =	sbr.rel @p0 .LBB2_2-.Ltmp1, $4  }
0x17a: {  	[hbm4b:s3+s5] =	stream.linear.scatter [tilespmem:s7], [sflag:$0x1], $0x400, $0x38;
	[tilespmem:$0x800] =	vst v63  }
0x17b: {  	_ =	swait.ge [sflag:s6], $0x400  }
0x17c: {  	[sflag:s6] =	ssyncset.done $0x0  }
0x17d: {  	s4 =	sadd.s32 $0xFFFFFFFF, s4;
	[sflag:s6] =	ssyncadd.s32 $0xFFFFFC00  }
.LBB2_3:
0x17e: {  	_ =	sfence.sel $0x180000  }
0x17f: {  	[bflag:$0x0] =	sbarrier.arrive $0xFFFF  }
0x180: {  	p0 =	sne.s32 s0, $0x0;
	_ =	strace $0x90000047  }
0x181: {  	s0 =	sadd.s32 @!p0 $0x100000, s1;
	[bflag:$0x2] =	sbarrier.arrive $0xFFFF  }
0x182: {  	[sflag:s0] =	ssyncadd.tile.s32 @!p0 $0x1;
	_ =	shalt  }
.Lfunc_end2:
_tile_overlayer_lowered:
.L_overlay_start_2:
0x183: {  	(tag) =	ssettag $0x2  }
0x184: {  	s0 =	rddreg [dreg:$0x0];
	s2 =	stileid.u32  }
0x185: {  	s1 =	rddreg [dreg:$0x1];
	p0 =	sne.s32 s2, $0x0  }
0x186: {  	s3 =	rddreg [dreg:$0x2];
	[bflag:$0x3] =	sbarrier.arrive $0xFFFF;
	s2 =	simm.s32 @!p0 $0x1C01  }
0x187: {  	[timem:s3], [sflag:s2] =	dma.local @!p0 [hbm:s0], s1  }
0x188: {  	s0 =	simm.s32 @!p0 $0x1  }
0x189: {  	_ =	swait.ge @!p0 [sflag:s0], s1  }
0x18a: {  	s1 =	ssub.s32 @!p0 $0x0, s1;
	[sflag:s0] =	ssyncset.done @!p0 $0x0  }
0x18b: {  	[sflag:s0] =	ssyncadd.s32 @!p0 s1  }
0x18c: {  	[bflag:$0x3] =	sbarrier.arrive $0xFFFF  }
0x18d: {  	_ =	shalt  }

</sc_bundles>
